<compile_context>
chip_gen: v7x
topology: tpu7x:2x2x1
jax: 0.10.2.dev20260603
libtpu: 0.0.44.dev20260713+nightly
codegen_flags: <defaults>
</compile_context>

<pallas_src>
import functools

import jax
import jax.numpy as jnp
from jax import lax
from jax.experimental import pallas as pl
from jax.experimental.pallas import tpu as pltpu
from jax.experimental.pallas import tpu_sc as plsc

N = 32 * 512 * 512
ROWS, COLS = 16384, 512
BLK_ROWS = 1024
M = 1024
NC, NS, LANES = 2, 16, 16
NW = NC * NS
TILE_ROWS = ROWS // NW
CHUNK_ROWS = 32
NCHUNK = TILE_ROWS // CHUNK_ROWS
VECS = CHUNK_ROWS * COLS // LANES


def _stats_body(x_ref, y_ref, pk_ref, bce_ref, pos_ref, emax_ref):
    i = pl.program_id(0)
    x = x_ref[...]
    y = y_ref[...]
    softplus_negx = jnp.maximum(-x, 0.0) + jnp.log(1.0 + jnp.exp(-jnp.abs(x)))
    bce_blk = jnp.sum(softplus_negx + (1.0 - y) * x)
    pos_blk = jnp.sum(y)
    e = 1.0 - x * (2.0 * y - 1.0)
    emax_blk = jnp.max(e)
    ebits = lax.bitcast_convert_type(e, jnp.uint32)
    packed = (ebits & jnp.uint32(0xFFFFFFFE)) | y.astype(jnp.uint32)
    pk_ref[...] = lax.bitcast_convert_type(packed, jnp.float32)

    @pl.when(i == 0)
    def _():
        bce_ref[0, 0] = bce_blk
        pos_ref[0, 0] = pos_blk
        emax_ref[0, 0] = emax_blk

    @pl.when(i != 0)
    def _():
        bce_ref[0, 0] += bce_blk
        pos_ref[0, 0] += pos_blk
        emax_ref[0, 0] = jnp.maximum(emax_ref[0, 0], emax_blk)


def _hist_body(err_hbm, invw_hbm, out_hbm, ebuf, tbl, ivw, esem):
    wid = lax.axis_index("s") * NC + lax.axis_index("c")
    base = wid * TILE_ROWS
    pltpu.sync_copy(invw_hbm, ivw)

    zeros16 = jnp.zeros((LANES,), jnp.float32)

    def _zrow(r, carry):
        tbl[pl.ds(r * LANES, LANES)] = zeros16
        return carry

    lax.fori_loop(0, 4 * M, _zrow, 0)

    lane = lax.iota(jnp.int32, LANES)
    ones = jnp.ones((LANES,), jnp.float32)
    invw = ivw[...]

    def _start(ci, buf):
        row0 = base + ci * CHUNK_ROWS
        pltpu.make_async_copy(
            err_hbm.at[pl.ds(row0, CHUNK_ROWS), :], ebuf.at[buf],
            esem.at[buf]).start()

    def _wait(ci, buf):
        row0 = base + ci * CHUNK_ROWS
        pltpu.make_async_copy(
            err_hbm.at[pl.ds(row0, CHUNK_ROWS), :], ebuf.at[buf],
            esem.at[buf]).wait()

    _start(0, 0)

    def _chunk(ci, carry):
        cur = lax.bitwise_and(ci, 1)
        _wait(ci, cur)

        @pl.when(ci + 1 < NCHUNK)
        def _():
            _start(ci + 1, 1 - cur)

        @plsc.parallel_loop(0, CHUNK_ROWS, unroll=4)
        def _row(r):
            for cg in range(COLS // LANES):
                raw = ebuf[cur, r, pl.ds(cg * LANES, LANES)]
                bits = lax.bitcast_convert_type(raw, jnp.uint32)
                cls = (bits & jnp.uint32(1)).astype(jnp.int32)
                ev = lax.bitcast_convert_type(
                    bits & jnp.uint32(0xFFFFFFFE), jnp.float32)
                tpos = ev * invw
                j = jnp.clip(tpos.astype(jnp.int32), 0, M - 1)
                frac = tpos - j.astype(jnp.float32)
                mall = ev > 0.0
                idx = j * LANES + lane + cls * (2 * M * LANES)
                plsc.addupdate_scatter(tbl, [idx], ones, mask=mall)
                plsc.addupdate_scatter(tbl, [idx + (M * LANES)], frac, mask=mall)

        return carry

    lax.fori_loop(0, NCHUNK, _chunk, 0)
    pltpu.sync_copy(tbl, out_hbm.at[pl.ds(wid * (4 * M * LANES), 4 * M * LANES)])


def _combine_body(h_ref, bce_ref, pos_ref, emax_ref, out_ref):
    h = h_ref[...]
    hs = jnp.sum(h, axis=1)
    c = hs[0:1, :]
    s = hs[1:2, :]
    m = c + hs[2:3, :]
    S = s + hs[3:4, :]
    P = pos_ref[0, 0]
    emax = emax_ref[0, 0]
    w = jnp.maximum(emax, 1e-30) * (1.0 / M)

    row = lax.broadcasted_iota(jnp.int32, (M, M), 0)
    col = lax.broadcasted_iota(jnp.int32, (M, M), 1)
    V0 = (row >= col).astype(jnp.float32)
    V1 = (row > col).astype(jnp.float32)
    VL = (row < col).astype(jnp.float32)
    dot = functools.partial(lax.dot, precision=lax.Precision.HIGHEST)

    D0 = P + dot(c, V0)
    D1 = P + dot(c, V1)
    ybar = s / jnp.maximum(c, 1.0)
    dF = w * ((1.0 - ybar) / jnp.maximum(D1, 1.0) + ybar / jnp.maximum(D0, 1.0))
    F = dot(dF, VL)
    lov = jnp.sum(m * F + S * dF)
    out_ref[0, 0] = bce_ref[0, 0] * (1.0 / N) + lov


def kernel(logits, targets):
    x2 = logits.reshape(ROWS, COLS)
    y2 = targets.reshape(ROWS, COLS)

    packed, bce, pos, emax = pl.pallas_call(
        _stats_body,
        grid=(ROWS // BLK_ROWS,),
        in_specs=[
            pl.BlockSpec((BLK_ROWS, COLS), lambda i: (i, 0)),
            pl.BlockSpec((BLK_ROWS, COLS), lambda i: (i, 0)),
        ],
        out_specs=[
            pl.BlockSpec((BLK_ROWS, COLS), lambda i: (i, 0)),
            pl.BlockSpec((1, 1), lambda i: (0, 0), memory_space=pltpu.SMEM),
            pl.BlockSpec((1, 1), lambda i: (0, 0), memory_space=pltpu.SMEM),
            pl.BlockSpec((1, 1), lambda i: (0, 0), memory_space=pltpu.SMEM),
        ],
        out_shape=[
            jax.ShapeDtypeStruct((ROWS, COLS), jnp.float32),
            jax.ShapeDtypeStruct((1, 1), jnp.float32),
            jax.ShapeDtypeStruct((1, 1), jnp.float32),
            jax.ShapeDtypeStruct((1, 1), jnp.float32),
        ],
        compiler_params=pltpu.CompilerParams(
            dimension_semantics=("arbitrary",)),
    )(x2, y2)

    invw = jnp.float32(M) / jnp.maximum(emax[0, 0], jnp.float32(1e-30))
    invw_vec = jnp.full((LANES,), invw, jnp.float32)

    hist = pl.kernel(
        _hist_body,
        out_type=jax.ShapeDtypeStruct((NW * 4 * M * LANES,), jnp.float32),
        mesh=plsc.VectorSubcoreMesh(core_axis_name="c", subcore_axis_name="s"),
        scratch_types=[
            pltpu.VMEM((2, CHUNK_ROWS, COLS), jnp.float32),
            pltpu.VMEM((4 * M * LANES,), jnp.float32),
            pltpu.VMEM((LANES,), jnp.float32),
            pltpu.SemaphoreType.DMA((2,)),
        ],
        compiler_params=pltpu.CompilerParams(
            needs_layout_passes=False, use_tc_tiling_on_sc=True),
    )(packed, invw_vec)
    hist = hist.reshape(NW, 4, M, LANES).transpose(1, 0, 3, 2)
    hist = hist.reshape(4, NW * LANES, M)

    out = pl.pallas_call(
        _combine_body,
        in_specs=[
            pl.BlockSpec(memory_space=pltpu.VMEM),
            pl.BlockSpec(memory_space=pltpu.SMEM),
            pl.BlockSpec(memory_space=pltpu.SMEM),
            pl.BlockSpec(memory_space=pltpu.SMEM),
        ],
        out_specs=pl.BlockSpec(memory_space=pltpu.SMEM),
        out_shape=jax.ShapeDtypeStruct((1, 1), jnp.float32),
    )(hist, bce, pos, emax)
    return out[0, 0]

# --- scband reference (transcript-rebuilt; emitter-appended) ---
"""Pipeline reference for scband-bcelovasz-loss-88510686036143 (READ-ONLY COPY).

The authoritative reference and input builder live on the scoring server;
editing this copy changes nothing except your own understanding.
"""

import jax, jax.numpy as jnp
import numpy as np

POS_WEIGHT = 1.0
LOVASZ_WEIGHT = 1.0


def setup_inputs(seed: int = 0) -> dict:
    key = jax.random.key(seed)
    k1, k2 = jax.random.split(key)
    logits = jax.random.normal(k1, (32, 1, 512, 512), dtype=jnp.float32)
    # binary targets in {0,1}, cast to float32 as required by BCE-with-logits
    targets = jax.random.randint(k2, (32, 1, 512, 512), 0, 2).astype(jnp.float32)
    return {"logits": logits, "targets": targets}


def _bce_with_logits_mean(x, y, pos_weight):
    # numerically stable: log(sigmoid(x)) = -softplus(-x); log(1-sigmoid(x)) = -x - softplus(-x)
    log_sig = -jax.nn.softplus(-x)
    log_one_minus_sig = -x - jax.nn.softplus(-x)
    loss = -(pos_weight * y * log_sig + (1.0 - y) * log_one_minus_sig)
    return jnp.mean(loss)


def _lovasz_grad(gt_sorted):
    gts = gt_sorted.sum()
    intersection = gts - jnp.cumsum(gt_sorted, axis=0)
    union = gts + jnp.cumsum(1.0 - gt_sorted, axis=0)
    jaccard = 1.0 - intersection / union
    # jaccard[1:] = jaccard[1:] - jaccard[:-1]
    jaccard = jnp.concatenate([jaccard[:1], jaccard[1:] - jaccard[:-1]], axis=0)
    return jaccard


def _lovasz_hinge_flat(logits, targets):
    signs = 2.0 * targets - 1.0
    errors = 1.0 - logits * signs
    # descending sort of errors with permutation
    perm = jnp.argsort(-errors)
    errors_sorted = errors[perm]
    targets_sorted = targets[perm]
    grad = _lovasz_grad(targets_sorted)
    return jnp.dot(jax.nn.relu(errors_sorted), grad)


def reference(logits, targets):
    bce_loss = _bce_with_logits_mean(logits, targets, POS_WEIGHT)
    # flatten_binary_scores: targets are all in {0,1}, so the (labels != -1)
    # validity mask keeps every element; plain flatten is exactly equivalent.
    logits_flat = logits.reshape(-1)
    targets_flat = targets.reshape(-1)
    lovasz_loss = _lovasz_hinge_flat(logits_flat, targets_flat)
    return bce_loss + LOVASZ_WEIGHT * lovasz_loss

if __name__ == "__main__":
    import jax
    _d = setup_inputs()
    print(jax.jit(kernel)(*tuple(_d.values())))

</pallas_src>

<mosaic_0001>
#map = affine_map<(d0, d1) -> (0, 0)>
#map1 = affine_map<(d0, d1) -> (0)>
module attributes {stable_mosaic.version = 14 : i64} {
  func.func @_hist_body(%arg0: i32, %arg1: i32, %arg2: memref<16384x512xf32, #tpu.memory_space<hbm>>, %arg3: memref<16xf32, #tpu.memory_space<hbm>>, %arg4: memref<2097152xf32, #tpu.memory_space<hbm>>, %arg5: memref<2x32x512xf32, #tpu.memory_space<vmem>>, %arg6: memref<65536xf32, #tpu.memory_space<vmem>>, %arg7: memref<16xf32, #tpu.memory_space<vmem>>, %arg8: memref<2x!tpu.dma_semaphore, #tpu.memory_space<semaphore_mem>>) attributes {dimension_semantics = [#tpu.dimension_semantics<core_parallel>, #tpu.dimension_semantics<subcore_parallel>], iteration_bounds = array<i64: 2, 16>, scalar_prefetch = 0 : i64, scratch_operands = 4 : i64, tpu.core_type = #tpu.core_type<sc_vector_subcore>, window_params = [{transform_indices = #map}, {transform_indices = #map1}, {transform_indices = #map1}]} {
    %mul3A = arith.constant 2 : i32
    %mul3A_0 = arith.muli %arg1, %mul3A : i32
    %add3A = arith.addi %mul3A_0, %arg0 : i32
    %mul3A_1 = arith.constant 512 : i32
    %mul3A_2 = arith.muli %add3A, %mul3A_1 : i32
    "tpu.region"() ({
      %run_scoped3A = tpu.sem_alloc : memref<!tpu.dma_semaphore, #tpu.memory_space<semaphore_mem>>
      tpu.enqueue_dma source(%arg3 : memref<16xf32, #tpu.memory_space<hbm>>) target(%arg7 : memref<16xf32, #tpu.memory_space<vmem>>) target_semaphore(%run_scoped3A : memref<!tpu.dma_semaphore, #tpu.memory_space<semaphore_mem>>)
      tpu.wait_dma2 semaphore(%run_scoped3A : memref<!tpu.dma_semaphore, #tpu.memory_space<semaphore_mem>>) src(%arg3 : memref<16xf32, #tpu.memory_space<hbm>>) dst(%arg7 : memref<16xf32, #tpu.memory_space<vmem>>)
      tpu.yield
    }) : () -> ()
    %broadcast_in_dim3A = arith.constant 0.000000e+00 : f32
    %broadcast_in_dim3A_3 = vector.broadcast %broadcast_in_dim3A : f32 to vector<16xf32>
    %scan3A = arith.constant 0 : i32
    %scan3A_4 = arith.constant 0 : i32
    %scan3A_5 = arith.constant 4096 : i32
    %scan3A_6 = arith.addi %scan3A_4, %scan3A_5 : i32
    %scan3A_7 = arith.constant 1 : i32
    scf.for %scan3A_37 = %scan3A_4 to %scan3A_6 step %scan3A_7  : i32 {
      %mul3A_38 = arith.constant 16 : i32
      %mul3A_39 = arith.muli %scan3A_37, %mul3A_38 : i32
      %swap3A = arith.index_cast %mul3A_39 : i32 to index
      %swap3A_40 = tpu.vector_load %arg6[%swap3A] {strides = array<i32>} : memref<65536xf32, #tpu.memory_space<vmem>>, vector<16xf32>,
      tpu.vector_store %arg6[%swap3A], %broadcast_in_dim3A_3 {strides = array<i32>} : memref<65536xf32, #tpu.memory_space<vmem>>, vector<16xf32>,
    }
    %scan3A_8 = arith.constant 4096 : i32
    %iota3A = tpu.iota {dimensions = array<i32: 0>} : vector<16xi32>
    %broadcast_in_dim3A_9 = arith.constant 1.000000e+00 : f32
    %broadcast_in_dim3A_10 = vector.broadcast %broadcast_in_dim3A_9 : f32 to vector<16xf32>
    %get3A = arith.constant 0 : index
    %get3A_11 = tpu.vector_load %arg7[%get3A] {strides = array<i32>} : memref<16xf32, #tpu.memory_space<vmem>>, vector<16xf32>,
    %add3A_12 = arith.constant 0 : i32
    %add3A_13 = arith.addi %mul3A_2, %add3A_12 : i32
    %dma_start3A = arith.constant 0 : i32
    %dma_start3A_14 = arith.constant 0 : i32
    %dma_start3A_15 = arith.constant 0 : i32
    %dma_start3A_16 = arith.constant 0 : i32
    %dma_start3A_17 = tpu.memref_slice %arg5[%dma_start3A, %dma_start3A_15, %dma_start3A_16] : memref<2x32x512xf32, #tpu.memory_space<vmem>> -> memref<1x32x512xf32, #tpu.memory_space<vmem>>
    %dma_start3A_18 = tpu.memref_squeeze %dma_start3A_17 : memref<1x32x512xf32, #tpu.memory_space<vmem>> -> memref<32x512xf32, #tpu.memory_space<vmem>>
    %dma_start3A_19 = arith.constant 0 : i32
    %dma_start3A_20 = tpu.memref_slice %arg2[%add3A_13, %dma_start3A_19] : memref<16384x512xf32, #tpu.memory_space<hbm>> -> memref<32x512xf32, #tpu.memory_space<hbm>>
    %dma_start3A_21 = tpu.memref_slice %arg8[%dma_start3A_14] : memref<2x!tpu.dma_semaphore, #tpu.memory_space<semaphore_mem>> -> memref<1x!tpu.dma_semaphore, #tpu.memory_space<semaphore_mem>>
    %dma_start3A_22 = tpu.memref_squeeze %dma_start3A_21 : memref<1x!tpu.dma_semaphore, #tpu.memory_space<semaphore_mem>> -> memref<!tpu.dma_semaphore, #tpu.memory_space<semaphore_mem>>
    %dma_start3A_23 = arith.constant 0 : i32
    %dma_start3A_24 = arith.constant 0 : i32
    %dma_start3A_25 = tpu.memref_slice %arg5[%dma_start3A, %dma_start3A_23, %dma_start3A_24] : memref<2x32x512xf32, #tpu.memory_space<vmem>> -> memref<1x32x512xf32, #tpu.memory_space<vmem>>
    %dma_start3A_26 = tpu.memref_squeeze %dma_start3A_25 : memref<1x32x512xf32, #tpu.memory_space<vmem>> -> memref<32x512xf32, #tpu.memory_space<vmem>>
    %dma_start3A_27 = arith.constant 0 : i32
    %dma_start3A_28 = tpu.memref_slice %arg2[%add3A_13, %dma_start3A_27] : memref<16384x512xf32, #tpu.memory_space<hbm>> -> memref<32x512xf32, #tpu.memory_space<hbm>>
    tpu.enqueue_dma source(%dma_start3A_28 : memref<32x512xf32, #tpu.memory_space<hbm>>) target(%dma_start3A_26 : memref<32x512xf32, #tpu.memory_space<vmem>>) target_semaphore(%dma_start3A_22 : memref<!tpu.dma_semaphore, #tpu.memory_space<semaphore_mem>>)
    %scan3A_29 = arith.constant 0 : i32
    %scan3A_30 = arith.constant 0 : i32
    %scan3A_31 = arith.constant 16 : i32
    %scan3A_32 = arith.addi %scan3A_30, %scan3A_31 : i32
    %scan3A_33 = arith.constant 1 : i32
    scf.for %scan3A_37 = %scan3A_30 to %scan3A_32 step %scan3A_33  : i32 {
      %and3A = arith.constant 1 : i32
      %and3A_38 = arith.andi %scan3A_37, %and3A : i32
      %mul3A_39 = arith.constant 32 : i32
      %mul3A_40 = arith.muli %scan3A_37, %mul3A_39 : i32
      %add3A_41 = arith.addi %mul3A_2, %mul3A_40 : i32
      %dma_wait3A = arith.constant 0 : i32
      %dma_wait3A_42 = arith.constant 0 : i32
      %dma_wait3A_43 = tpu.memref_slice %arg5[%and3A_38, %dma_wait3A, %dma_wait3A_42] : memref<2x32x512xf32, #tpu.memory_space<vmem>> -> memref<1x32x512xf32, #tpu.memory_space<vmem>>
      %dma_wait3A_44 = tpu.memref_squeeze %dma_wait3A_43 : memref<1x32x512xf32, #tpu.memory_space<vmem>> -> memref<32x512xf32, #tpu.memory_space<vmem>>
      %dma_wait3A_45 = arith.constant 0 : i32
      %dma_wait3A_46 = tpu.memref_slice %arg2[%add3A_41, %dma_wait3A_45] : memref<16384x512xf32, #tpu.memory_space<hbm>> -> memref<32x512xf32, #tpu.memory_space<hbm>>
      %dma_wait3A_47 = tpu.memref_slice %arg8[%and3A_38] : memref<2x!tpu.dma_semaphore, #tpu.memory_space<semaphore_mem>> -> memref<1x!tpu.dma_semaphore, #tpu.memory_space<semaphore_mem>>
      %dma_wait3A_48 = tpu.memref_squeeze %dma_wait3A_47 : memref<1x!tpu.dma_semaphore, #tpu.memory_space<semaphore_mem>> -> memref<!tpu.dma_semaphore, #tpu.memory_space<semaphore_mem>>
      %dma_wait3A_49 = arith.constant 0 : i32
      %dma_wait3A_50 = arith.constant 0 : i32
      %dma_wait3A_51 = tpu.memref_slice %arg5[%and3A_38, %dma_wait3A_49, %dma_wait3A_50] : memref<2x32x512xf32, #tpu.memory_space<vmem>> -> memref<1x32x512xf32, #tpu.memory_space<vmem>>
      %dma_wait3A_52 = tpu.memref_squeeze %dma_wait3A_51 : memref<1x32x512xf32, #tpu.memory_space<vmem>> -> memref<32x512xf32, #tpu.memory_space<vmem>>
      %dma_wait3A_53 = arith.constant 0 : i32
      %dma_wait3A_54 = tpu.memref_slice %arg2[%add3A_41, %dma_wait3A_53] : memref<16384x512xf32, #tpu.memory_space<hbm>> -> memref<32x512xf32, #tpu.memory_space<hbm>>
      tpu.wait_dma2 semaphore(%dma_wait3A_48 : memref<!tpu.dma_semaphore, #tpu.memory_space<semaphore_mem>>) src(%dma_wait3A_54 : memref<32x512xf32, #tpu.memory_space<hbm>>) dst(%dma_wait3A_52 : memref<32x512xf32, #tpu.memory_space<vmem>>)
      %add3A_55 = arith.constant 1 : i32
      %add3A_56 = arith.addi %scan3A_37, %add3A_55 : i32
      %lt3A = arith.constant 16 : i32
      %lt3A_57 = arith.cmpi slt, %add3A_56, %lt3A : i32
      %convert_element_type3A = arith.extui %lt3A_57 : i1 to i32
      %cond3A = arith.constant 0 : i32
      %cond3A_58 = arith.cmpi ne, %convert_element_type3A, %cond3A : i32
      scf.if %cond3A_58 {
        %add3A_61 = arith.constant 1 : i32
        %add3A_62 = arith.addi %scan3A_37, %add3A_61 : i32
        %sub3A = arith.constant 1 : i32
        %sub3A_63 = arith.subi %sub3A, %and3A_38 : i32
        %mul3A_64 = arith.constant 32 : i32
        %mul3A_65 = arith.muli %add3A_62, %mul3A_64 : i32
        %add3A_66 = arith.addi %mul3A_2, %mul3A_65 : i32
        %dma_start3A_67 = arith.constant 0 : i32
        %dma_start3A_68 = arith.constant 0 : i32
        %dma_start3A_69 = tpu.memref_slice %arg5[%sub3A_63, %dma_start3A_67, %dma_start3A_68] : memref<2x32x512xf32, #tpu.memory_space<vmem>> -> memref<1x32x512xf32, #tpu.memory_space<vmem>>
        %dma_start3A_70 = tpu.memref_squeeze %dma_start3A_69 : memref<1x32x512xf32, #tpu.memory_space<vmem>> -> memref<32x512xf32, #tpu.memory_space<vmem>>
        %dma_start3A_71 = arith.constant 0 : i32
        %dma_start3A_72 = tpu.memref_slice %arg2[%add3A_66, %dma_start3A_71] : memref<16384x512xf32, #tpu.memory_space<hbm>> -> memref<32x512xf32, #tpu.memory_space<hbm>>
        %dma_start3A_73 = tpu.memref_slice %arg8[%sub3A_63] : memref<2x!tpu.dma_semaphore, #tpu.memory_space<semaphore_mem>> -> memref<1x!tpu.dma_semaphore, #tpu.memory_space<semaphore_mem>>
        %dma_start3A_74 = tpu.memref_squeeze %dma_start3A_73 : memref<1x!tpu.dma_semaphore, #tpu.memory_space<semaphore_mem>> -> memref<!tpu.dma_semaphore, #tpu.memory_space<semaphore_mem>>
        %dma_start3A_75 = arith.constant 0 : i32
        %dma_start3A_76 = arith.constant 0 : i32
        %dma_start3A_77 = tpu.memref_slice %arg5[%sub3A_63, %dma_start3A_75, %dma_start3A_76] : memref<2x32x512xf32, #tpu.memory_space<vmem>> -> memref<1x32x512xf32, #tpu.memory_space<vmem>>
        %dma_start3A_78 = tpu.memref_squeeze %dma_start3A_77 : memref<1x32x512xf32, #tpu.memory_space<vmem>> -> memref<32x512xf32, #tpu.memory_space<vmem>>
        %dma_start3A_79 = arith.constant 0 : i32
        %dma_start3A_80 = tpu.memref_slice %arg2[%add3A_66, %dma_start3A_79] : memref<16384x512xf32, #tpu.memory_space<hbm>> -> memref<32x512xf32, #tpu.memory_space<hbm>>
        tpu.enqueue_dma source(%dma_start3A_80 : memref<32x512xf32, #tpu.memory_space<hbm>>) target(%dma_start3A_78 : memref<32x512xf32, #tpu.memory_space<vmem>>) target_semaphore(%dma_start3A_74 : memref<!tpu.dma_semaphore, #tpu.memory_space<semaphore_mem>>)
      } else {
      }
      %parallel_loop3A = arith.constant 0 : i32
      %parallel_loop3A_59 = arith.constant 32 : i32
      %parallel_loop3A_60 = arith.constant 1 : i32
      scf.for %parallel_loop3A_61 = %parallel_loop3A to %parallel_loop3A_59 step %parallel_loop3A_60  : i32 {
        %parallel_loop3A_62 = arith.index_cast %and3A_38 : i32 to index
        %parallel_loop3A_63 = arith.index_cast %parallel_loop3A_61 : i32 to index
        %parallel_loop3A_64 = arith.constant 0 : index
        %parallel_loop3A_65 = tpu.vector_load %arg5[%parallel_loop3A_62, %parallel_loop3A_63, %parallel_loop3A_64] {strides = array<i32>} : memref<2x32x512xf32, #tpu.memory_space<vmem>>, vector<16xf32>,
        %parallel_loop3A_66 = tpu.bitcast %parallel_loop3A_65 : vector<16xf32> -> vector<16xi32>
        %parallel_loop3A_67 = arith.constant 1 : i32
        %parallel_loop3A_68 = vector.broadcast %parallel_loop3A_67 : i32 to vector<16xi32>
        %parallel_loop3A_69 = arith.andi %parallel_loop3A_66, %parallel_loop3A_68 : vector<16xi32>
        %parallel_loop3A_70 = arith.constant -2 : i32
        %parallel_loop3A_71 = vector.broadcast %parallel_loop3A_70 : i32 to vector<16xi32>
        %parallel_loop3A_72 = arith.andi %parallel_loop3A_66, %parallel_loop3A_71 : vector<16xi32>
        %parallel_loop3A_73 = tpu.bitcast %parallel_loop3A_72 : vector<16xi32> -> vector<16xf32>
        %parallel_loop3A_74 = arith.mulf %parallel_loop3A_73, %get3A_11 : vector<16xf32>
        %parallel_loop3A_75 = arith.fptosi %parallel_loop3A_74 : vector<16xf32> to vector<16xi32>
        %parallel_loop3A_76 = arith.constant 0 : i32
        %parallel_loop3A_77 = arith.constant 1023 : i32
        %parallel_loop3A_78 = vector.broadcast %parallel_loop3A_76 : i32 to vector<16xi32>
        %parallel_loop3A_79 = arith.maxsi %parallel_loop3A_78, %parallel_loop3A_75 : vector<16xi32>
        %parallel_loop3A_80 = vector.broadcast %parallel_loop3A_77 : i32 to vector<16xi32>
        %parallel_loop3A_81 = arith.minsi %parallel_loop3A_80, %parallel_loop3A_79 : vector<16xi32>
        %parallel_loop3A_82 = arith.sitofp %parallel_loop3A_81 : vector<16xi32> to vector<16xf32>
        %parallel_loop3A_83 = arith.subf %parallel_loop3A_74, %parallel_loop3A_82 : vector<16xf32>
        %parallel_loop3A_84 = arith.constant 0.000000e+00 : f32
        %parallel_loop3A_85 = vector.broadcast %parallel_loop3A_84 : f32 to vector<16xf32>
        %parallel_loop3A_86 = arith.cmpf ogt, %parallel_loop3A_73, %parallel_loop3A_85 : vector<16xf32>
        %parallel_loop3A_87 = arith.constant 16 : i32
        %parallel_loop3A_88 = vector.broadcast %parallel_loop3A_87 : i32 to vector<16xi32>
        %parallel_loop3A_89 = arith.muli %parallel_loop3A_81, %parallel_loop3A_88 : vector<16xi32>
        %parallel_loop3A_90 = arith.addi %parallel_loop3A_89, %iota3A : vector<16xi32>
        %parallel_loop3A_91 = arith.constant 32768 : i32
        %parallel_loop3A_92 = vector.broadcast %parallel_loop3A_91 : i32 to vector<16xi32>
        %parallel_loop3A_93 = arith.muli %parallel_loop3A_69, %parallel_loop3A_92 : vector<16xi32>
        %parallel_loop3A_94 = arith.addi %parallel_loop3A_90, %parallel_loop3A_93 : vector<16xi32>
        tpu.vector_store_idx %arg6[%parallel_loop3A_94], %broadcast_in_dim3A_10 masked %parallel_loop3A_86 {add = true} : memref<65536xf32, #tpu.memory_space<vmem>>[vector<16xi32>], vector<16xf32>, vector<16xi1>
        %parallel_loop3A_95 = arith.constant 16384 : i32
        %parallel_loop3A_96 = vector.broadcast %parallel_loop3A_95 : i32 to vector<16xi32>
        %parallel_loop3A_97 = arith.addi %parallel_loop3A_94, %parallel_loop3A_96 : vector<16xi32>
        tpu.vector_store_idx %arg6[%parallel_loop3A_97], %parallel_loop3A_83 masked %parallel_loop3A_86 {add = true} : memref<65536xf32, #tpu.memory_space<vmem>>[vector<16xi32>], vector<16xf32>, vector<16xi1>
        %parallel_loop3A_98 = arith.index_cast %and3A_38 : i32 to index
        %parallel_loop3A_99 = arith.index_cast %parallel_loop3A_61 : i32 to index
        %parallel_loop3A_100 = arith.constant 16 : index
        %parallel_loop3A_101 = tpu.vector_load %arg5[%parallel_loop3A_98, %parallel_loop3A_99, %parallel_loop3A_100] {strides = array<i32>} : memref<2x32x512xf32, #tpu.memory_space<vmem>>, vector<16xf32>,
        %parallel_loop3A_102 = tpu.bitcast %parallel_loop3A_101 : vector<16xf32> -> vector<16xi32>
        %parallel_loop3A_103 = arith.constant 1 : i32
        %parallel_loop3A_104 = vector.broadcast %parallel_loop3A_103 : i32 to vector<16xi32>
        %parallel_loop3A_105 = arith.andi %parallel_loop3A_102, %parallel_loop3A_104 : vector<16xi32>
        %parallel_loop3A_106 = arith.constant -2 : i32
        %parallel_loop3A_107 = vector.broadcast %parallel_loop3A_106 : i32 to vector<16xi32>
        %parallel_loop3A_108 = arith.andi %parallel_loop3A_102, %parallel_loop3A_107 : vector<16xi32>
        %parallel_loop3A_109 = tpu.bitcast %parallel_loop3A_108 : vector<16xi32> -> vector<16xf32>
        %parallel_loop3A_110 = arith.mulf %parallel_loop3A_109, %get3A_11 : vector<16xf32>
        %parallel_loop3A_111 = arith.fptosi %parallel_loop3A_110 : vector<16xf32> to vector<16xi32>
        %parallel_loop3A_112 = arith.constant 0 : i32
        %parallel_loop3A_113 = arith.constant 1023 : i32
        %parallel_loop3A_114 = vector.broadcast %parallel_loop3A_112 : i32 to vector<16xi32>
        %parallel_loop3A_115 = arith.maxsi %parallel_loop3A_114, %parallel_loop3A_111 : vector<16xi32>
        %parallel_loop3A_116 = vector.broadcast %parallel_loop3A_113 : i32 to vector<16xi32>
        %parallel_loop3A_117 = arith.minsi %parallel_loop3A_116, %parallel_loop3A_115 : vector<16xi32>
        %parallel_loop3A_118 = arith.sitofp %parallel_loop3A_117 : vector<16xi32> to vector<16xf32>
        %parallel_loop3A_119 = arith.subf %parallel_loop3A_110, %parallel_loop3A_118 : vector<16xf32>
        %parallel_loop3A_120 = arith.constant 0.000000e+00 : f32
        %parallel_loop3A_121 = vector.broadcast %parallel_loop3A_120 : f32 to vector<16xf32>
        %parallel_loop3A_122 = arith.cmpf ogt, %parallel_loop3A_109, %parallel_loop3A_121 : vector<16xf32>
        %parallel_loop3A_123 = arith.constant 16 : i32
        %parallel_loop3A_124 = vector.broadcast %parallel_loop3A_123 : i32 to vector<16xi32>
        %parallel_loop3A_125 = arith.muli %parallel_loop3A_117, %parallel_loop3A_124 : vector<16xi32>
        %parallel_loop3A_126 = arith.addi %parallel_loop3A_125, %iota3A : vector<16xi32>
        %parallel_loop3A_127 = arith.constant 32768 : i32
        %parallel_loop3A_128 = vector.broadcast %parallel_loop3A_127 : i32 to vector<16xi32>
        %parallel_loop3A_129 = arith.muli %parallel_loop3A_105, %parallel_loop3A_128 : vector<16xi32>
        %parallel_loop3A_130 = arith.addi %parallel_loop3A_126, %parallel_loop3A_129 : vector<16xi32>
        tpu.vector_store_idx %arg6[%parallel_loop3A_130], %broadcast_in_dim3A_10 masked %parallel_loop3A_122 {add = true} : memref<65536xf32, #tpu.memory_space<vmem>>[vector<16xi32>], vector<16xf32>, vector<16xi1>
        %parallel_loop3A_131 = arith.constant 16384 : i32
        %parallel_loop3A_132 = vector.broadcast %parallel_loop3A_131 : i32 to vector<16xi32>
        %parallel_loop3A_133 = arith.addi %parallel_loop3A_130, %parallel_loop3A_132 : vector<16xi32>
        tpu.vector_store_idx %arg6[%parallel_loop3A_133], %parallel_loop3A_119 masked %parallel_loop3A_122 {add = true} : memref<65536xf32, #tpu.memory_space<vmem>>[vector<16xi32>], vector<16xf32>, vector<16xi1>
        %parallel_loop3A_134 = arith.index_cast %and3A_38 : i32 to index
        %parallel_loop3A_135 = arith.index_cast %parallel_loop3A_61 : i32 to index
        %parallel_loop3A_136 = arith.constant 32 : index
        %parallel_loop3A_137 = tpu.vector_load %arg5[%parallel_loop3A_134, %parallel_loop3A_135, %parallel_loop3A_136] {strides = array<i32>} : memref<2x32x512xf32, #tpu.memory_space<vmem>>, vector<16xf32>,
        %parallel_loop3A_138 = tpu.bitcast %parallel_loop3A_137 : vector<16xf32> -> vector<16xi32>
        %parallel_loop3A_139 = arith.constant 1 : i32
        %parallel_loop3A_140 = vector.broadcast %parallel_loop3A_139 : i32 to vector<16xi32>
        %parallel_loop3A_141 = arith.andi %parallel_loop3A_138, %parallel_loop3A_140 : vector<16xi32>
        %parallel_loop3A_142 = arith.constant -2 : i32
        %parallel_loop3A_143 = vector.broadcast %parallel_loop3A_142 : i32 to vector<16xi32>
        %parallel_loop3A_144 = arith.andi %parallel_loop3A_138, %parallel_loop3A_143 : vector<16xi32>
        %parallel_loop3A_145 = tpu.bitcast %parallel_loop3A_144 : vector<16xi32> -> vector<16xf32>
        %parallel_loop3A_146 = arith.mulf %parallel_loop3A_145, %get3A_11 : vector<16xf32>
        %parallel_loop3A_147 = arith.fptosi %parallel_loop3A_146 : vector<16xf32> to vector<16xi32>
        %parallel_loop3A_148 = arith.constant 0 : i32
        %parallel_loop3A_149 = arith.constant 1023 : i32
        %parallel_loop3A_150 = vector.broadcast %parallel_loop3A_148 : i32 to vector<16xi32>
        %parallel_loop3A_151 = arith.maxsi %parallel_loop3A_150, %parallel_loop3A_147 : vector<16xi32>
        %parallel_loop3A_152 = vector.broadcast %parallel_loop3A_149 : i32 to vector<16xi32>
        %parallel_loop3A_153 = arith.minsi %parallel_loop3A_152, %parallel_loop3A_151 : vector<16xi32>
        %parallel_loop3A_154 = arith.sitofp %parallel_loop3A_153 : vector<16xi32> to vector<16xf32>
        %parallel_loop3A_155 = arith.subf %parallel_loop3A_146, %parallel_loop3A_154 : vector<16xf32>
        %parallel_loop3A_156 = arith.constant 0.000000e+00 : f32
        %parallel_loop3A_157 = vector.broadcast %parallel_loop3A_156 : f32 to vector<16xf32>
        %parallel_loop3A_158 = arith.cmpf ogt, %parallel_loop3A_145, %parallel_loop3A_157 : vector<16xf32>
        %parallel_loop3A_159 = arith.constant 16 : i32
        %parallel_loop3A_160 = vector.broadcast %parallel_loop3A_159 : i32 to vector<16xi32>
        %parallel_loop3A_161 = arith.muli %parallel_loop3A_153, %parallel_loop3A_160 : vector<16xi32>
        %parallel_loop3A_162 = arith.addi %parallel_loop3A_161, %iota3A : vector<16xi32>
        %parallel_loop3A_163 = arith.constant 32768 : i32
        %parallel_loop3A_164 = vector.broadcast %parallel_loop3A_163 : i32 to vector<16xi32>
        %parallel_loop3A_165 = arith.muli %parallel_loop3A_141, %parallel_loop3A_164 : vector<16xi32>
        %parallel_loop3A_166 = arith.addi %parallel_loop3A_162, %parallel_loop3A_165 : vector<16xi32>
        tpu.vector_store_idx %arg6[%parallel_loop3A_166], %broadcast_in_dim3A_10 masked %parallel_loop3A_158 {add = true} : memref<65536xf32, #tpu.memory_space<vmem>>[vector<16xi32>], vector<16xf32>, vector<16xi1>
        %parallel_loop3A_167 = arith.constant 16384 : i32
        %parallel_loop3A_168 = vector.broadcast %parallel_loop3A_167 : i32 to vector<16xi32>
        %parallel_loop3A_169 = arith.addi %parallel_loop3A_166, %parallel_loop3A_168 : vector<16xi32>
        tpu.vector_store_idx %arg6[%parallel_loop3A_169], %parallel_loop3A_155 masked %parallel_loop3A_158 {add = true} : memref<65536xf32, #tpu.memory_space<vmem>>[vector<16xi32>], vector<16xf32>, vector<16xi1>
        %parallel_loop3A_170 = arith.index_cast %and3A_38 : i32 to index
        %parallel_loop3A_171 = arith.index_cast %parallel_loop3A_61 : i32 to index
        %parallel_loop3A_172 = arith.constant 48 : index
        %parallel_loop3A_173 = tpu.vector_load %arg5[%parallel_loop3A_170, %parallel_loop3A_171, %parallel_loop3A_172] {strides = array<i32>} : memref<2x32x512xf32, #tpu.memory_space<vmem>>, vector<16xf32>,
        %parallel_loop3A_174 = tpu.bitcast %parallel_loop3A_173 : vector<16xf32> -> vector<16xi32>
        %parallel_loop3A_175 = arith.constant 1 : i32
        %parallel_loop3A_176 = vector.broadcast %parallel_loop3A_175 : i32 to vector<16xi32>
        %parallel_loop3A_177 = arith.andi %parallel_loop3A_174, %parallel_loop3A_176 : vector<16xi32>
        %parallel_loop3A_178 = arith.constant -2 : i32
        %parallel_loop3A_179 = vector.broadcast %parallel_loop3A_178 : i32 to vector<16xi32>
        %parallel_loop3A_180 = arith.andi %parallel_loop3A_174, %parallel_loop3A_179 : vector<16xi32>
        %parallel_loop3A_181 = tpu.bitcast %parallel_loop3A_180 : vector<16xi32> -> vector<16xf32>
        %parallel_loop3A_182 = arith.mulf %parallel_loop3A_181, %get3A_11 : vector<16xf32>
        %parallel_loop3A_183 = arith.fptosi %parallel_loop3A_182 : vector<16xf32> to vector<16xi32>
        %parallel_loop3A_184 = arith.constant 0 : i32
        %parallel_loop3A_185 = arith.constant 1023 : i32
        %parallel_loop3A_186 = vector.broadcast %parallel_loop3A_184 : i32 to vector<16xi32>
        %parallel_loop3A_187 = arith.maxsi %parallel_loop3A_186, %parallel_loop3A_183 : vector<16xi32>
        %parallel_loop3A_188 = vector.broadcast %parallel_loop3A_185 : i32 to vector<16xi32>
        %parallel_loop3A_189 = arith.minsi %parallel_loop3A_188, %parallel_loop3A_187 : vector<16xi32>
        %parallel_loop3A_190 = arith.sitofp %parallel_loop3A_189 : vector<16xi32> to vector<16xf32>
        %parallel_loop3A_191 = arith.subf %parallel_loop3A_182, %parallel_loop3A_190 : vector<16xf32>
        %parallel_loop3A_192 = arith.constant 0.000000e+00 : f32
        %parallel_loop3A_193 = vector.broadcast %parallel_loop3A_192 : f32 to vector<16xf32>
        %parallel_loop3A_194 = arith.cmpf ogt, %parallel_loop3A_181, %parallel_loop3A_193 : vector<16xf32>
        %parallel_loop3A_195 = arith.constant 16 : i32
        %parallel_loop3A_196 = vector.broadcast %parallel_loop3A_195 : i32 to vector<16xi32>
        %parallel_loop3A_197 = arith.muli %parallel_loop3A_189, %parallel_loop3A_196 : vector<16xi32>
        %parallel_loop3A_198 = arith.addi %parallel_loop3A_197, %iota3A : vector<16xi32>
        %parallel_loop3A_199 = arith.constant 32768 : i32
        %parallel_loop3A_200 = vector.broadcast %parallel_loop3A_199 : i32 to vector<16xi32>
        %parallel_loop3A_201 = arith.muli %parallel_loop3A_177, %parallel_loop3A_200 : vector<16xi32>
        %parallel_loop3A_202 = arith.addi %parallel_loop3A_198, %parallel_loop3A_201 : vector<16xi32>
        tpu.vector_store_idx %arg6[%parallel_loop3A_202], %broadcast_in_dim3A_10 masked %parallel_loop3A_194 {add = true} : memref<65536xf32, #tpu.memory_space<vmem>>[vector<16xi32>], vector<16xf32>, vector<16xi1>
        %parallel_loop3A_203 = arith.constant 16384 : i32
        %parallel_loop3A_204 = vector.broadcast %parallel_loop3A_203 : i32 to vector<16xi32>
        %parallel_loop3A_205 = arith.addi %parallel_loop3A_202, %parallel_loop3A_204 : vector<16xi32>
        tpu.vector_store_idx %arg6[%parallel_loop3A_205], %parallel_loop3A_191 masked %parallel_loop3A_194 {add = true} : memref<65536xf32, #tpu.memory_space<vmem>>[vector<16xi32>], vector<16xf32>, vector<16xi1>
        %parallel_loop3A_206 = arith.index_cast %and3A_38 : i32 to index
        %parallel_loop3A_207 = arith.index_cast %parallel_loop3A_61 : i32 to index
        %parallel_loop3A_208 = arith.constant 64 : index
        %parallel_loop3A_209 = tpu.vector_load %arg5[%parallel_loop3A_206, %parallel_loop3A_207, %parallel_loop3A_208] {strides = array<i32>} : memref<2x32x512xf32, #tpu.memory_space<vmem>>, vector<16xf32>,
        %parallel_loop3A_210 = tpu.bitcast %parallel_loop3A_209 : vector<16xf32> -> vector<16xi32>
        %parallel_loop3A_211 = arith.constant 1 : i32
        %parallel_loop3A_212 = vector.broadcast %parallel_loop3A_211 : i32 to vector<16xi32>
        %parallel_loop3A_213 = arith.andi %parallel_loop3A_210, %parallel_loop3A_212 : vector<16xi32>
        %parallel_loop3A_214 = arith.constant -2 : i32
        %parallel_loop3A_215 = vector.broadcast %parallel_loop3A_214 : i32 to vector<16xi32>
        %parallel_loop3A_216 = arith.andi %parallel_loop3A_210, %parallel_loop3A_215 : vector<16xi32>
        %parallel_loop3A_217 = tpu.bitcast %parallel_loop3A_216 : vector<16xi32> -> vector<16xf32>
        %parallel_loop3A_218 = arith.mulf %parallel_loop3A_217, %get3A_11 : vector<16xf32>
        %parallel_loop3A_219 = arith.fptosi %parallel_loop3A_218 : vector<16xf32> to vector<16xi32>
        %parallel_loop3A_220 = arith.constant 0 : i32
        %parallel_loop3A_221 = arith.constant 1023 : i32
        %parallel_loop3A_222 = vector.broadcast %parallel_loop3A_220 : i32 to vector<16xi32>
        %parallel_loop3A_223 = arith.maxsi %parallel_loop3A_222, %parallel_loop3A_219 : vector<16xi32>
        %parallel_loop3A_224 = vector.broadcast %parallel_loop3A_221 : i32 to vector<16xi32>
        %parallel_loop3A_225 = arith.minsi %parallel_loop3A_224, %parallel_loop3A_223 : vector<16xi32>
        %parallel_loop3A_226 = arith.sitofp %parallel_loop3A_225 : vector<16xi32> to vector<16xf32>
        %parallel_loop3A_227 = arith.subf %parallel_loop3A_218, %parallel_loop3A_226 : vector<16xf32>
        %parallel_loop3A_228 = arith.constant 0.000000e+00 : f32
        %parallel_loop3A_229 = vector.broadcast %parallel_loop3A_228 : f32 to vector<16xf32>
        %parallel_loop3A_230 = arith.cmpf ogt, %parallel_loop3A_217, %parallel_loop3A_229 : vector<16xf32>
        %parallel_loop3A_231 = arith.constant 16 : i32
        %parallel_loop3A_232 = vector.broadcast %parallel_loop3A_231 : i32 to vector<16xi32>
        %parallel_loop3A_233 = arith.muli %parallel_loop3A_225, %parallel_loop3A_232 : vector<16xi32>
        %parallel_loop3A_234 = arith.addi %parallel_loop3A_233, %iota3A : vector<16xi32>
        %parallel_loop3A_235 = arith.constant 32768 : i32
        %parallel_loop3A_236 = vector.broadcast %parallel_loop3A_235 : i32 to vector<16xi32>
        %parallel_loop3A_237 = arith.muli %parallel_loop3A_213, %parallel_loop3A_236 : vector<16xi32>
        %parallel_loop3A_238 = arith.addi %parallel_loop3A_234, %parallel_loop3A_237 : vector<16xi32>
        tpu.vector_store_idx %arg6[%parallel_loop3A_238], %broadcast_in_dim3A_10 masked %parallel_loop3A_230 {add = true} : memref<65536xf32, #tpu.memory_space<vmem>>[vector<16xi32>], vector<16xf32>, vector<16xi1>
        %parallel_loop3A_239 = arith.constant 16384 : i32
        %parallel_loop3A_240 = vector.broadcast %parallel_loop3A_239 : i32 to vector<16xi32>
        %parallel_loop3A_241 = arith.addi %parallel_loop3A_238, %parallel_loop3A_240 : vector<16xi32>
        tpu.vector_store_idx %arg6[%parallel_loop3A_241], %parallel_loop3A_227 masked %parallel_loop3A_230 {add = true} : memref<65536xf32, #tpu.memory_space<vmem>>[vector<16xi32>], vector<16xf32>, vector<16xi1>
        %parallel_loop3A_242 = arith.index_cast %and3A_38 : i32 to index
        %parallel_loop3A_243 = arith.index_cast %parallel_loop3A_61 : i32 to index
        %parallel_loop3A_244 = arith.constant 80 : index
        %parallel_loop3A_245 = tpu.vector_load %arg5[%parallel_loop3A_242, %parallel_loop3A_243, %parallel_loop3A_244] {strides = array<i32>} : memref<2x32x512xf32, #tpu.memory_space<vmem>>, vector<16xf32>,
        %parallel_loop3A_246 = tpu.bitcast %parallel_loop3A_245 : vector<16xf32> -> vector<16xi32>
        %parallel_loop3A_247 = arith.constant 1 : i32
        %parallel_loop3A_248 = vector.broadcast %parallel_loop3A_247 : i32 to vector<16xi32>
        %parallel_loop3A_249 = arith.andi %parallel_loop3A_246, %parallel_loop3A_248 : vector<16xi32>
        %parallel_loop3A_250 = arith.constant -2 : i32
        %parallel_loop3A_251 = vector.broadcast %parallel_loop3A_250 : i32 to vector<16xi32>
        %parallel_loop3A_252 = arith.andi %parallel_loop3A_246, %parallel_loop3A_251 : vector<16xi32>
        %parallel_loop3A_253 = tpu.bitcast %parallel_loop3A_252 : vector<16xi32> -> vector<16xf32>
        %parallel_loop3A_254 = arith.mulf %parallel_loop3A_253, %get3A_11 : vector<16xf32>
        %parallel_loop3A_255 = arith.fptosi %parallel_loop3A_254 : vector<16xf32> to vector<16xi32>
        %parallel_loop3A_256 = arith.constant 0 : i32
        %parallel_loop3A_257 = arith.constant 1023 : i32
        %parallel_loop3A_258 = vector.broadcast %parallel_loop3A_256 : i32 to vector<16xi32>
        %parallel_loop3A_259 = arith.maxsi %parallel_loop3A_258, %parallel_loop3A_255 : vector<16xi32>
        %parallel_loop3A_260 = vector.broadcast %parallel_loop3A_257 : i32 to vector<16xi32>
        %parallel_loop3A_261 = arith.minsi %parallel_loop3A_260, %parallel_loop3A_259 : vector<16xi32>
        %parallel_loop3A_262 = arith.sitofp %parallel_loop3A_261 : vector<16xi32> to vector<16xf32>
        %parallel_loop3A_263 = arith.subf %parallel_loop3A_254, %parallel_loop3A_262 : vector<16xf32>
        %parallel_loop3A_264 = arith.constant 0.000000e+00 : f32
        %parallel_loop3A_265 = vector.broadcast %parallel_loop3A_264 : f32 to vector<16xf32>
        %parallel_loop3A_266 = arith.cmpf ogt, %parallel_loop3A_253, %parallel_loop3A_265 : vector<16xf32>
        %parallel_loop3A_267 = arith.constant 16 : i32
        %parallel_loop3A_268 = vector.broadcast %parallel_loop3A_267 : i32 to vector<16xi32>
        %parallel_loop3A_269 = arith.muli %parallel_loop3A_261, %parallel_loop3A_268 : vector<16xi32>
        %parallel_loop3A_270 = arith.addi %parallel_loop3A_269, %iota3A : vector<16xi32>
        %parallel_loop3A_271 = arith.constant 32768 : i32
        %parallel_loop3A_272 = vector.broadcast %parallel_loop3A_271 : i32 to vector<16xi32>
        %parallel_loop3A_273 = arith.muli %parallel_loop3A_249, %parallel_loop3A_272 : vector<16xi32>
        %parallel_loop3A_274 = arith.addi %parallel_loop3A_270, %parallel_loop3A_273 : vector<16xi32>
        tpu.vector_store_idx %arg6[%parallel_loop3A_274], %broadcast_in_dim3A_10 masked %parallel_loop3A_266 {add = true} : memref<65536xf32, #tpu.memory_space<vmem>>[vector<16xi32>], vector<16xf32>, vector<16xi1>
        %parallel_loop3A_275 = arith.constant 16384 : i32
        %parallel_loop3A_276 = vector.broadcast %parallel_loop3A_275 : i32 to vector<16xi32>
        %parallel_loop3A_277 = arith.addi %parallel_loop3A_274, %parallel_loop3A_276 : vector<16xi32>
        tpu.vector_store_idx %arg6[%parallel_loop3A_277], %parallel_loop3A_263 masked %parallel_loop3A_266 {add = true} : memref<65536xf32, #tpu.memory_space<vmem>>[vector<16xi32>], vector<16xf32>, vector<16xi1>
        %parallel_loop3A_278 = arith.index_cast %and3A_38 : i32 to index
        %parallel_loop3A_279 = arith.index_cast %parallel_loop3A_61 : i32 to index
        %parallel_loop3A_280 = arith.constant 96 : index
        %parallel_loop3A_281 = tpu.vector_load %arg5[%parallel_loop3A_278, %parallel_loop3A_279, %parallel_loop3A_280] {strides = array<i32>} : memref<2x32x512xf32, #tpu.memory_space<vmem>>, vector<16xf32>,
        %parallel_loop3A_282 = tpu.bitcast %parallel_loop3A_281 : vector<16xf32> -> vector<16xi32>
        %parallel_loop3A_283 = arith.constant 1 : i32
        %parallel_loop3A_284 = vector.broadcast %parallel_loop3A_283 : i32 to vector<16xi32>
        %parallel_loop3A_285 = arith.andi %parallel_loop3A_282, %parallel_loop3A_284 : vector<16xi32>
        %parallel_loop3A_286 = arith.constant -2 : i32
        %parallel_loop3A_287 = vector.broadcast %parallel_loop3A_286 : i32 to vector<16xi32>
        %parallel_loop3A_288 = arith.andi %parallel_loop3A_282, %parallel_loop3A_287 : vector<16xi32>
        %parallel_loop3A_289 = tpu.bitcast %parallel_loop3A_288 : vector<16xi32> -> vector<16xf32>
        %parallel_loop3A_290 = arith.mulf %parallel_loop3A_289, %get3A_11 : vector<16xf32>
        %parallel_loop3A_291 = arith.fptosi %parallel_loop3A_290 : vector<16xf32> to vector<16xi32>
        %parallel_loop3A_292 = arith.constant 0 : i32
        %parallel_loop3A_293 = arith.constant 1023 : i32
        %parallel_loop3A_294 = vector.broadcast %parallel_loop3A_292 : i32 to vector<16xi32>
        %parallel_loop3A_295 = arith.maxsi %parallel_loop3A_294, %parallel_loop3A_291 : vector<16xi32>
        %parallel_loop3A_296 = vector.broadcast %parallel_loop3A_293 : i32 to vector<16xi32>
        %parallel_loop3A_297 = arith.minsi %parallel_loop3A_296, %parallel_loop3A_295 : vector<16xi32>
        %parallel_loop3A_298 = arith.sitofp %parallel_loop3A_297 : vector<16xi32> to vector<16xf32>
        %parallel_loop3A_299 = arith.subf %parallel_loop3A_290, %parallel_loop3A_298 : vector<16xf32>
        %parallel_loop3A_300 = arith.constant 0.000000e+00 : f32
        %parallel_loop3A_301 = vector.broadcast %parallel_loop3A_300 : f32 to vector<16xf32>
        %parallel_loop3A_302 = arith.cmpf ogt, %parallel_loop3A_289, %parallel_loop3A_301 : vector<16xf32>
        %parallel_loop3A_303 = arith.constant 16 : i32
        %parallel_loop3A_304 = vector.broadcast %parallel_loop3A_303 : i32 to vector<16xi32>
        %parallel_loop3A_305 = arith.muli %parallel_loop3A_297, %parallel_loop3A_304 : vector<16xi32>
        %parallel_loop3A_306 = arith.addi %parallel_loop3A_305, %iota3A : vector<16xi32>
        %parallel_loop3A_307 = arith.constant 32768 : i32
        %parallel_loop3A_308 = vector.broadcast %parallel_loop3A_307 : i32 to vector<16xi32>
        %parallel_loop3A_309 = arith.muli %parallel_loop3A_285, %parallel_loop3A_308 : vector<16xi32>
        %parallel_loop3A_310 = arith.addi %parallel_loop3A_306, %parallel_loop3A_309 : vector<16xi32>
        tpu.vector_store_idx %arg6[%parallel_loop3A_310], %broadcast_in_dim3A_10 masked %parallel_loop3A_302 {add = true} : memref<65536xf32, #tpu.memory_space<vmem>>[vector<16xi32>], vector<16xf32>, vector<16xi1>
        %parallel_loop3A_311 = arith.constant 16384 : i32
        %parallel_loop3A_312 = vector.broadcast %parallel_loop3A_311 : i32 to vector<16xi32>
        %parallel_loop3A_313 = arith.addi %parallel_loop3A_310, %parallel_loop3A_312 : vector<16xi32>
        tpu.vector_store_idx %arg6[%parallel_loop3A_313], %parallel_loop3A_299 masked %parallel_loop3A_302 {add = true} : memref<65536xf32, #tpu.memory_space<vmem>>[vector<16xi32>], vector<16xf32>, vector<16xi1>
        %parallel_loop3A_314 = arith.index_cast %and3A_38 : i32 to index
        %parallel_loop3A_315 = arith.index_cast %parallel_loop3A_61 : i32 to index
        %parallel_loop3A_316 = arith.constant 112 : index
        %parallel_loop3A_317 = tpu.vector_load %arg5[%parallel_loop3A_314, %parallel_loop3A_315, %parallel_loop3A_316] {strides = array<i32>} : memref<2x32x512xf32, #tpu.memory_space<vmem>>, vector<16xf32>,
        %parallel_loop3A_318 = tpu.bitcast %parallel_loop3A_317 : vector<16xf32> -> vector<16xi32>
        %parallel_loop3A_319 = arith.constant 1 : i32
        %parallel_loop3A_320 = vector.broadcast %parallel_loop3A_319 : i32 to vector<16xi32>
        %parallel_loop3A_321 = arith.andi %parallel_loop3A_318, %parallel_loop3A_320 : vector<16xi32>
        %parallel_loop3A_322 = arith.constant -2 : i32
        %parallel_loop3A_323 = vector.broadcast %parallel_loop3A_322 : i32 to vector<16xi32>
        %parallel_loop3A_324 = arith.andi %parallel_loop3A_318, %parallel_loop3A_323 : vector<16xi32>
        %parallel_loop3A_325 = tpu.bitcast %parallel_loop3A_324 : vector<16xi32> -> vector<16xf32>
        %parallel_loop3A_326 = arith.mulf %parallel_loop3A_325, %get3A_11 : vector<16xf32>
        %parallel_loop3A_327 = arith.fptosi %parallel_loop3A_326 : vector<16xf32> to vector<16xi32>
        %parallel_loop3A_328 = arith.constant 0 : i32
        %parallel_loop3A_329 = arith.constant 1023 : i32
        %parallel_loop3A_330 = vector.broadcast %parallel_loop3A_328 : i32 to vector<16xi32>
        %parallel_loop3A_331 = arith.maxsi %parallel_loop3A_330, %parallel_loop3A_327 : vector<16xi32>
        %parallel_loop3A_332 = vector.broadcast %parallel_loop3A_329 : i32 to vector<16xi32>
        %parallel_loop3A_333 = arith.minsi %parallel_loop3A_332, %parallel_loop3A_331 : vector<16xi32>
        %parallel_loop3A_334 = arith.sitofp %parallel_loop3A_333 : vector<16xi32> to vector<16xf32>
        %parallel_loop3A_335 = arith.subf %parallel_loop3A_326, %parallel_loop3A_334 : vector<16xf32>
        %parallel_loop3A_336 = arith.constant 0.000000e+00 : f32
        %parallel_loop3A_337 = vector.broadcast %parallel_loop3A_336 : f32 to vector<16xf32>
        %parallel_loop3A_338 = arith.cmpf ogt, %parallel_loop3A_325, %parallel_loop3A_337 : vector<16xf32>
        %parallel_loop3A_339 = arith.constant 16 : i32
        %parallel_loop3A_340 = vector.broadcast %parallel_loop3A_339 : i32 to vector<16xi32>
        %parallel_loop3A_341 = arith.muli %parallel_loop3A_333, %parallel_loop3A_340 : vector<16xi32>
        %parallel_loop3A_342 = arith.addi %parallel_loop3A_341, %iota3A : vector<16xi32>
        %parallel_loop3A_343 = arith.constant 32768 : i32
        %parallel_loop3A_344 = vector.broadcast %parallel_loop3A_343 : i32 to vector<16xi32>
        %parallel_loop3A_345 = arith.muli %parallel_loop3A_321, %parallel_loop3A_344 : vector<16xi32>
        %parallel_loop3A_346 = arith.addi %parallel_loop3A_342, %parallel_loop3A_345 : vector<16xi32>
        tpu.vector_store_idx %arg6[%parallel_loop3A_346], %broadcast_in_dim3A_10 masked %parallel_loop3A_338 {add = true} : memref<65536xf32, #tpu.memory_space<vmem>>[vector<16xi32>], vector<16xf32>, vector<16xi1>
        %parallel_loop3A_347 = arith.constant 16384 : i32
        %parallel_loop3A_348 = vector.broadcast %parallel_loop3A_347 : i32 to vector<16xi32>
        %parallel_loop3A_349 = arith.addi %parallel_loop3A_346, %parallel_loop3A_348 : vector<16xi32>
        tpu.vector_store_idx %arg6[%parallel_loop3A_349], %parallel_loop3A_335 masked %parallel_loop3A_338 {add = true} : memref<65536xf32, #tpu.memory_space<vmem>>[vector<16xi32>], vector<16xf32>, vector<16xi1>
        %parallel_loop3A_350 = arith.index_cast %and3A_38 : i32 to index
        %parallel_loop3A_351 = arith.index_cast %parallel_loop3A_61 : i32 to index
        %parallel_loop3A_352 = arith.constant 128 : index
        %parallel_loop3A_353 = tpu.vector_load %arg5[%parallel_loop3A_350, %parallel_loop3A_351, %parallel_loop3A_352] {strides = array<i32>} : memref<2x32x512xf32, #tpu.memory_space<vmem>>, vector<16xf32>,
        %parallel_loop3A_354 = tpu.bitcast %parallel_loop3A_353 : vector<16xf32> -> vector<16xi32>
        %parallel_loop3A_355 = arith.constant 1 : i32
        %parallel_loop3A_356 = vector.broadcast %parallel_loop3A_355 : i32 to vector<16xi32>
        %parallel_loop3A_357 = arith.andi %parallel_loop3A_354, %parallel_loop3A_356 : vector<16xi32>
        %parallel_loop3A_358 = arith.constant -2 : i32
        %parallel_loop3A_359 = vector.broadcast %parallel_loop3A_358 : i32 to vector<16xi32>
        %parallel_loop3A_360 = arith.andi %parallel_loop3A_354, %parallel_loop3A_359 : vector<16xi32>
        %parallel_loop3A_361 = tpu.bitcast %parallel_loop3A_360 : vector<16xi32> -> vector<16xf32>
        %parallel_loop3A_362 = arith.mulf %parallel_loop3A_361, %get3A_11 : vector<16xf32>
        %parallel_loop3A_363 = arith.fptosi %parallel_loop3A_362 : vector<16xf32> to vector<16xi32>
        %parallel_loop3A_364 = arith.constant 0 : i32
        %parallel_loop3A_365 = arith.constant 1023 : i32
        %parallel_loop3A_366 = vector.broadcast %parallel_loop3A_364 : i32 to vector<16xi32>
        %parallel_loop3A_367 = arith.maxsi %parallel_loop3A_366, %parallel_loop3A_363 : vector<16xi32>
        %parallel_loop3A_368 = vector.broadcast %parallel_loop3A_365 : i32 to vector<16xi32>
        %parallel_loop3A_369 = arith.minsi %parallel_loop3A_368, %parallel_loop3A_367 : vector<16xi32>
        %parallel_loop3A_370 = arith.sitofp %parallel_loop3A_369 : vector<16xi32> to vector<16xf32>
        %parallel_loop3A_371 = arith.subf %parallel_loop3A_362, %parallel_loop3A_370 : vector<16xf32>
        %parallel_loop3A_372 = arith.constant 0.000000e+00 : f32
        %parallel_loop3A_373 = vector.broadcast %parallel_loop3A_372 : f32 to vector<16xf32>
        %parallel_loop3A_374 = arith.cmpf ogt, %parallel_loop3A_361, %parallel_loop3A_373 : vector<16xf32>
        %parallel_loop3A_375 = arith.constant 16 : i32
        %parallel_loop3A_376 = vector.broadcast %parallel_loop3A_375 : i32 to vector<16xi32>
        %parallel_loop3A_377 = arith.muli %parallel_loop3A_369, %parallel_loop3A_376 : vector<16xi32>
        %parallel_loop3A_378 = arith.addi %parallel_loop3A_377, %iota3A : vector<16xi32>
        %parallel_loop3A_379 = arith.constant 32768 : i32
        %parallel_loop3A_380 = vector.broadcast %parallel_loop3A_379 : i32 to vector<16xi32>
        %parallel_loop3A_381 = arith.muli %parallel_loop3A_357, %parallel_loop3A_380 : vector<16xi32>
        %parallel_loop3A_382 = arith.addi %parallel_loop3A_378, %parallel_loop3A_381 : vector<16xi32>
        tpu.vector_store_idx %arg6[%parallel_loop3A_382], %broadcast_in_dim3A_10 masked %parallel_loop3A_374 {add = true} : memref<65536xf32, #tpu.memory_space<vmem>>[vector<16xi32>], vector<16xf32>, vector<16xi1>
        %parallel_loop3A_383 = arith.constant 16384 : i32
        %parallel_loop3A_384 = vector.broadcast %parallel_loop3A_383 : i32 to vector<16xi32>
        %parallel_loop3A_385 = arith.addi %parallel_loop3A_382, %parallel_loop3A_384 : vector<16xi32>
        tpu.vector_store_idx %arg6[%parallel_loop3A_385], %parallel_loop3A_371 masked %parallel_loop3A_374 {add = true} : memref<65536xf32, #tpu.memory_space<vmem>>[vector<16xi32>], vector<16xf32>, vector<16xi1>
        %parallel_loop3A_386 = arith.index_cast %and3A_38 : i32 to index
        %parallel_loop3A_387 = arith.index_cast %parallel_loop3A_61 : i32 to index
        %parallel_loop3A_388 = arith.constant 144 : index
        %parallel_loop3A_389 = tpu.vector_load %arg5[%parallel_loop3A_386, %parallel_loop3A_387, %parallel_loop3A_388] {strides = array<i32>} : memref<2x32x512xf32, #tpu.memory_space<vmem>>, vector<16xf32>,
        %parallel_loop3A_390 = tpu.bitcast %parallel_loop3A_389 : vector<16xf32> -> vector<16xi32>
        %parallel_loop3A_391 = arith.constant 1 : i32
        %parallel_loop3A_392 = vector.broadcast %parallel_loop3A_391 : i32 to vector<16xi32>
        %parallel_loop3A_393 = arith.andi %parallel_loop3A_390, %parallel_loop3A_392 : vector<16xi32>
        %parallel_loop3A_394 = arith.constant -2 : i32
        %parallel_loop3A_395 = vector.broadcast %parallel_loop3A_394 : i32 to vector<16xi32>
        %parallel_loop3A_396 = arith.andi %parallel_loop3A_390, %parallel_loop3A_395 : vector<16xi32>
        %parallel_loop3A_397 = tpu.bitcast %parallel_loop3A_396 : vector<16xi32> -> vector<16xf32>
        %parallel_loop3A_398 = arith.mulf %parallel_loop3A_397, %get3A_11 : vector<16xf32>
        %parallel_loop3A_399 = arith.fptosi %parallel_loop3A_398 : vector<16xf32> to vector<16xi32>
        %parallel_loop3A_400 = arith.constant 0 : i32
        %parallel_loop3A_401 = arith.constant 1023 : i32
        %parallel_loop3A_402 = vector.broadcast %parallel_loop3A_400 : i32 to vector<16xi32>
        %parallel_loop3A_403 = arith.maxsi %parallel_loop3A_402, %parallel_loop3A_399 : vector<16xi32>
        %parallel_loop3A_404 = vector.broadcast %parallel_loop3A_401 : i32 to vector<16xi32>
        %parallel_loop3A_405 = arith.minsi %parallel_loop3A_404, %parallel_loop3A_403 : vector<16xi32>
        %parallel_loop3A_406 = arith.sitofp %parallel_loop3A_405 : vector<16xi32> to vector<16xf32>
        %parallel_loop3A_407 = arith.subf %parallel_loop3A_398, %parallel_loop3A_406 : vector<16xf32>
        %parallel_loop3A_408 = arith.constant 0.000000e+00 : f32
        %parallel_loop3A_409 = vector.broadcast %parallel_loop3A_408 : f32 to vector<16xf32>
        %parallel_loop3A_410 = arith.cmpf ogt, %parallel_loop3A_397, %parallel_loop3A_409 : vector<16xf32>
        %parallel_loop3A_411 = arith.constant 16 : i32
        %parallel_loop3A_412 = vector.broadcast %parallel_loop3A_411 : i32 to vector<16xi32>
        %parallel_loop3A_413 = arith.muli %parallel_loop3A_405, %parallel_loop3A_412 : vector<16xi32>
        %parallel_loop3A_414 = arith.addi %parallel_loop3A_413, %iota3A : vector<16xi32>
        %parallel_loop3A_415 = arith.constant 32768 : i32
        %parallel_loop3A_416 = vector.broadcast %parallel_loop3A_415 : i32 to vector<16xi32>
        %parallel_loop3A_417 = arith.muli %parallel_loop3A_393, %parallel_loop3A_416 : vector<16xi32>
        %parallel_loop3A_418 = arith.addi %parallel_loop3A_414, %parallel_loop3A_417 : vector<16xi32>
        tpu.vector_store_idx %arg6[%parallel_loop3A_418], %broadcast_in_dim3A_10 masked %parallel_loop3A_410 {add = true} : memref<65536xf32, #tpu.memory_space<vmem>>[vector<16xi32>], vector<16xf32>, vector<16xi1>
        %parallel_loop3A_419 = arith.constant 16384 : i32
        %parallel_loop3A_420 = vector.broadcast %parallel_loop3A_419 : i32 to vector<16xi32>
        %parallel_loop3A_421 = arith.addi %parallel_loop3A_418, %parallel_loop3A_420 : vector<16xi32>
        tpu.vector_store_idx %arg6[%parallel_loop3A_421], %parallel_loop3A_407 masked %parallel_loop3A_410 {add = true} : memref<65536xf32, #tpu.memory_space<vmem>>[vector<16xi32>], vector<16xf32>, vector<16xi1>
        %parallel_loop3A_422 = arith.index_cast %and3A_38 : i32 to index
        %parallel_loop3A_423 = arith.index_cast %parallel_loop3A_61 : i32 to index
        %parallel_loop3A_424 = arith.constant 160 : index
        %parallel_loop3A_425 = tpu.vector_load %arg5[%parallel_loop3A_422, %parallel_loop3A_423, %parallel_loop3A_424] {strides = array<i32>} : memref<2x32x512xf32, #tpu.memory_space<vmem>>, vector<16xf32>,
        %parallel_loop3A_426 = tpu.bitcast %parallel_loop3A_425 : vector<16xf32> -> vector<16xi32>
        %parallel_loop3A_427 = arith.constant 1 : i32
        %parallel_loop3A_428 = vector.broadcast %parallel_loop3A_427 : i32 to vector<16xi32>
        %parallel_loop3A_429 = arith.andi %parallel_loop3A_426, %parallel_loop3A_428 : vector<16xi32>
        %parallel_loop3A_430 = arith.constant -2 : i32
        %parallel_loop3A_431 = vector.broadcast %parallel_loop3A_430 : i32 to vector<16xi32>
        %parallel_loop3A_432 = arith.andi %parallel_loop3A_426, %parallel_loop3A_431 : vector<16xi32>
        %parallel_loop3A_433 = tpu.bitcast %parallel_loop3A_432 : vector<16xi32> -> vector<16xf32>
        %parallel_loop3A_434 = arith.mulf %parallel_loop3A_433, %get3A_11 : vector<16xf32>
        %parallel_loop3A_435 = arith.fptosi %parallel_loop3A_434 : vector<16xf32> to vector<16xi32>
        %parallel_loop3A_436 = arith.constant 0 : i32
        %parallel_loop3A_437 = arith.constant 1023 : i32
        %parallel_loop3A_438 = vector.broadcast %parallel_loop3A_436 : i32 to vector<16xi32>
        %parallel_loop3A_439 = arith.maxsi %parallel_loop3A_438, %parallel_loop3A_435 : vector<16xi32>
        %parallel_loop3A_440 = vector.broadcast %parallel_loop3A_437 : i32 to vector<16xi32>
        %parallel_loop3A_441 = arith.minsi %parallel_loop3A_440, %parallel_loop3A_439 : vector<16xi32>
        %parallel_loop3A_442 = arith.sitofp %parallel_loop3A_441 : vector<16xi32> to vector<16xf32>
        %parallel_loop3A_443 = arith.subf %parallel_loop3A_434, %parallel_loop3A_442 : vector<16xf32>
        %parallel_loop3A_444 = arith.constant 0.000000e+00 : f32
        %parallel_loop3A_445 = vector.broadcast %parallel_loop3A_444 : f32 to vector<16xf32>
        %parallel_loop3A_446 = arith.cmpf ogt, %parallel_loop3A_433, %parallel_loop3A_445 : vector<16xf32>
        %parallel_loop3A_447 = arith.constant 16 : i32
        %parallel_loop3A_448 = vector.broadcast %parallel_loop3A_447 : i32 to vector<16xi32>
        %parallel_loop3A_449 = arith.muli %parallel_loop3A_441, %parallel_loop3A_448 : vector<16xi32>
        %parallel_loop3A_450 = arith.addi %parallel_loop3A_449, %iota3A : vector<16xi32>
        %parallel_loop3A_451 = arith.constant 32768 : i32
        %parallel_loop3A_452 = vector.broadcast %parallel_loop3A_451 : i32 to vector<16xi32>
        %parallel_loop3A_453 = arith.muli %parallel_loop3A_429, %parallel_loop3A_452 : vector<16xi32>
        %parallel_loop3A_454 = arith.addi %parallel_loop3A_450, %parallel_loop3A_453 : vector<16xi32>
        tpu.vector_store_idx %arg6[%parallel_loop3A_454], %broadcast_in_dim3A_10 masked %parallel_loop3A_446 {add = true} : memref<65536xf32, #tpu.memory_space<vmem>>[vector<16xi32>], vector<16xf32>, vector<16xi1>
        %parallel_loop3A_455 = arith.constant 16384 : i32
        %parallel_loop3A_456 = vector.broadcast %parallel_loop3A_455 : i32 to vector<16xi32>
        %parallel_loop3A_457 = arith.addi %parallel_loop3A_454, %parallel_loop3A_456 : vector<16xi32>
        tpu.vector_store_idx %arg6[%parallel_loop3A_457], %parallel_loop3A_443 masked %parallel_loop3A_446 {add = true} : memref<65536xf32, #tpu.memory_space<vmem>>[vector<16xi32>], vector<16xf32>, vector<16xi1>
        %parallel_loop3A_458 = arith.index_cast %and3A_38 : i32 to index
        %parallel_loop3A_459 = arith.index_cast %parallel_loop3A_61 : i32 to index
        %parallel_loop3A_460 = arith.constant 176 : index
        %parallel_loop3A_461 = tpu.vector_load %arg5[%parallel_loop3A_458, %parallel_loop3A_459, %parallel_loop3A_460] {strides = array<i32>} : memref<2x32x512xf32, #tpu.memory_space<vmem>>, vector<16xf32>,
        %parallel_loop3A_462 = tpu.bitcast %parallel_loop3A_461 : vector<16xf32> -> vector<16xi32>
        %parallel_loop3A_463 = arith.constant 1 : i32
        %parallel_loop3A_464 = vector.broadcast %parallel_loop3A_463 : i32 to vector<16xi32>
        %parallel_loop3A_465 = arith.andi %parallel_loop3A_462, %parallel_loop3A_464 : vector<16xi32>
        %parallel_loop3A_466 = arith.constant -2 : i32
        %parallel_loop3A_467 = vector.broadcast %parallel_loop3A_466 : i32 to vector<16xi32>
        %parallel_loop3A_468 = arith.andi %parallel_loop3A_462, %parallel_loop3A_467 : vector<16xi32>
        %parallel_loop3A_469 = tpu.bitcast %parallel_loop3A_468 : vector<16xi32> -> vector<16xf32>
        %parallel_loop3A_470 = arith.mulf %parallel_loop3A_469, %get3A_11 : vector<16xf32>
        %parallel_loop3A_471 = arith.fptosi %parallel_loop3A_470 : vector<16xf32> to vector<16xi32>
        %parallel_loop3A_472 = arith.constant 0 : i32
        %parallel_loop3A_473 = arith.constant 1023 : i32
        %parallel_loop3A_474 = vector.broadcast %parallel_loop3A_472 : i32 to vector<16xi32>
        %parallel_loop3A_475 = arith.maxsi %parallel_loop3A_474, %parallel_loop3A_471 : vector<16xi32>
        %parallel_loop3A_476 = vector.broadcast %parallel_loop3A_473 : i32 to vector<16xi32>
        %parallel_loop3A_477 = arith.minsi %parallel_loop3A_476, %parallel_loop3A_475 : vector<16xi32>
        %parallel_loop3A_478 = arith.sitofp %parallel_loop3A_477 : vector<16xi32> to vector<16xf32>
        %parallel_loop3A_479 = arith.subf %parallel_loop3A_470, %parallel_loop3A_478 : vector<16xf32>
        %parallel_loop3A_480 = arith.constant 0.000000e+00 : f32
        %parallel_loop3A_481 = vector.broadcast %parallel_loop3A_480 : f32 to vector<16xf32>
        %parallel_loop3A_482 = arith.cmpf ogt, %parallel_loop3A_469, %parallel_loop3A_481 : vector<16xf32>
        %parallel_loop3A_483 = arith.constant 16 : i32
        %parallel_loop3A_484 = vector.broadcast %parallel_loop3A_483 : i32 to vector<16xi32>
        %parallel_loop3A_485 = arith.muli %parallel_loop3A_477, %parallel_loop3A_484 : vector<16xi32>
        %parallel_loop3A_486 = arith.addi %parallel_loop3A_485, %iota3A : vector<16xi32>
        %parallel_loop3A_487 = arith.constant 32768 : i32
        %parallel_loop3A_488 = vector.broadcast %parallel_loop3A_487 : i32 to vector<16xi32>
        %parallel_loop3A_489 = arith.muli %parallel_loop3A_465, %parallel_loop3A_488 : vector<16xi32>
        %parallel_loop3A_490 = arith.addi %parallel_loop3A_486, %parallel_loop3A_489 : vector<16xi32>
        tpu.vector_store_idx %arg6[%parallel_loop3A_490], %broadcast_in_dim3A_10 masked %parallel_loop3A_482 {add = true} : memref<65536xf32, #tpu.memory_space<vmem>>[vector<16xi32>], vector<16xf32>, vector<16xi1>
        %parallel_loop3A_491 = arith.constant 16384 : i32
        %parallel_loop3A_492 = vector.broadcast %parallel_loop3A_491 : i32 to vector<16xi32>
        %parallel_loop3A_493 = arith.addi %parallel_loop3A_490, %parallel_loop3A_492 : vector<16xi32>
        tpu.vector_store_idx %arg6[%parallel_loop3A_493], %parallel_loop3A_479 masked %parallel_loop3A_482 {add = true} : memref<65536xf32, #tpu.memory_space<vmem>>[vector<16xi32>], vector<16xf32>, vector<16xi1>
        %parallel_loop3A_494 = arith.index_cast %and3A_38 : i32 to index
        %parallel_loop3A_495 = arith.index_cast %parallel_loop3A_61 : i32 to index
        %parallel_loop3A_496 = arith.constant 192 : index
        %parallel_loop3A_497 = tpu.vector_load %arg5[%parallel_loop3A_494, %parallel_loop3A_495, %parallel_loop3A_496] {strides = array<i32>} : memref<2x32x512xf32, #tpu.memory_space<vmem>>, vector<16xf32>,
        %parallel_loop3A_498 = tpu.bitcast %parallel_loop3A_497 : vector<16xf32> -> vector<16xi32>
        %parallel_loop3A_499 = arith.constant 1 : i32
        %parallel_loop3A_500 = vector.broadcast %parallel_loop3A_499 : i32 to vector<16xi32>
        %parallel_loop3A_501 = arith.andi %parallel_loop3A_498, %parallel_loop3A_500 : vector<16xi32>
        %parallel_loop3A_502 = arith.constant -2 : i32
        %parallel_loop3A_503 = vector.broadcast %parallel_loop3A_502 : i32 to vector<16xi32>
        %parallel_loop3A_504 = arith.andi %parallel_loop3A_498, %parallel_loop3A_503 : vector<16xi32>
        %parallel_loop3A_505 = tpu.bitcast %parallel_loop3A_504 : vector<16xi32> -> vector<16xf32>
        %parallel_loop3A_506 = arith.mulf %parallel_loop3A_505, %get3A_11 : vector<16xf32>
        %parallel_loop3A_507 = arith.fptosi %parallel_loop3A_506 : vector<16xf32> to vector<16xi32>
        %parallel_loop3A_508 = arith.constant 0 : i32
        %parallel_loop3A_509 = arith.constant 1023 : i32
        %parallel_loop3A_510 = vector.broadcast %parallel_loop3A_508 : i32 to vector<16xi32>
        %parallel_loop3A_511 = arith.maxsi %parallel_loop3A_510, %parallel_loop3A_507 : vector<16xi32>
        %parallel_loop3A_512 = vector.broadcast %parallel_loop3A_509 : i32 to vector<16xi32>
        %parallel_loop3A_513 = arith.minsi %parallel_loop3A_512, %parallel_loop3A_511 : vector<16xi32>
        %parallel_loop3A_514 = arith.sitofp %parallel_loop3A_513 : vector<16xi32> to vector<16xf32>
        %parallel_loop3A_515 = arith.subf %parallel_loop3A_506, %parallel_loop3A_514 : vector<16xf32>
        %parallel_loop3A_516 = arith.constant 0.000000e+00 : f32
        %parallel_loop3A_517 = vector.broadcast %parallel_loop3A_516 : f32 to vector<16xf32>
        %parallel_loop3A_518 = arith.cmpf ogt, %parallel_loop3A_505, %parallel_loop3A_517 : vector<16xf32>
        %parallel_loop3A_519 = arith.constant 16 : i32
        %parallel_loop3A_520 = vector.broadcast %parallel_loop3A_519 : i32 to vector<16xi32>
        %parallel_loop3A_521 = arith.muli %parallel_loop3A_513, %parallel_loop3A_520 : vector<16xi32>
        %parallel_loop3A_522 = arith.addi %parallel_loop3A_521, %iota3A : vector<16xi32>
        %parallel_loop3A_523 = arith.constant 32768 : i32
        %parallel_loop3A_524 = vector.broadcast %parallel_loop3A_523 : i32 to vector<16xi32>
        %parallel_loop3A_525 = arith.muli %parallel_loop3A_501, %parallel_loop3A_524 : vector<16xi32>
        %parallel_loop3A_526 = arith.addi %parallel_loop3A_522, %parallel_loop3A_525 : vector<16xi32>
        tpu.vector_store_idx %arg6[%parallel_loop3A_526], %broadcast_in_dim3A_10 masked %parallel_loop3A_518 {add = true} : memref<65536xf32, #tpu.memory_space<vmem>>[vector<16xi32>], vector<16xf32>, vector<16xi1>
        %parallel_loop3A_527 = arith.constant 16384 : i32
        %parallel_loop3A_528 = vector.broadcast %parallel_loop3A_527 : i32 to vector<16xi32>
        %parallel_loop3A_529 = arith.addi %parallel_loop3A_526, %parallel_loop3A_528 : vector<16xi32>
        tpu.vector_store_idx %arg6[%parallel_loop3A_529], %parallel_loop3A_515 masked %parallel_loop3A_518 {add = true} : memref<65536xf32, #tpu.memory_space<vmem>>[vector<16xi32>], vector<16xf32>, vector<16xi1>
        %parallel_loop3A_530 = arith.index_cast %and3A_38 : i32 to index
        %parallel_loop3A_531 = arith.index_cast %parallel_loop3A_61 : i32 to index
        %parallel_loop3A_532 = arith.constant 208 : index
        %parallel_loop3A_533 = tpu.vector_load %arg5[%parallel_loop3A_530, %parallel_loop3A_531, %parallel_loop3A_532] {strides = array<i32>} : memref<2x32x512xf32, #tpu.memory_space<vmem>>, vector<16xf32>,
        %parallel_loop3A_534 = tpu.bitcast %parallel_loop3A_533 : vector<16xf32> -> vector<16xi32>
        %parallel_loop3A_535 = arith.constant 1 : i32
        %parallel_loop3A_536 = vector.broadcast %parallel_loop3A_535 : i32 to vector<16xi32>
        %parallel_loop3A_537 = arith.andi %parallel_loop3A_534, %parallel_loop3A_536 : vector<16xi32>
        %parallel_loop3A_538 = arith.constant -2 : i32
        %parallel_loop3A_539 = vector.broadcast %parallel_loop3A_538 : i32 to vector<16xi32>
        %parallel_loop3A_540 = arith.andi %parallel_loop3A_534, %parallel_loop3A_539 : vector<16xi32>
        %parallel_loop3A_541 = tpu.bitcast %parallel_loop3A_540 : vector<16xi32> -> vector<16xf32>
        %parallel_loop3A_542 = arith.mulf %parallel_loop3A_541, %get3A_11 : vector<16xf32>
        %parallel_loop3A_543 = arith.fptosi %parallel_loop3A_542 : vector<16xf32> to vector<16xi32>
        %parallel_loop3A_544 = arith.constant 0 : i32
        %parallel_loop3A_545 = arith.constant 1023 : i32
        %parallel_loop3A_546 = vector.broadcast %parallel_loop3A_544 : i32 to vector<16xi32>
        %parallel_loop3A_547 = arith.maxsi %parallel_loop3A_546, %parallel_loop3A_543 : vector<16xi32>
        %parallel_loop3A_548 = vector.broadcast %parallel_loop3A_545 : i32 to vector<16xi32>
        %parallel_loop3A_549 = arith.minsi %parallel_loop3A_548, %parallel_loop3A_547 : vector<16xi32>
        %parallel_loop3A_550 = arith.sitofp %parallel_loop3A_549 : vector<16xi32> to vector<16xf32>
        %parallel_loop3A_551 = arith.subf %parallel_loop3A_542, %parallel_loop3A_550 : vector<16xf32>
        %parallel_loop3A_552 = arith.constant 0.000000e+00 : f32
        %parallel_loop3A_553 = vector.broadcast %parallel_loop3A_552 : f32 to vector<16xf32>
        %parallel_loop3A_554 = arith.cmpf ogt, %parallel_loop3A_541, %parallel_loop3A_553 : vector<16xf32>
        %parallel_loop3A_555 = arith.constant 16 : i32
        %parallel_loop3A_556 = vector.broadcast %parallel_loop3A_555 : i32 to vector<16xi32>
        %parallel_loop3A_557 = arith.muli %parallel_loop3A_549, %parallel_loop3A_556 : vector<16xi32>
        %parallel_loop3A_558 = arith.addi %parallel_loop3A_557, %iota3A : vector<16xi32>
        %parallel_loop3A_559 = arith.constant 32768 : i32
        %parallel_loop3A_560 = vector.broadcast %parallel_loop3A_559 : i32 to vector<16xi32>
        %parallel_loop3A_561 = arith.muli %parallel_loop3A_537, %parallel_loop3A_560 : vector<16xi32>
        %parallel_loop3A_562 = arith.addi %parallel_loop3A_558, %parallel_loop3A_561 : vector<16xi32>
        tpu.vector_store_idx %arg6[%parallel_loop3A_562], %broadcast_in_dim3A_10 masked %parallel_loop3A_554 {add = true} : memref<65536xf32, #tpu.memory_space<vmem>>[vector<16xi32>], vector<16xf32>, vector<16xi1>
        %parallel_loop3A_563 = arith.constant 16384 : i32
        %parallel_loop3A_564 = vector.broadcast %parallel_loop3A_563 : i32 to vector<16xi32>
        %parallel_loop3A_565 = arith.addi %parallel_loop3A_562, %parallel_loop3A_564 : vector<16xi32>
        tpu.vector_store_idx %arg6[%parallel_loop3A_565], %parallel_loop3A_551 masked %parallel_loop3A_554 {add = true} : memref<65536xf32, #tpu.memory_space<vmem>>[vector<16xi32>], vector<16xf32>, vector<16xi1>
        %parallel_loop3A_566 = arith.index_cast %and3A_38 : i32 to index
        %parallel_loop3A_567 = arith.index_cast %parallel_loop3A_61 : i32 to index
        %parallel_loop3A_568 = arith.constant 224 : index
        %parallel_loop3A_569 = tpu.vector_load %arg5[%parallel_loop3A_566, %parallel_loop3A_567, %parallel_loop3A_568] {strides = array<i32>} : memref<2x32x512xf32, #tpu.memory_space<vmem>>, vector<16xf32>,
        %parallel_loop3A_570 = tpu.bitcast %parallel_loop3A_569 : vector<16xf32> -> vector<16xi32>
        %parallel_loop3A_571 = arith.constant 1 : i32
        %parallel_loop3A_572 = vector.broadcast %parallel_loop3A_571 : i32 to vector<16xi32>
        %parallel_loop3A_573 = arith.andi %parallel_loop3A_570, %parallel_loop3A_572 : vector<16xi32>
        %parallel_loop3A_574 = arith.constant -2 : i32
        %parallel_loop3A_575 = vector.broadcast %parallel_loop3A_574 : i32 to vector<16xi32>
        %parallel_loop3A_576 = arith.andi %parallel_loop3A_570, %parallel_loop3A_575 : vector<16xi32>
        %parallel_loop3A_577 = tpu.bitcast %parallel_loop3A_576 : vector<16xi32> -> vector<16xf32>
        %parallel_loop3A_578 = arith.mulf %parallel_loop3A_577, %get3A_11 : vector<16xf32>
        %parallel_loop3A_579 = arith.fptosi %parallel_loop3A_578 : vector<16xf32> to vector<16xi32>
        %parallel_loop3A_580 = arith.constant 0 : i32
        %parallel_loop3A_581 = arith.constant 1023 : i32
        %parallel_loop3A_582 = vector.broadcast %parallel_loop3A_580 : i32 to vector<16xi32>
        %parallel_loop3A_583 = arith.maxsi %parallel_loop3A_582, %parallel_loop3A_579 : vector<16xi32>
        %parallel_loop3A_584 = vector.broadcast %parallel_loop3A_581 : i32 to vector<16xi32>
        %parallel_loop3A_585 = arith.minsi %parallel_loop3A_584, %parallel_loop3A_583 : vector<16xi32>
        %parallel_loop3A_586 = arith.sitofp %parallel_loop3A_585 : vector<16xi32> to vector<16xf32>
        %parallel_loop3A_587 = arith.subf %parallel_loop3A_578, %parallel_loop3A_586 : vector<16xf32>
        %parallel_loop3A_588 = arith.constant 0.000000e+00 : f32
        %parallel_loop3A_589 = vector.broadcast %parallel_loop3A_588 : f32 to vector<16xf32>
        %parallel_loop3A_590 = arith.cmpf ogt, %parallel_loop3A_577, %parallel_loop3A_589 : vector<16xf32>
        %parallel_loop3A_591 = arith.constant 16 : i32
        %parallel_loop3A_592 = vector.broadcast %parallel_loop3A_591 : i32 to vector<16xi32>
        %parallel_loop3A_593 = arith.muli %parallel_loop3A_585, %parallel_loop3A_592 : vector<16xi32>
        %parallel_loop3A_594 = arith.addi %parallel_loop3A_593, %iota3A : vector<16xi32>
        %parallel_loop3A_595 = arith.constant 32768 : i32
        %parallel_loop3A_596 = vector.broadcast %parallel_loop3A_595 : i32 to vector<16xi32>
        %parallel_loop3A_597 = arith.muli %parallel_loop3A_573, %parallel_loop3A_596 : vector<16xi32>
        %parallel_loop3A_598 = arith.addi %parallel_loop3A_594, %parallel_loop3A_597 : vector<16xi32>
        tpu.vector_store_idx %arg6[%parallel_loop3A_598], %broadcast_in_dim3A_10 masked %parallel_loop3A_590 {add = true} : memref<65536xf32, #tpu.memory_space<vmem>>[vector<16xi32>], vector<16xf32>, vector<16xi1>
        %parallel_loop3A_599 = arith.constant 16384 : i32
        %parallel_loop3A_600 = vector.broadcast %parallel_loop3A_599 : i32 to vector<16xi32>
        %parallel_loop3A_601 = arith.addi %parallel_loop3A_598, %parallel_loop3A_600 : vector<16xi32>
        tpu.vector_store_idx %arg6[%parallel_loop3A_601], %parallel_loop3A_587 masked %parallel_loop3A_590 {add = true} : memref<65536xf32, #tpu.memory_space<vmem>>[vector<16xi32>], vector<16xf32>, vector<16xi1>
        %parallel_loop3A_602 = arith.index_cast %and3A_38 : i32 to index
        %parallel_loop3A_603 = arith.index_cast %parallel_loop3A_61 : i32 to index
        %parallel_loop3A_604 = arith.constant 240 : index
        %parallel_loop3A_605 = tpu.vector_load %arg5[%parallel_loop3A_602, %parallel_loop3A_603, %parallel_loop3A_604] {strides = array<i32>} : memref<2x32x512xf32, #tpu.memory_space<vmem>>, vector<16xf32>,
        %parallel_loop3A_606 = tpu.bitcast %parallel_loop3A_605 : vector<16xf32> -> vector<16xi32>
        %parallel_loop3A_607 = arith.constant 1 : i32
        %parallel_loop3A_608 = vector.broadcast %parallel_loop3A_607 : i32 to vector<16xi32>
        %parallel_loop3A_609 = arith.andi %parallel_loop3A_606, %parallel_loop3A_608 : vector<16xi32>
        %parallel_loop3A_610 = arith.constant -2 : i32
        %parallel_loop3A_611 = vector.broadcast %parallel_loop3A_610 : i32 to vector<16xi32>
        %parallel_loop3A_612 = arith.andi %parallel_loop3A_606, %parallel_loop3A_611 : vector<16xi32>
        %parallel_loop3A_613 = tpu.bitcast %parallel_loop3A_612 : vector<16xi32> -> vector<16xf32>
        %parallel_loop3A_614 = arith.mulf %parallel_loop3A_613, %get3A_11 : vector<16xf32>
        %parallel_loop3A_615 = arith.fptosi %parallel_loop3A_614 : vector<16xf32> to vector<16xi32>
        %parallel_loop3A_616 = arith.constant 0 : i32
        %parallel_loop3A_617 = arith.constant 1023 : i32
        %parallel_loop3A_618 = vector.broadcast %parallel_loop3A_616 : i32 to vector<16xi32>
        %parallel_loop3A_619 = arith.maxsi %parallel_loop3A_618, %parallel_loop3A_615 : vector<16xi32>
        %parallel_loop3A_620 = vector.broadcast %parallel_loop3A_617 : i32 to vector<16xi32>
        %parallel_loop3A_621 = arith.minsi %parallel_loop3A_620, %parallel_loop3A_619 : vector<16xi32>
        %parallel_loop3A_622 = arith.sitofp %parallel_loop3A_621 : vector<16xi32> to vector<16xf32>
        %parallel_loop3A_623 = arith.subf %parallel_loop3A_614, %parallel_loop3A_622 : vector<16xf32>
        %parallel_loop3A_624 = arith.constant 0.000000e+00 : f32
        %parallel_loop3A_625 = vector.broadcast %parallel_loop3A_624 : f32 to vector<16xf32>
        %parallel_loop3A_626 = arith.cmpf ogt, %parallel_loop3A_613, %parallel_loop3A_625 : vector<16xf32>
        %parallel_loop3A_627 = arith.constant 16 : i32
        %parallel_loop3A_628 = vector.broadcast %parallel_loop3A_627 : i32 to vector<16xi32>
        %parallel_loop3A_629 = arith.muli %parallel_loop3A_621, %parallel_loop3A_628 : vector<16xi32>
        %parallel_loop3A_630 = arith.addi %parallel_loop3A_629, %iota3A : vector<16xi32>
        %parallel_loop3A_631 = arith.constant 32768 : i32
        %parallel_loop3A_632 = vector.broadcast %parallel_loop3A_631 : i32 to vector<16xi32>
        %parallel_loop3A_633 = arith.muli %parallel_loop3A_609, %parallel_loop3A_632 : vector<16xi32>
        %parallel_loop3A_634 = arith.addi %parallel_loop3A_630, %parallel_loop3A_633 : vector<16xi32>
        tpu.vector_store_idx %arg6[%parallel_loop3A_634], %broadcast_in_dim3A_10 masked %parallel_loop3A_626 {add = true} : memref<65536xf32, #tpu.memory_space<vmem>>[vector<16xi32>], vector<16xf32>, vector<16xi1>
        %parallel_loop3A_635 = arith.constant 16384 : i32
        %parallel_loop3A_636 = vector.broadcast %parallel_loop3A_635 : i32 to vector<16xi32>
        %parallel_loop3A_637 = arith.addi %parallel_loop3A_634, %parallel_loop3A_636 : vector<16xi32>
        tpu.vector_store_idx %arg6[%parallel_loop3A_637], %parallel_loop3A_623 masked %parallel_loop3A_626 {add = true} : memref<65536xf32, #tpu.memory_space<vmem>>[vector<16xi32>], vector<16xf32>, vector<16xi1>
        %parallel_loop3A_638 = arith.index_cast %and3A_38 : i32 to index
        %parallel_loop3A_639 = arith.index_cast %parallel_loop3A_61 : i32 to index
        %parallel_loop3A_640 = arith.constant 256 : index
        %parallel_loop3A_641 = tpu.vector_load %arg5[%parallel_loop3A_638, %parallel_loop3A_639, %parallel_loop3A_640] {strides = array<i32>} : memref<2x32x512xf32, #tpu.memory_space<vmem>>, vector<16xf32>,
        %parallel_loop3A_642 = tpu.bitcast %parallel_loop3A_641 : vector<16xf32> -> vector<16xi32>
        %parallel_loop3A_643 = arith.constant 1 : i32
        %parallel_loop3A_644 = vector.broadcast %parallel_loop3A_643 : i32 to vector<16xi32>
        %parallel_loop3A_645 = arith.andi %parallel_loop3A_642, %parallel_loop3A_644 : vector<16xi32>
        %parallel_loop3A_646 = arith.constant -2 : i32
        %parallel_loop3A_647 = vector.broadcast %parallel_loop3A_646 : i32 to vector<16xi32>
        %parallel_loop3A_648 = arith.andi %parallel_loop3A_642, %parallel_loop3A_647 : vector<16xi32>
        %parallel_loop3A_649 = tpu.bitcast %parallel_loop3A_648 : vector<16xi32> -> vector<16xf32>
        %parallel_loop3A_650 = arith.mulf %parallel_loop3A_649, %get3A_11 : vector<16xf32>
        %parallel_loop3A_651 = arith.fptosi %parallel_loop3A_650 : vector<16xf32> to vector<16xi32>
        %parallel_loop3A_652 = arith.constant 0 : i32
        %parallel_loop3A_653 = arith.constant 1023 : i32
        %parallel_loop3A_654 = vector.broadcast %parallel_loop3A_652 : i32 to vector<16xi32>
        %parallel_loop3A_655 = arith.maxsi %parallel_loop3A_654, %parallel_loop3A_651 : vector<16xi32>
        %parallel_loop3A_656 = vector.broadcast %parallel_loop3A_653 : i32 to vector<16xi32>
        %parallel_loop3A_657 = arith.minsi %parallel_loop3A_656, %parallel_loop3A_655 : vector<16xi32>
        %parallel_loop3A_658 = arith.sitofp %parallel_loop3A_657 : vector<16xi32> to vector<16xf32>
        %parallel_loop3A_659 = arith.subf %parallel_loop3A_650, %parallel_loop3A_658 : vector<16xf32>
        %parallel_loop3A_660 = arith.constant 0.000000e+00 : f32
        %parallel_loop3A_661 = vector.broadcast %parallel_loop3A_660 : f32 to vector<16xf32>
        %parallel_loop3A_662 = arith.cmpf ogt, %parallel_loop3A_649, %parallel_loop3A_661 : vector<16xf32>
        %parallel_loop3A_663 = arith.constant 16 : i32
        %parallel_loop3A_664 = vector.broadcast %parallel_loop3A_663 : i32 to vector<16xi32>
        %parallel_loop3A_665 = arith.muli %parallel_loop3A_657, %parallel_loop3A_664 : vector<16xi32>
        %parallel_loop3A_666 = arith.addi %parallel_loop3A_665, %iota3A : vector<16xi32>
        %parallel_loop3A_667 = arith.constant 32768 : i32
        %parallel_loop3A_668 = vector.broadcast %parallel_loop3A_667 : i32 to vector<16xi32>
        %parallel_loop3A_669 = arith.muli %parallel_loop3A_645, %parallel_loop3A_668 : vector<16xi32>
        %parallel_loop3A_670 = arith.addi %parallel_loop3A_666, %parallel_loop3A_669 : vector<16xi32>
        tpu.vector_store_idx %arg6[%parallel_loop3A_670], %broadcast_in_dim3A_10 masked %parallel_loop3A_662 {add = true} : memref<65536xf32, #tpu.memory_space<vmem>>[vector<16xi32>], vector<16xf32>, vector<16xi1>
        %parallel_loop3A_671 = arith.constant 16384 : i32
        %parallel_loop3A_672 = vector.broadcast %parallel_loop3A_671 : i32 to vector<16xi32>
        %parallel_loop3A_673 = arith.addi %parallel_loop3A_670, %parallel_loop3A_672 : vector<16xi32>
        tpu.vector_store_idx %arg6[%parallel_loop3A_673], %parallel_loop3A_659 masked %parallel_loop3A_662 {add = true} : memref<65536xf32, #tpu.memory_space<vmem>>[vector<16xi32>], vector<16xf32>, vector<16xi1>
        %parallel_loop3A_674 = arith.index_cast %and3A_38 : i32 to index
        %parallel_loop3A_675 = arith.index_cast %parallel_loop3A_61 : i32 to index
        %parallel_loop3A_676 = arith.constant 272 : index
        %parallel_loop3A_677 = tpu.vector_load %arg5[%parallel_loop3A_674, %parallel_loop3A_675, %parallel_loop3A_676] {strides = array<i32>} : memref<2x32x512xf32, #tpu.memory_space<vmem>>, vector<16xf32>,
        %parallel_loop3A_678 = tpu.bitcast %parallel_loop3A_677 : vector<16xf32> -> vector<16xi32>
        %parallel_loop3A_679 = arith.constant 1 : i32
        %parallel_loop3A_680 = vector.broadcast %parallel_loop3A_679 : i32 to vector<16xi32>
        %parallel_loop3A_681 = arith.andi %parallel_loop3A_678, %parallel_loop3A_680 : vector<16xi32>
        %parallel_loop3A_682 = arith.constant -2 : i32
        %parallel_loop3A_683 = vector.broadcast %parallel_loop3A_682 : i32 to vector<16xi32>
        %parallel_loop3A_684 = arith.andi %parallel_loop3A_678, %parallel_loop3A_683 : vector<16xi32>
        %parallel_loop3A_685 = tpu.bitcast %parallel_loop3A_684 : vector<16xi32> -> vector<16xf32>
        %parallel_loop3A_686 = arith.mulf %parallel_loop3A_685, %get3A_11 : vector<16xf32>
        %parallel_loop3A_687 = arith.fptosi %parallel_loop3A_686 : vector<16xf32> to vector<16xi32>
        %parallel_loop3A_688 = arith.constant 0 : i32
        %parallel_loop3A_689 = arith.constant 1023 : i32
        %parallel_loop3A_690 = vector.broadcast %parallel_loop3A_688 : i32 to vector<16xi32>
        %parallel_loop3A_691 = arith.maxsi %parallel_loop3A_690, %parallel_loop3A_687 : vector<16xi32>
        %parallel_loop3A_692 = vector.broadcast %parallel_loop3A_689 : i32 to vector<16xi32>
        %parallel_loop3A_693 = arith.minsi %parallel_loop3A_692, %parallel_loop3A_691 : vector<16xi32>
        %parallel_loop3A_694 = arith.sitofp %parallel_loop3A_693 : vector<16xi32> to vector<16xf32>
        %parallel_loop3A_695 = arith.subf %parallel_loop3A_686, %parallel_loop3A_694 : vector<16xf32>
        %parallel_loop3A_696 = arith.constant 0.000000e+00 : f32
        %parallel_loop3A_697 = vector.broadcast %parallel_loop3A_696 : f32 to vector<16xf32>
        %parallel_loop3A_698 = arith.cmpf ogt, %parallel_loop3A_685, %parallel_loop3A_697 : vector<16xf32>
        %parallel_loop3A_699 = arith.constant 16 : i32
        %parallel_loop3A_700 = vector.broadcast %parallel_loop3A_699 : i32 to vector<16xi32>
        %parallel_loop3A_701 = arith.muli %parallel_loop3A_693, %parallel_loop3A_700 : vector<16xi32>
        %parallel_loop3A_702 = arith.addi %parallel_loop3A_701, %iota3A : vector<16xi32>
        %parallel_loop3A_703 = arith.constant 32768 : i32
        %parallel_loop3A_704 = vector.broadcast %parallel_loop3A_703 : i32 to vector<16xi32>
        %parallel_loop3A_705 = arith.muli %parallel_loop3A_681, %parallel_loop3A_704 : vector<16xi32>
        %parallel_loop3A_706 = arith.addi %parallel_loop3A_702, %parallel_loop3A_705 : vector<16xi32>
        tpu.vector_store_idx %arg6[%parallel_loop3A_706], %broadcast_in_dim3A_10 masked %parallel_loop3A_698 {add = true} : memref<65536xf32, #tpu.memory_space<vmem>>[vector<16xi32>], vector<16xf32>, vector<16xi1>
        %parallel_loop3A_707 = arith.constant 16384 : i32
        %parallel_loop3A_708 = vector.broadcast %parallel_loop3A_707 : i32 to vector<16xi32>
        %parallel_loop3A_709 = arith.addi %parallel_loop3A_706, %parallel_loop3A_708 : vector<16xi32>
        tpu.vector_store_idx %arg6[%parallel_loop3A_709], %parallel_loop3A_695 masked %parallel_loop3A_698 {add = true} : memref<65536xf32, #tpu.memory_space<vmem>>[vector<16xi32>], vector<16xf32>, vector<16xi1>
        %parallel_loop3A_710 = arith.index_cast %and3A_38 : i32 to index
        %parallel_loop3A_711 = arith.index_cast %parallel_loop3A_61 : i32 to index
        %parallel_loop3A_712 = arith.constant 288 : index
        %parallel_loop3A_713 = tpu.vector_load %arg5[%parallel_loop3A_710, %parallel_loop3A_711, %parallel_loop3A_712] {strides = array<i32>} : memref<2x32x512xf32, #tpu.memory_space<vmem>>, vector<16xf32>,
        %parallel_loop3A_714 = tpu.bitcast %parallel_loop3A_713 : vector<16xf32> -> vector<16xi32>
        %parallel_loop3A_715 = arith.constant 1 : i32
        %parallel_loop3A_716 = vector.broadcast %parallel_loop3A_715 : i32 to vector<16xi32>
        %parallel_loop3A_717 = arith.andi %parallel_loop3A_714, %parallel_loop3A_716 : vector<16xi32>
        %parallel_loop3A_718 = arith.constant -2 : i32
        %parallel_loop3A_719 = vector.broadcast %parallel_loop3A_718 : i32 to vector<16xi32>
        %parallel_loop3A_720 = arith.andi %parallel_loop3A_714, %parallel_loop3A_719 : vector<16xi32>
        %parallel_loop3A_721 = tpu.bitcast %parallel_loop3A_720 : vector<16xi32> -> vector<16xf32>
        %parallel_loop3A_722 = arith.mulf %parallel_loop3A_721, %get3A_11 : vector<16xf32>
        %parallel_loop3A_723 = arith.fptosi %parallel_loop3A_722 : vector<16xf32> to vector<16xi32>
        %parallel_loop3A_724 = arith.constant 0 : i32
        %parallel_loop3A_725 = arith.constant 1023 : i32
        %parallel_loop3A_726 = vector.broadcast %parallel_loop3A_724 : i32 to vector<16xi32>
        %parallel_loop3A_727 = arith.maxsi %parallel_loop3A_726, %parallel_loop3A_723 : vector<16xi32>
        %parallel_loop3A_728 = vector.broadcast %parallel_loop3A_725 : i32 to vector<16xi32>
        %parallel_loop3A_729 = arith.minsi %parallel_loop3A_728, %parallel_loop3A_727 : vector<16xi32>
        %parallel_loop3A_730 = arith.sitofp %parallel_loop3A_729 : vector<16xi32> to vector<16xf32>
        %parallel_loop3A_731 = arith.subf %parallel_loop3A_722, %parallel_loop3A_730 : vector<16xf32>
        %parallel_loop3A_732 = arith.constant 0.000000e+00 : f32
        %parallel_loop3A_733 = vector.broadcast %parallel_loop3A_732 : f32 to vector<16xf32>
        %parallel_loop3A_734 = arith.cmpf ogt, %parallel_loop3A_721, %parallel_loop3A_733 : vector<16xf32>
        %parallel_loop3A_735 = arith.constant 16 : i32
        %parallel_loop3A_736 = vector.broadcast %parallel_loop3A_735 : i32 to vector<16xi32>
        %parallel_loop3A_737 = arith.muli %parallel_loop3A_729, %parallel_loop3A_736 : vector<16xi32>
        %parallel_loop3A_738 = arith.addi %parallel_loop3A_737, %iota3A : vector<16xi32>
        %parallel_loop3A_739 = arith.constant 32768 : i32
        %parallel_loop3A_740 = vector.broadcast %parallel_loop3A_739 : i32 to vector<16xi32>
        %parallel_loop3A_741 = arith.muli %parallel_loop3A_717, %parallel_loop3A_740 : vector<16xi32>
        %parallel_loop3A_742 = arith.addi %parallel_loop3A_738, %parallel_loop3A_741 : vector<16xi32>
        tpu.vector_store_idx %arg6[%parallel_loop3A_742], %broadcast_in_dim3A_10 masked %parallel_loop3A_734 {add = true} : memref<65536xf32, #tpu.memory_space<vmem>>[vector<16xi32>], vector<16xf32>, vector<16xi1>
        %parallel_loop3A_743 = arith.constant 16384 : i32
        %parallel_loop3A_744 = vector.broadcast %parallel_loop3A_743 : i32 to vector<16xi32>
        %parallel_loop3A_745 = arith.addi %parallel_loop3A_742, %parallel_loop3A_744 : vector<16xi32>
        tpu.vector_store_idx %arg6[%parallel_loop3A_745], %parallel_loop3A_731 masked %parallel_loop3A_734 {add = true} : memref<65536xf32, #tpu.memory_space<vmem>>[vector<16xi32>], vector<16xf32>, vector<16xi1>
        %parallel_loop3A_746 = arith.index_cast %and3A_38 : i32 to index
        %parallel_loop3A_747 = arith.index_cast %parallel_loop3A_61 : i32 to index
        %parallel_loop3A_748 = arith.constant 304 : index
        %parallel_loop3A_749 = tpu.vector_load %arg5[%parallel_loop3A_746, %parallel_loop3A_747, %parallel_loop3A_748] {strides = array<i32>} : memref<2x32x512xf32, #tpu.memory_space<vmem>>, vector<16xf32>,
        %parallel_loop3A_750 = tpu.bitcast %parallel_loop3A_749 : vector<16xf32> -> vector<16xi32>
        %parallel_loop3A_751 = arith.constant 1 : i32
        %parallel_loop3A_752 = vector.broadcast %parallel_loop3A_751 : i32 to vector<16xi32>
        %parallel_loop3A_753 = arith.andi %parallel_loop3A_750, %parallel_loop3A_752 : vector<16xi32>
        %parallel_loop3A_754 = arith.constant -2 : i32
        %parallel_loop3A_755 = vector.broadcast %parallel_loop3A_754 : i32 to vector<16xi32>
        %parallel_loop3A_756 = arith.andi %parallel_loop3A_750, %parallel_loop3A_755 : vector<16xi32>
        %parallel_loop3A_757 = tpu.bitcast %parallel_loop3A_756 : vector<16xi32> -> vector<16xf32>
        %parallel_loop3A_758 = arith.mulf %parallel_loop3A_757, %get3A_11 : vector<16xf32>
        %parallel_loop3A_759 = arith.fptosi %parallel_loop3A_758 : vector<16xf32> to vector<16xi32>
        %parallel_loop3A_760 = arith.constant 0 : i32
        %parallel_loop3A_761 = arith.constant 1023 : i32
        %parallel_loop3A_762 = vector.broadcast %parallel_loop3A_760 : i32 to vector<16xi32>
        %parallel_loop3A_763 = arith.maxsi %parallel_loop3A_762, %parallel_loop3A_759 : vector<16xi32>
        %parallel_loop3A_764 = vector.broadcast %parallel_loop3A_761 : i32 to vector<16xi32>
        %parallel_loop3A_765 = arith.minsi %parallel_loop3A_764, %parallel_loop3A_763 : vector<16xi32>
        %parallel_loop3A_766 = arith.sitofp %parallel_loop3A_765 : vector<16xi32> to vector<16xf32>
        %parallel_loop3A_767 = arith.subf %parallel_loop3A_758, %parallel_loop3A_766 : vector<16xf32>
        %parallel_loop3A_768 = arith.constant 0.000000e+00 : f32
        %parallel_loop3A_769 = vector.broadcast %parallel_loop3A_768 : f32 to vector<16xf32>
        %parallel_loop3A_770 = arith.cmpf ogt, %parallel_loop3A_757, %parallel_loop3A_769 : vector<16xf32>
        %parallel_loop3A_771 = arith.constant 16 : i32
        %parallel_loop3A_772 = vector.broadcast %parallel_loop3A_771 : i32 to vector<16xi32>
        %parallel_loop3A_773 = arith.muli %parallel_loop3A_765, %parallel_loop3A_772 : vector<16xi32>
        %parallel_loop3A_774 = arith.addi %parallel_loop3A_773, %iota3A : vector<16xi32>
        %parallel_loop3A_775 = arith.constant 32768 : i32
        %parallel_loop3A_776 = vector.broadcast %parallel_loop3A_775 : i32 to vector<16xi32>
        %parallel_loop3A_777 = arith.muli %parallel_loop3A_753, %parallel_loop3A_776 : vector<16xi32>
        %parallel_loop3A_778 = arith.addi %parallel_loop3A_774, %parallel_loop3A_777 : vector<16xi32>
        tpu.vector_store_idx %arg6[%parallel_loop3A_778], %broadcast_in_dim3A_10 masked %parallel_loop3A_770 {add = true} : memref<65536xf32, #tpu.memory_space<vmem>>[vector<16xi32>], vector<16xf32>, vector<16xi1>
        %parallel_loop3A_779 = arith.constant 16384 : i32
        %parallel_loop3A_780 = vector.broadcast %parallel_loop3A_779 : i32 to vector<16xi32>
        %parallel_loop3A_781 = arith.addi %parallel_loop3A_778, %parallel_loop3A_780 : vector<16xi32>
        tpu.vector_store_idx %arg6[%parallel_loop3A_781], %parallel_loop3A_767 masked %parallel_loop3A_770 {add = true} : memref<65536xf32, #tpu.memory_space<vmem>>[vector<16xi32>], vector<16xf32>, vector<16xi1>
        %parallel_loop3A_782 = arith.index_cast %and3A_38 : i32 to index
        %parallel_loop3A_783 = arith.index_cast %parallel_loop3A_61 : i32 to index
        %parallel_loop3A_784 = arith.constant 320 : index
        %parallel_loop3A_785 = tpu.vector_load %arg5[%parallel_loop3A_782, %parallel_loop3A_783, %parallel_loop3A_784] {strides = array<i32>} : memref<2x32x512xf32, #tpu.memory_space<vmem>>, vector<16xf32>,
        %parallel_loop3A_786 = tpu.bitcast %parallel_loop3A_785 : vector<16xf32> -> vector<16xi32>
        %parallel_loop3A_787 = arith.constant 1 : i32
        %parallel_loop3A_788 = vector.broadcast %parallel_loop3A_787 : i32 to vector<16xi32>
        %parallel_loop3A_789 = arith.andi %parallel_loop3A_786, %parallel_loop3A_788 : vector<16xi32>
        %parallel_loop3A_790 = arith.constant -2 : i32
        %parallel_loop3A_791 = vector.broadcast %parallel_loop3A_790 : i32 to vector<16xi32>
        %parallel_loop3A_792 = arith.andi %parallel_loop3A_786, %parallel_loop3A_791 : vector<16xi32>
        %parallel_loop3A_793 = tpu.bitcast %parallel_loop3A_792 : vector<16xi32> -> vector<16xf32>
        %parallel_loop3A_794 = arith.mulf %parallel_loop3A_793, %get3A_11 : vector<16xf32>
        %parallel_loop3A_795 = arith.fptosi %parallel_loop3A_794 : vector<16xf32> to vector<16xi32>
        %parallel_loop3A_796 = arith.constant 0 : i32
        %parallel_loop3A_797 = arith.constant 1023 : i32
        %parallel_loop3A_798 = vector.broadcast %parallel_loop3A_796 : i32 to vector<16xi32>
        %parallel_loop3A_799 = arith.maxsi %parallel_loop3A_798, %parallel_loop3A_795 : vector<16xi32>
        %parallel_loop3A_800 = vector.broadcast %parallel_loop3A_797 : i32 to vector<16xi32>
        %parallel_loop3A_801 = arith.minsi %parallel_loop3A_800, %parallel_loop3A_799 : vector<16xi32>
        %parallel_loop3A_802 = arith.sitofp %parallel_loop3A_801 : vector<16xi32> to vector<16xf32>
        %parallel_loop3A_803 = arith.subf %parallel_loop3A_794, %parallel_loop3A_802 : vector<16xf32>
        %parallel_loop3A_804 = arith.constant 0.000000e+00 : f32
        %parallel_loop3A_805 = vector.broadcast %parallel_loop3A_804 : f32 to vector<16xf32>
        %parallel_loop3A_806 = arith.cmpf ogt, %parallel_loop3A_793, %parallel_loop3A_805 : vector<16xf32>
        %parallel_loop3A_807 = arith.constant 16 : i32
        %parallel_loop3A_808 = vector.broadcast %parallel_loop3A_807 : i32 to vector<16xi32>
        %parallel_loop3A_809 = arith.muli %parallel_loop3A_801, %parallel_loop3A_808 : vector<16xi32>
        %parallel_loop3A_810 = arith.addi %parallel_loop3A_809, %iota3A : vector<16xi32>
        %parallel_loop3A_811 = arith.constant 32768 : i32
        %parallel_loop3A_812 = vector.broadcast %parallel_loop3A_811 : i32 to vector<16xi32>
        %parallel_loop3A_813 = arith.muli %parallel_loop3A_789, %parallel_loop3A_812 : vector<16xi32>
        %parallel_loop3A_814 = arith.addi %parallel_loop3A_810, %parallel_loop3A_813 : vector<16xi32>
        tpu.vector_store_idx %arg6[%parallel_loop3A_814], %broadcast_in_dim3A_10 masked %parallel_loop3A_806 {add = true} : memref<65536xf32, #tpu.memory_space<vmem>>[vector<16xi32>], vector<16xf32>, vector<16xi1>
        %parallel_loop3A_815 = arith.constant 16384 : i32
        %parallel_loop3A_816 = vector.broadcast %parallel_loop3A_815 : i32 to vector<16xi32>
        %parallel_loop3A_817 = arith.addi %parallel_loop3A_814, %parallel_loop3A_816 : vector<16xi32>
        tpu.vector_store_idx %arg6[%parallel_loop3A_817], %parallel_loop3A_803 masked %parallel_loop3A_806 {add = true} : memref<65536xf32, #tpu.memory_space<vmem>>[vector<16xi32>], vector<16xf32>, vector<16xi1>
        %parallel_loop3A_818 = arith.index_cast %and3A_38 : i32 to index
        %parallel_loop3A_819 = arith.index_cast %parallel_loop3A_61 : i32 to index
        %parallel_loop3A_820 = arith.constant 336 : index
        %parallel_loop3A_821 = tpu.vector_load %arg5[%parallel_loop3A_818, %parallel_loop3A_819, %parallel_loop3A_820] {strides = array<i32>} : memref<2x32x512xf32, #tpu.memory_space<vmem>>, vector<16xf32>,
        %parallel_loop3A_822 = tpu.bitcast %parallel_loop3A_821 : vector<16xf32> -> vector<16xi32>
        %parallel_loop3A_823 = arith.constant 1 : i32
        %parallel_loop3A_824 = vector.broadcast %parallel_loop3A_823 : i32 to vector<16xi32>
        %parallel_loop3A_825 = arith.andi %parallel_loop3A_822, %parallel_loop3A_824 : vector<16xi32>
        %parallel_loop3A_826 = arith.constant -2 : i32
        %parallel_loop3A_827 = vector.broadcast %parallel_loop3A_826 : i32 to vector<16xi32>
        %parallel_loop3A_828 = arith.andi %parallel_loop3A_822, %parallel_loop3A_827 : vector<16xi32>
        %parallel_loop3A_829 = tpu.bitcast %parallel_loop3A_828 : vector<16xi32> -> vector<16xf32>
        %parallel_loop3A_830 = arith.mulf %parallel_loop3A_829, %get3A_11 : vector<16xf32>
        %parallel_loop3A_831 = arith.fptosi %parallel_loop3A_830 : vector<16xf32> to vector<16xi32>
        %parallel_loop3A_832 = arith.constant 0 : i32
        %parallel_loop3A_833 = arith.constant 1023 : i32
        %parallel_loop3A_834 = vector.broadcast %parallel_loop3A_832 : i32 to vector<16xi32>
        %parallel_loop3A_835 = arith.maxsi %parallel_loop3A_834, %parallel_loop3A_831 : vector<16xi32>
        %parallel_loop3A_836 = vector.broadcast %parallel_loop3A_833 : i32 to vector<16xi32>
        %parallel_loop3A_837 = arith.minsi %parallel_loop3A_836, %parallel_loop3A_835 : vector<16xi32>
        %parallel_loop3A_838 = arith.sitofp %parallel_loop3A_837 : vector<16xi32> to vector<16xf32>
        %parallel_loop3A_839 = arith.subf %parallel_loop3A_830, %parallel_loop3A_838 : vector<16xf32>
        %parallel_loop3A_840 = arith.constant 0.000000e+00 : f32
        %parallel_loop3A_841 = vector.broadcast %parallel_loop3A_840 : f32 to vector<16xf32>
        %parallel_loop3A_842 = arith.cmpf ogt, %parallel_loop3A_829, %parallel_loop3A_841 : vector<16xf32>
        %parallel_loop3A_843 = arith.constant 16 : i32
        %parallel_loop3A_844 = vector.broadcast %parallel_loop3A_843 : i32 to vector<16xi32>
        %parallel_loop3A_845 = arith.muli %parallel_loop3A_837, %parallel_loop3A_844 : vector<16xi32>
        %parallel_loop3A_846 = arith.addi %parallel_loop3A_845, %iota3A : vector<16xi32>
        %parallel_loop3A_847 = arith.constant 32768 : i32
        %parallel_loop3A_848 = vector.broadcast %parallel_loop3A_847 : i32 to vector<16xi32>
        %parallel_loop3A_849 = arith.muli %parallel_loop3A_825, %parallel_loop3A_848 : vector<16xi32>
        %parallel_loop3A_850 = arith.addi %parallel_loop3A_846, %parallel_loop3A_849 : vector<16xi32>
        tpu.vector_store_idx %arg6[%parallel_loop3A_850], %broadcast_in_dim3A_10 masked %parallel_loop3A_842 {add = true} : memref<65536xf32, #tpu.memory_space<vmem>>[vector<16xi32>], vector<16xf32>, vector<16xi1>
        %parallel_loop3A_851 = arith.constant 16384 : i32
        %parallel_loop3A_852 = vector.broadcast %parallel_loop3A_851 : i32 to vector<16xi32>
        %parallel_loop3A_853 = arith.addi %parallel_loop3A_850, %parallel_loop3A_852 : vector<16xi32>
        tpu.vector_store_idx %arg6[%parallel_loop3A_853], %parallel_loop3A_839 masked %parallel_loop3A_842 {add = true} : memref<65536xf32, #tpu.memory_space<vmem>>[vector<16xi32>], vector<16xf32>, vector<16xi1>
        %parallel_loop3A_854 = arith.index_cast %and3A_38 : i32 to index
        %parallel_loop3A_855 = arith.index_cast %parallel_loop3A_61 : i32 to index
        %parallel_loop3A_856 = arith.constant 352 : index
        %parallel_loop3A_857 = tpu.vector_load %arg5[%parallel_loop3A_854, %parallel_loop3A_855, %parallel_loop3A_856] {strides = array<i32>} : memref<2x32x512xf32, #tpu.memory_space<vmem>>, vector<16xf32>,
        %parallel_loop3A_858 = tpu.bitcast %parallel_loop3A_857 : vector<16xf32> -> vector<16xi32>
        %parallel_loop3A_859 = arith.constant 1 : i32
        %parallel_loop3A_860 = vector.broadcast %parallel_loop3A_859 : i32 to vector<16xi32>
        %parallel_loop3A_861 = arith.andi %parallel_loop3A_858, %parallel_loop3A_860 : vector<16xi32>
        %parallel_loop3A_862 = arith.constant -2 : i32
        %parallel_loop3A_863 = vector.broadcast %parallel_loop3A_862 : i32 to vector<16xi32>
        %parallel_loop3A_864 = arith.andi %parallel_loop3A_858, %parallel_loop3A_863 : vector<16xi32>
        %parallel_loop3A_865 = tpu.bitcast %parallel_loop3A_864 : vector<16xi32> -> vector<16xf32>
        %parallel_loop3A_866 = arith.mulf %parallel_loop3A_865, %get3A_11 : vector<16xf32>
        %parallel_loop3A_867 = arith.fptosi %parallel_loop3A_866 : vector<16xf32> to vector<16xi32>
        %parallel_loop3A_868 = arith.constant 0 : i32
        %parallel_loop3A_869 = arith.constant 1023 : i32
        %parallel_loop3A_870 = vector.broadcast %parallel_loop3A_868 : i32 to vector<16xi32>
        %parallel_loop3A_871 = arith.maxsi %parallel_loop3A_870, %parallel_loop3A_867 : vector<16xi32>
        %parallel_loop3A_872 = vector.broadcast %parallel_loop3A_869 : i32 to vector<16xi32>
        %parallel_loop3A_873 = arith.minsi %parallel_loop3A_872, %parallel_loop3A_871 : vector<16xi32>
        %parallel_loop3A_874 = arith.sitofp %parallel_loop3A_873 : vector<16xi32> to vector<16xf32>
        %parallel_loop3A_875 = arith.subf %parallel_loop3A_866, %parallel_loop3A_874 : vector<16xf32>
        %parallel_loop3A_876 = arith.constant 0.000000e+00 : f32
        %parallel_loop3A_877 = vector.broadcast %parallel_loop3A_876 : f32 to vector<16xf32>
        %parallel_loop3A_878 = arith.cmpf ogt, %parallel_loop3A_865, %parallel_loop3A_877 : vector<16xf32>
        %parallel_loop3A_879 = arith.constant 16 : i32
        %parallel_loop3A_880 = vector.broadcast %parallel_loop3A_879 : i32 to vector<16xi32>
        %parallel_loop3A_881 = arith.muli %parallel_loop3A_873, %parallel_loop3A_880 : vector<16xi32>
        %parallel_loop3A_882 = arith.addi %parallel_loop3A_881, %iota3A : vector<16xi32>
        %parallel_loop3A_883 = arith.constant 32768 : i32
        %parallel_loop3A_884 = vector.broadcast %parallel_loop3A_883 : i32 to vector<16xi32>
        %parallel_loop3A_885 = arith.muli %parallel_loop3A_861, %parallel_loop3A_884 : vector<16xi32>
        %parallel_loop3A_886 = arith.addi %parallel_loop3A_882, %parallel_loop3A_885 : vector<16xi32>
        tpu.vector_store_idx %arg6[%parallel_loop3A_886], %broadcast_in_dim3A_10 masked %parallel_loop3A_878 {add = true} : memref<65536xf32, #tpu.memory_space<vmem>>[vector<16xi32>], vector<16xf32>, vector<16xi1>
        %parallel_loop3A_887 = arith.constant 16384 : i32
        %parallel_loop3A_888 = vector.broadcast %parallel_loop3A_887 : i32 to vector<16xi32>
        %parallel_loop3A_889 = arith.addi %parallel_loop3A_886, %parallel_loop3A_888 : vector<16xi32>
        tpu.vector_store_idx %arg6[%parallel_loop3A_889], %parallel_loop3A_875 masked %parallel_loop3A_878 {add = true} : memref<65536xf32, #tpu.memory_space<vmem>>[vector<16xi32>], vector<16xf32>, vector<16xi1>
        %parallel_loop3A_890 = arith.index_cast %and3A_38 : i32 to index
        %parallel_loop3A_891 = arith.index_cast %parallel_loop3A_61 : i32 to index
        %parallel_loop3A_892 = arith.constant 368 : index
        %parallel_loop3A_893 = tpu.vector_load %arg5[%parallel_loop3A_890, %parallel_loop3A_891, %parallel_loop3A_892] {strides = array<i32>} : memref<2x32x512xf32, #tpu.memory_space<vmem>>, vector<16xf32>,
        %parallel_loop3A_894 = tpu.bitcast %parallel_loop3A_893 : vector<16xf32> -> vector<16xi32>
        %parallel_loop3A_895 = arith.constant 1 : i32
        %parallel_loop3A_896 = vector.broadcast %parallel_loop3A_895 : i32 to vector<16xi32>
        %parallel_loop3A_897 = arith.andi %parallel_loop3A_894, %parallel_loop3A_896 : vector<16xi32>
        %parallel_loop3A_898 = arith.constant -2 : i32
        %parallel_loop3A_899 = vector.broadcast %parallel_loop3A_898 : i32 to vector<16xi32>
        %parallel_loop3A_900 = arith.andi %parallel_loop3A_894, %parallel_loop3A_899 : vector<16xi32>
        %parallel_loop3A_901 = tpu.bitcast %parallel_loop3A_900 : vector<16xi32> -> vector<16xf32>
        %parallel_loop3A_902 = arith.mulf %parallel_loop3A_901, %get3A_11 : vector<16xf32>
        %parallel_loop3A_903 = arith.fptosi %parallel_loop3A_902 : vector<16xf32> to vector<16xi32>
        %parallel_loop3A_904 = arith.constant 0 : i32
        %parallel_loop3A_905 = arith.constant 1023 : i32
        %parallel_loop3A_906 = vector.broadcast %parallel_loop3A_904 : i32 to vector<16xi32>
        %parallel_loop3A_907 = arith.maxsi %parallel_loop3A_906, %parallel_loop3A_903 : vector<16xi32>
        %parallel_loop3A_908 = vector.broadcast %parallel_loop3A_905 : i32 to vector<16xi32>
        %parallel_loop3A_909 = arith.minsi %parallel_loop3A_908, %parallel_loop3A_907 : vector<16xi32>
        %parallel_loop3A_910 = arith.sitofp %parallel_loop3A_909 : vector<16xi32> to vector<16xf32>
        %parallel_loop3A_911 = arith.subf %parallel_loop3A_902, %parallel_loop3A_910 : vector<16xf32>
        %parallel_loop3A_912 = arith.constant 0.000000e+00 : f32
        %parallel_loop3A_913 = vector.broadcast %parallel_loop3A_912 : f32 to vector<16xf32>
        %parallel_loop3A_914 = arith.cmpf ogt, %parallel_loop3A_901, %parallel_loop3A_913 : vector<16xf32>
        %parallel_loop3A_915 = arith.constant 16 : i32
        %parallel_loop3A_916 = vector.broadcast %parallel_loop3A_915 : i32 to vector<16xi32>
        %parallel_loop3A_917 = arith.muli %parallel_loop3A_909, %parallel_loop3A_916 : vector<16xi32>
        %parallel_loop3A_918 = arith.addi %parallel_loop3A_917, %iota3A : vector<16xi32>
        %parallel_loop3A_919 = arith.constant 32768 : i32
        %parallel_loop3A_920 = vector.broadcast %parallel_loop3A_919 : i32 to vector<16xi32>
        %parallel_loop3A_921 = arith.muli %parallel_loop3A_897, %parallel_loop3A_920 : vector<16xi32>
        %parallel_loop3A_922 = arith.addi %parallel_loop3A_918, %parallel_loop3A_921 : vector<16xi32>
        tpu.vector_store_idx %arg6[%parallel_loop3A_922], %broadcast_in_dim3A_10 masked %parallel_loop3A_914 {add = true} : memref<65536xf32, #tpu.memory_space<vmem>>[vector<16xi32>], vector<16xf32>, vector<16xi1>
        %parallel_loop3A_923 = arith.constant 16384 : i32
        %parallel_loop3A_924 = vector.broadcast %parallel_loop3A_923 : i32 to vector<16xi32>
        %parallel_loop3A_925 = arith.addi %parallel_loop3A_922, %parallel_loop3A_924 : vector<16xi32>
        tpu.vector_store_idx %arg6[%parallel_loop3A_925], %parallel_loop3A_911 masked %parallel_loop3A_914 {add = true} : memref<65536xf32, #tpu.memory_space<vmem>>[vector<16xi32>], vector<16xf32>, vector<16xi1>
        %parallel_loop3A_926 = arith.index_cast %and3A_38 : i32 to index
        %parallel_loop3A_927 = arith.index_cast %parallel_loop3A_61 : i32 to index
        %parallel_loop3A_928 = arith.constant 384 : index
        %parallel_loop3A_929 = tpu.vector_load %arg5[%parallel_loop3A_926, %parallel_loop3A_927, %parallel_loop3A_928] {strides = array<i32>} : memref<2x32x512xf32, #tpu.memory_space<vmem>>, vector<16xf32>,
        %parallel_loop3A_930 = tpu.bitcast %parallel_loop3A_929 : vector<16xf32> -> vector<16xi32>
        %parallel_loop3A_931 = arith.constant 1 : i32
        %parallel_loop3A_932 = vector.broadcast %parallel_loop3A_931 : i32 to vector<16xi32>
        %parallel_loop3A_933 = arith.andi %parallel_loop3A_930, %parallel_loop3A_932 : vector<16xi32>
        %parallel_loop3A_934 = arith.constant -2 : i32
        %parallel_loop3A_935 = vector.broadcast %parallel_loop3A_934 : i32 to vector<16xi32>
        %parallel_loop3A_936 = arith.andi %parallel_loop3A_930, %parallel_loop3A_935 : vector<16xi32>
        %parallel_loop3A_937 = tpu.bitcast %parallel_loop3A_936 : vector<16xi32> -> vector<16xf32>
        %parallel_loop3A_938 = arith.mulf %parallel_loop3A_937, %get3A_11 : vector<16xf32>
        %parallel_loop3A_939 = arith.fptosi %parallel_loop3A_938 : vector<16xf32> to vector<16xi32>
        %parallel_loop3A_940 = arith.constant 0 : i32
        %parallel_loop3A_941 = arith.constant 1023 : i32
        %parallel_loop3A_942 = vector.broadcast %parallel_loop3A_940 : i32 to vector<16xi32>
        %parallel_loop3A_943 = arith.maxsi %parallel_loop3A_942, %parallel_loop3A_939 : vector<16xi32>
        %parallel_loop3A_944 = vector.broadcast %parallel_loop3A_941 : i32 to vector<16xi32>
        %parallel_loop3A_945 = arith.minsi %parallel_loop3A_944, %parallel_loop3A_943 : vector<16xi32>
        %parallel_loop3A_946 = arith.sitofp %parallel_loop3A_945 : vector<16xi32> to vector<16xf32>
        %parallel_loop3A_947 = arith.subf %parallel_loop3A_938, %parallel_loop3A_946 : vector<16xf32>
        %parallel_loop3A_948 = arith.constant 0.000000e+00 : f32
        %parallel_loop3A_949 = vector.broadcast %parallel_loop3A_948 : f32 to vector<16xf32>
        %parallel_loop3A_950 = arith.cmpf ogt, %parallel_loop3A_937, %parallel_loop3A_949 : vector<16xf32>
        %parallel_loop3A_951 = arith.constant 16 : i32
        %parallel_loop3A_952 = vector.broadcast %parallel_loop3A_951 : i32 to vector<16xi32>
        %parallel_loop3A_953 = arith.muli %parallel_loop3A_945, %parallel_loop3A_952 : vector<16xi32>
        %parallel_loop3A_954 = arith.addi %parallel_loop3A_953, %iota3A : vector<16xi32>
        %parallel_loop3A_955 = arith.constant 32768 : i32
        %parallel_loop3A_956 = vector.broadcast %parallel_loop3A_955 : i32 to vector<16xi32>
        %parallel_loop3A_957 = arith.muli %parallel_loop3A_933, %parallel_loop3A_956 : vector<16xi32>
        %parallel_loop3A_958 = arith.addi %parallel_loop3A_954, %parallel_loop3A_957 : vector<16xi32>
        tpu.vector_store_idx %arg6[%parallel_loop3A_958], %broadcast_in_dim3A_10 masked %parallel_loop3A_950 {add = true} : memref<65536xf32, #tpu.memory_space<vmem>>[vector<16xi32>], vector<16xf32>, vector<16xi1>
        %parallel_loop3A_959 = arith.constant 16384 : i32
        %parallel_loop3A_960 = vector.broadcast %parallel_loop3A_959 : i32 to vector<16xi32>
        %parallel_loop3A_961 = arith.addi %parallel_loop3A_958, %parallel_loop3A_960 : vector<16xi32>
        tpu.vector_store_idx %arg6[%parallel_loop3A_961], %parallel_loop3A_947 masked %parallel_loop3A_950 {add = true} : memref<65536xf32, #tpu.memory_space<vmem>>[vector<16xi32>], vector<16xf32>, vector<16xi1>
        %parallel_loop3A_962 = arith.index_cast %and3A_38 : i32 to index
        %parallel_loop3A_963 = arith.index_cast %parallel_loop3A_61 : i32 to index
        %parallel_loop3A_964 = arith.constant 400 : index
        %parallel_loop3A_965 = tpu.vector_load %arg5[%parallel_loop3A_962, %parallel_loop3A_963, %parallel_loop3A_964] {strides = array<i32>} : memref<2x32x512xf32, #tpu.memory_space<vmem>>, vector<16xf32>,
        %parallel_loop3A_966 = tpu.bitcast %parallel_loop3A_965 : vector<16xf32> -> vector<16xi32>
        %parallel_loop3A_967 = arith.constant 1 : i32
        %parallel_loop3A_968 = vector.broadcast %parallel_loop3A_967 : i32 to vector<16xi32>
        %parallel_loop3A_969 = arith.andi %parallel_loop3A_966, %parallel_loop3A_968 : vector<16xi32>
        %parallel_loop3A_970 = arith.constant -2 : i32
        %parallel_loop3A_971 = vector.broadcast %parallel_loop3A_970 : i32 to vector<16xi32>
        %parallel_loop3A_972 = arith.andi %parallel_loop3A_966, %parallel_loop3A_971 : vector<16xi32>
        %parallel_loop3A_973 = tpu.bitcast %parallel_loop3A_972 : vector<16xi32> -> vector<16xf32>
        %parallel_loop3A_974 = arith.mulf %parallel_loop3A_973, %get3A_11 : vector<16xf32>
        %parallel_loop3A_975 = arith.fptosi %parallel_loop3A_974 : vector<16xf32> to vector<16xi32>
        %parallel_loop3A_976 = arith.constant 0 : i32
        %parallel_loop3A_977 = arith.constant 1023 : i32
        %parallel_loop3A_978 = vector.broadcast %parallel_loop3A_976 : i32 to vector<16xi32>
        %parallel_loop3A_979 = arith.maxsi %parallel_loop3A_978, %parallel_loop3A_975 : vector<16xi32>
        %parallel_loop3A_980 = vector.broadcast %parallel_loop3A_977 : i32 to vector<16xi32>
        %parallel_loop3A_981 = arith.minsi %parallel_loop3A_980, %parallel_loop3A_979 : vector<16xi32>
        %parallel_loop3A_982 = arith.sitofp %parallel_loop3A_981 : vector<16xi32> to vector<16xf32>
        %parallel_loop3A_983 = arith.subf %parallel_loop3A_974, %parallel_loop3A_982 : vector<16xf32>
        %parallel_loop3A_984 = arith.constant 0.000000e+00 : f32
        %parallel_loop3A_985 = vector.broadcast %parallel_loop3A_984 : f32 to vector<16xf32>
        %parallel_loop3A_986 = arith.cmpf ogt, %parallel_loop3A_973, %parallel_loop3A_985 : vector<16xf32>
        %parallel_loop3A_987 = arith.constant 16 : i32
        %parallel_loop3A_988 = vector.broadcast %parallel_loop3A_987 : i32 to vector<16xi32>
        %parallel_loop3A_989 = arith.muli %parallel_loop3A_981, %parallel_loop3A_988 : vector<16xi32>
        %parallel_loop3A_990 = arith.addi %parallel_loop3A_989, %iota3A : vector<16xi32>
        %parallel_loop3A_991 = arith.constant 32768 : i32
        %parallel_loop3A_992 = vector.broadcast %parallel_loop3A_991 : i32 to vector<16xi32>
        %parallel_loop3A_993 = arith.muli %parallel_loop3A_969, %parallel_loop3A_992 : vector<16xi32>
        %parallel_loop3A_994 = arith.addi %parallel_loop3A_990, %parallel_loop3A_993 : vector<16xi32>
        tpu.vector_store_idx %arg6[%parallel_loop3A_994], %broadcast_in_dim3A_10 masked %parallel_loop3A_986 {add = true} : memref<65536xf32, #tpu.memory_space<vmem>>[vector<16xi32>], vector<16xf32>, vector<16xi1>
        %parallel_loop3A_995 = arith.constant 16384 : i32
        %parallel_loop3A_996 = vector.broadcast %parallel_loop3A_995 : i32 to vector<16xi32>
        %parallel_loop3A_997 = arith.addi %parallel_loop3A_994, %parallel_loop3A_996 : vector<16xi32>
        tpu.vector_store_idx %arg6[%parallel_loop3A_997], %parallel_loop3A_983 masked %parallel_loop3A_986 {add = true} : memref<65536xf32, #tpu.memory_space<vmem>>[vector<16xi32>], vector<16xf32>, vector<16xi1>
        %parallel_loop3A_998 = arith.index_cast %and3A_38 : i32 to index
        %parallel_loop3A_999 = arith.index_cast %parallel_loop3A_61 : i32 to index
        %parallel_loop3A_1000 = arith.constant 416 : index
        %parallel_loop3A_1001 = tpu.vector_load %arg5[%parallel_loop3A_998, %parallel_loop3A_999, %parallel_loop3A_1000] {strides = array<i32>} : memref<2x32x512xf32, #tpu.memory_space<vmem>>, vector<16xf32>,
        %parallel_loop3A_1002 = tpu.bitcast %parallel_loop3A_1001 : vector<16xf32> -> vector<16xi32>
        %parallel_loop3A_1003 = arith.constant 1 : i32
        %parallel_loop3A_1004 = vector.broadcast %parallel_loop3A_1003 : i32 to vector<16xi32>
        %parallel_loop3A_1005 = arith.andi %parallel_loop3A_1002, %parallel_loop3A_1004 : vector<16xi32>
        %parallel_loop3A_1006 = arith.constant -2 : i32
        %parallel_loop3A_1007 = vector.broadcast %parallel_loop3A_1006 : i32 to vector<16xi32>
        %parallel_loop3A_1008 = arith.andi %parallel_loop3A_1002, %parallel_loop3A_1007 : vector<16xi32>
        %parallel_loop3A_1009 = tpu.bitcast %parallel_loop3A_1008 : vector<16xi32> -> vector<16xf32>
        %parallel_loop3A_1010 = arith.mulf %parallel_loop3A_1009, %get3A_11 : vector<16xf32>
        %parallel_loop3A_1011 = arith.fptosi %parallel_loop3A_1010 : vector<16xf32> to vector<16xi32>
        %parallel_loop3A_1012 = arith.constant 0 : i32
        %parallel_loop3A_1013 = arith.constant 1023 : i32
        %parallel_loop3A_1014 = vector.broadcast %parallel_loop3A_1012 : i32 to vector<16xi32>
        %parallel_loop3A_1015 = arith.maxsi %parallel_loop3A_1014, %parallel_loop3A_1011 : vector<16xi32>
        %parallel_loop3A_1016 = vector.broadcast %parallel_loop3A_1013 : i32 to vector<16xi32>
        %parallel_loop3A_1017 = arith.minsi %parallel_loop3A_1016, %parallel_loop3A_1015 : vector<16xi32>
        %parallel_loop3A_1018 = arith.sitofp %parallel_loop3A_1017 : vector<16xi32> to vector<16xf32>
        %parallel_loop3A_1019 = arith.subf %parallel_loop3A_1010, %parallel_loop3A_1018 : vector<16xf32>
        %parallel_loop3A_1020 = arith.constant 0.000000e+00 : f32
        %parallel_loop3A_1021 = vector.broadcast %parallel_loop3A_1020 : f32 to vector<16xf32>
        %parallel_loop3A_1022 = arith.cmpf ogt, %parallel_loop3A_1009, %parallel_loop3A_1021 : vector<16xf32>
        %parallel_loop3A_1023 = arith.constant 16 : i32
        %parallel_loop3A_1024 = vector.broadcast %parallel_loop3A_1023 : i32 to vector<16xi32>
        %parallel_loop3A_1025 = arith.muli %parallel_loop3A_1017, %parallel_loop3A_1024 : vector<16xi32>
        %parallel_loop3A_1026 = arith.addi %parallel_loop3A_1025, %iota3A : vector<16xi32>
        %parallel_loop3A_1027 = arith.constant 32768 : i32
        %parallel_loop3A_1028 = vector.broadcast %parallel_loop3A_1027 : i32 to vector<16xi32>
        %parallel_loop3A_1029 = arith.muli %parallel_loop3A_1005, %parallel_loop3A_1028 : vector<16xi32>
        %parallel_loop3A_1030 = arith.addi %parallel_loop3A_1026, %parallel_loop3A_1029 : vector<16xi32>
        tpu.vector_store_idx %arg6[%parallel_loop3A_1030], %broadcast_in_dim3A_10 masked %parallel_loop3A_1022 {add = true} : memref<65536xf32, #tpu.memory_space<vmem>>[vector<16xi32>], vector<16xf32>, vector<16xi1>
        %parallel_loop3A_1031 = arith.constant 16384 : i32
        %parallel_loop3A_1032 = vector.broadcast %parallel_loop3A_1031 : i32 to vector<16xi32>
        %parallel_loop3A_1033 = arith.addi %parallel_loop3A_1030, %parallel_loop3A_1032 : vector<16xi32>
        tpu.vector_store_idx %arg6[%parallel_loop3A_1033], %parallel_loop3A_1019 masked %parallel_loop3A_1022 {add = true} : memref<65536xf32, #tpu.memory_space<vmem>>[vector<16xi32>], vector<16xf32>, vector<16xi1>
        %parallel_loop3A_1034 = arith.index_cast %and3A_38 : i32 to index
        %parallel_loop3A_1035 = arith.index_cast %parallel_loop3A_61 : i32 to index
        %parallel_loop3A_1036 = arith.constant 432 : index
        %parallel_loop3A_1037 = tpu.vector_load %arg5[%parallel_loop3A_1034, %parallel_loop3A_1035, %parallel_loop3A_1036] {strides = array<i32>} : memref<2x32x512xf32, #tpu.memory_space<vmem>>, vector<16xf32>,
        %parallel_loop3A_1038 = tpu.bitcast %parallel_loop3A_1037 : vector<16xf32> -> vector<16xi32>
        %parallel_loop3A_1039 = arith.constant 1 : i32
        %parallel_loop3A_1040 = vector.broadcast %parallel_loop3A_1039 : i32 to vector<16xi32>
        %parallel_loop3A_1041 = arith.andi %parallel_loop3A_1038, %parallel_loop3A_1040 : vector<16xi32>
        %parallel_loop3A_1042 = arith.constant -2 : i32
        %parallel_loop3A_1043 = vector.broadcast %parallel_loop3A_1042 : i32 to vector<16xi32>
        %parallel_loop3A_1044 = arith.andi %parallel_loop3A_1038, %parallel_loop3A_1043 : vector<16xi32>
        %parallel_loop3A_1045 = tpu.bitcast %parallel_loop3A_1044 : vector<16xi32> -> vector<16xf32>
        %parallel_loop3A_1046 = arith.mulf %parallel_loop3A_1045, %get3A_11 : vector<16xf32>
        %parallel_loop3A_1047 = arith.fptosi %parallel_loop3A_1046 : vector<16xf32> to vector<16xi32>
        %parallel_loop3A_1048 = arith.constant 0 : i32
        %parallel_loop3A_1049 = arith.constant 1023 : i32
        %parallel_loop3A_1050 = vector.broadcast %parallel_loop3A_1048 : i32 to vector<16xi32>
        %parallel_loop3A_1051 = arith.maxsi %parallel_loop3A_1050, %parallel_loop3A_1047 : vector<16xi32>
        %parallel_loop3A_1052 = vector.broadcast %parallel_loop3A_1049 : i32 to vector<16xi32>
        %parallel_loop3A_1053 = arith.minsi %parallel_loop3A_1052, %parallel_loop3A_1051 : vector<16xi32>
        %parallel_loop3A_1054 = arith.sitofp %parallel_loop3A_1053 : vector<16xi32> to vector<16xf32>
        %parallel_loop3A_1055 = arith.subf %parallel_loop3A_1046, %parallel_loop3A_1054 : vector<16xf32>
        %parallel_loop3A_1056 = arith.constant 0.000000e+00 : f32
        %parallel_loop3A_1057 = vector.broadcast %parallel_loop3A_1056 : f32 to vector<16xf32>
        %parallel_loop3A_1058 = arith.cmpf ogt, %parallel_loop3A_1045, %parallel_loop3A_1057 : vector<16xf32>
        %parallel_loop3A_1059 = arith.constant 16 : i32
        %parallel_loop3A_1060 = vector.broadcast %parallel_loop3A_1059 : i32 to vector<16xi32>
        %parallel_loop3A_1061 = arith.muli %parallel_loop3A_1053, %parallel_loop3A_1060 : vector<16xi32>
        %parallel_loop3A_1062 = arith.addi %parallel_loop3A_1061, %iota3A : vector<16xi32>
        %parallel_loop3A_1063 = arith.constant 32768 : i32
        %parallel_loop3A_1064 = vector.broadcast %parallel_loop3A_1063 : i32 to vector<16xi32>
        %parallel_loop3A_1065 = arith.muli %parallel_loop3A_1041, %parallel_loop3A_1064 : vector<16xi32>
        %parallel_loop3A_1066 = arith.addi %parallel_loop3A_1062, %parallel_loop3A_1065 : vector<16xi32>
        tpu.vector_store_idx %arg6[%parallel_loop3A_1066], %broadcast_in_dim3A_10 masked %parallel_loop3A_1058 {add = true} : memref<65536xf32, #tpu.memory_space<vmem>>[vector<16xi32>], vector<16xf32>, vector<16xi1>
        %parallel_loop3A_1067 = arith.constant 16384 : i32
        %parallel_loop3A_1068 = vector.broadcast %parallel_loop3A_1067 : i32 to vector<16xi32>
        %parallel_loop3A_1069 = arith.addi %parallel_loop3A_1066, %parallel_loop3A_1068 : vector<16xi32>
        tpu.vector_store_idx %arg6[%parallel_loop3A_1069], %parallel_loop3A_1055 masked %parallel_loop3A_1058 {add = true} : memref<65536xf32, #tpu.memory_space<vmem>>[vector<16xi32>], vector<16xf32>, vector<16xi1>
        %parallel_loop3A_1070 = arith.index_cast %and3A_38 : i32 to index
        %parallel_loop3A_1071 = arith.index_cast %parallel_loop3A_61 : i32 to index
        %parallel_loop3A_1072 = arith.constant 448 : index
        %parallel_loop3A_1073 = tpu.vector_load %arg5[%parallel_loop3A_1070, %parallel_loop3A_1071, %parallel_loop3A_1072] {strides = array<i32>} : memref<2x32x512xf32, #tpu.memory_space<vmem>>, vector<16xf32>,
        %parallel_loop3A_1074 = tpu.bitcast %parallel_loop3A_1073 : vector<16xf32> -> vector<16xi32>
        %parallel_loop3A_1075 = arith.constant 1 : i32
        %parallel_loop3A_1076 = vector.broadcast %parallel_loop3A_1075 : i32 to vector<16xi32>
        %parallel_loop3A_1077 = arith.andi %parallel_loop3A_1074, %parallel_loop3A_1076 : vector<16xi32>
        %parallel_loop3A_1078 = arith.constant -2 : i32
        %parallel_loop3A_1079 = vector.broadcast %parallel_loop3A_1078 : i32 to vector<16xi32>
        %parallel_loop3A_1080 = arith.andi %parallel_loop3A_1074, %parallel_loop3A_1079 : vector<16xi32>
        %parallel_loop3A_1081 = tpu.bitcast %parallel_loop3A_1080 : vector<16xi32> -> vector<16xf32>
        %parallel_loop3A_1082 = arith.mulf %parallel_loop3A_1081, %get3A_11 : vector<16xf32>
        %parallel_loop3A_1083 = arith.fptosi %parallel_loop3A_1082 : vector<16xf32> to vector<16xi32>
        %parallel_loop3A_1084 = arith.constant 0 : i32
        %parallel_loop3A_1085 = arith.constant 1023 : i32
        %parallel_loop3A_1086 = vector.broadcast %parallel_loop3A_1084 : i32 to vector<16xi32>
        %parallel_loop3A_1087 = arith.maxsi %parallel_loop3A_1086, %parallel_loop3A_1083 : vector<16xi32>
        %parallel_loop3A_1088 = vector.broadcast %parallel_loop3A_1085 : i32 to vector<16xi32>
        %parallel_loop3A_1089 = arith.minsi %parallel_loop3A_1088, %parallel_loop3A_1087 : vector<16xi32>
        %parallel_loop3A_1090 = arith.sitofp %parallel_loop3A_1089 : vector<16xi32> to vector<16xf32>
        %parallel_loop3A_1091 = arith.subf %parallel_loop3A_1082, %parallel_loop3A_1090 : vector<16xf32>
        %parallel_loop3A_1092 = arith.constant 0.000000e+00 : f32
        %parallel_loop3A_1093 = vector.broadcast %parallel_loop3A_1092 : f32 to vector<16xf32>
        %parallel_loop3A_1094 = arith.cmpf ogt, %parallel_loop3A_1081, %parallel_loop3A_1093 : vector<16xf32>
        %parallel_loop3A_1095 = arith.constant 16 : i32
        %parallel_loop3A_1096 = vector.broadcast %parallel_loop3A_1095 : i32 to vector<16xi32>
        %parallel_loop3A_1097 = arith.muli %parallel_loop3A_1089, %parallel_loop3A_1096 : vector<16xi32>
        %parallel_loop3A_1098 = arith.addi %parallel_loop3A_1097, %iota3A : vector<16xi32>
        %parallel_loop3A_1099 = arith.constant 32768 : i32
        %parallel_loop3A_1100 = vector.broadcast %parallel_loop3A_1099 : i32 to vector<16xi32>
        %parallel_loop3A_1101 = arith.muli %parallel_loop3A_1077, %parallel_loop3A_1100 : vector<16xi32>
        %parallel_loop3A_1102 = arith.addi %parallel_loop3A_1098, %parallel_loop3A_1101 : vector<16xi32>
        tpu.vector_store_idx %arg6[%parallel_loop3A_1102], %broadcast_in_dim3A_10 masked %parallel_loop3A_1094 {add = true} : memref<65536xf32, #tpu.memory_space<vmem>>[vector<16xi32>], vector<16xf32>, vector<16xi1>
        %parallel_loop3A_1103 = arith.constant 16384 : i32
        %parallel_loop3A_1104 = vector.broadcast %parallel_loop3A_1103 : i32 to vector<16xi32>
        %parallel_loop3A_1105 = arith.addi %parallel_loop3A_1102, %parallel_loop3A_1104 : vector<16xi32>
        tpu.vector_store_idx %arg6[%parallel_loop3A_1105], %parallel_loop3A_1091 masked %parallel_loop3A_1094 {add = true} : memref<65536xf32, #tpu.memory_space<vmem>>[vector<16xi32>], vector<16xf32>, vector<16xi1>
        %parallel_loop3A_1106 = arith.index_cast %and3A_38 : i32 to index
        %parallel_loop3A_1107 = arith.index_cast %parallel_loop3A_61 : i32 to index
        %parallel_loop3A_1108 = arith.constant 464 : index
        %parallel_loop3A_1109 = tpu.vector_load %arg5[%parallel_loop3A_1106, %parallel_loop3A_1107, %parallel_loop3A_1108] {strides = array<i32>} : memref<2x32x512xf32, #tpu.memory_space<vmem>>, vector<16xf32>,
        %parallel_loop3A_1110 = tpu.bitcast %parallel_loop3A_1109 : vector<16xf32> -> vector<16xi32>
        %parallel_loop3A_1111 = arith.constant 1 : i32
        %parallel_loop3A_1112 = vector.broadcast %parallel_loop3A_1111 : i32 to vector<16xi32>
        %parallel_loop3A_1113 = arith.andi %parallel_loop3A_1110, %parallel_loop3A_1112 : vector<16xi32>
        %parallel_loop3A_1114 = arith.constant -2 : i32
        %parallel_loop3A_1115 = vector.broadcast %parallel_loop3A_1114 : i32 to vector<16xi32>
        %parallel_loop3A_1116 = arith.andi %parallel_loop3A_1110, %parallel_loop3A_1115 : vector<16xi32>
        %parallel_loop3A_1117 = tpu.bitcast %parallel_loop3A_1116 : vector<16xi32> -> vector<16xf32>
        %parallel_loop3A_1118 = arith.mulf %parallel_loop3A_1117, %get3A_11 : vector<16xf32>
        %parallel_loop3A_1119 = arith.fptosi %parallel_loop3A_1118 : vector<16xf32> to vector<16xi32>
        %parallel_loop3A_1120 = arith.constant 0 : i32
        %parallel_loop3A_1121 = arith.constant 1023 : i32
        %parallel_loop3A_1122 = vector.broadcast %parallel_loop3A_1120 : i32 to vector<16xi32>
        %parallel_loop3A_1123 = arith.maxsi %parallel_loop3A_1122, %parallel_loop3A_1119 : vector<16xi32>
        %parallel_loop3A_1124 = vector.broadcast %parallel_loop3A_1121 : i32 to vector<16xi32>
        %parallel_loop3A_1125 = arith.minsi %parallel_loop3A_1124, %parallel_loop3A_1123 : vector<16xi32>
        %parallel_loop3A_1126 = arith.sitofp %parallel_loop3A_1125 : vector<16xi32> to vector<16xf32>
        %parallel_loop3A_1127 = arith.subf %parallel_loop3A_1118, %parallel_loop3A_1126 : vector<16xf32>
        %parallel_loop3A_1128 = arith.constant 0.000000e+00 : f32
        %parallel_loop3A_1129 = vector.broadcast %parallel_loop3A_1128 : f32 to vector<16xf32>
        %parallel_loop3A_1130 = arith.cmpf ogt, %parallel_loop3A_1117, %parallel_loop3A_1129 : vector<16xf32>
        %parallel_loop3A_1131 = arith.constant 16 : i32
        %parallel_loop3A_1132 = vector.broadcast %parallel_loop3A_1131 : i32 to vector<16xi32>
        %parallel_loop3A_1133 = arith.muli %parallel_loop3A_1125, %parallel_loop3A_1132 : vector<16xi32>
        %parallel_loop3A_1134 = arith.addi %parallel_loop3A_1133, %iota3A : vector<16xi32>
        %parallel_loop3A_1135 = arith.constant 32768 : i32
        %parallel_loop3A_1136 = vector.broadcast %parallel_loop3A_1135 : i32 to vector<16xi32>
        %parallel_loop3A_1137 = arith.muli %parallel_loop3A_1113, %parallel_loop3A_1136 : vector<16xi32>
        %parallel_loop3A_1138 = arith.addi %parallel_loop3A_1134, %parallel_loop3A_1137 : vector<16xi32>
        tpu.vector_store_idx %arg6[%parallel_loop3A_1138], %broadcast_in_dim3A_10 masked %parallel_loop3A_1130 {add = true} : memref<65536xf32, #tpu.memory_space<vmem>>[vector<16xi32>], vector<16xf32>, vector<16xi1>
        %parallel_loop3A_1139 = arith.constant 16384 : i32
        %parallel_loop3A_1140 = vector.broadcast %parallel_loop3A_1139 : i32 to vector<16xi32>
        %parallel_loop3A_1141 = arith.addi %parallel_loop3A_1138, %parallel_loop3A_1140 : vector<16xi32>
        tpu.vector_store_idx %arg6[%parallel_loop3A_1141], %parallel_loop3A_1127 masked %parallel_loop3A_1130 {add = true} : memref<65536xf32, #tpu.memory_space<vmem>>[vector<16xi32>], vector<16xf32>, vector<16xi1>
        %parallel_loop3A_1142 = arith.index_cast %and3A_38 : i32 to index
        %parallel_loop3A_1143 = arith.index_cast %parallel_loop3A_61 : i32 to index
        %parallel_loop3A_1144 = arith.constant 480 : index
        %parallel_loop3A_1145 = tpu.vector_load %arg5[%parallel_loop3A_1142, %parallel_loop3A_1143, %parallel_loop3A_1144] {strides = array<i32>} : memref<2x32x512xf32, #tpu.memory_space<vmem>>, vector<16xf32>,
        %parallel_loop3A_1146 = tpu.bitcast %parallel_loop3A_1145 : vector<16xf32> -> vector<16xi32>
        %parallel_loop3A_1147 = arith.constant 1 : i32
        %parallel_loop3A_1148 = vector.broadcast %parallel_loop3A_1147 : i32 to vector<16xi32>
        %parallel_loop3A_1149 = arith.andi %parallel_loop3A_1146, %parallel_loop3A_1148 : vector<16xi32>
        %parallel_loop3A_1150 = arith.constant -2 : i32
        %parallel_loop3A_1151 = vector.broadcast %parallel_loop3A_1150 : i32 to vector<16xi32>
        %parallel_loop3A_1152 = arith.andi %parallel_loop3A_1146, %parallel_loop3A_1151 : vector<16xi32>
        %parallel_loop3A_1153 = tpu.bitcast %parallel_loop3A_1152 : vector<16xi32> -> vector<16xf32>
        %parallel_loop3A_1154 = arith.mulf %parallel_loop3A_1153, %get3A_11 : vector<16xf32>
        %parallel_loop3A_1155 = arith.fptosi %parallel_loop3A_1154 : vector<16xf32> to vector<16xi32>
        %parallel_loop3A_1156 = arith.constant 0 : i32
        %parallel_loop3A_1157 = arith.constant 1023 : i32
        %parallel_loop3A_1158 = vector.broadcast %parallel_loop3A_1156 : i32 to vector<16xi32>
        %parallel_loop3A_1159 = arith.maxsi %parallel_loop3A_1158, %parallel_loop3A_1155 : vector<16xi32>
        %parallel_loop3A_1160 = vector.broadcast %parallel_loop3A_1157 : i32 to vector<16xi32>
        %parallel_loop3A_1161 = arith.minsi %parallel_loop3A_1160, %parallel_loop3A_1159 : vector<16xi32>
        %parallel_loop3A_1162 = arith.sitofp %parallel_loop3A_1161 : vector<16xi32> to vector<16xf32>
        %parallel_loop3A_1163 = arith.subf %parallel_loop3A_1154, %parallel_loop3A_1162 : vector<16xf32>
        %parallel_loop3A_1164 = arith.constant 0.000000e+00 : f32
        %parallel_loop3A_1165 = vector.broadcast %parallel_loop3A_1164 : f32 to vector<16xf32>
        %parallel_loop3A_1166 = arith.cmpf ogt, %parallel_loop3A_1153, %parallel_loop3A_1165 : vector<16xf32>
        %parallel_loop3A_1167 = arith.constant 16 : i32
        %parallel_loop3A_1168 = vector.broadcast %parallel_loop3A_1167 : i32 to vector<16xi32>
        %parallel_loop3A_1169 = arith.muli %parallel_loop3A_1161, %parallel_loop3A_1168 : vector<16xi32>
        %parallel_loop3A_1170 = arith.addi %parallel_loop3A_1169, %iota3A : vector<16xi32>
        %parallel_loop3A_1171 = arith.constant 32768 : i32
        %parallel_loop3A_1172 = vector.broadcast %parallel_loop3A_1171 : i32 to vector<16xi32>
        %parallel_loop3A_1173 = arith.muli %parallel_loop3A_1149, %parallel_loop3A_1172 : vector<16xi32>
        %parallel_loop3A_1174 = arith.addi %parallel_loop3A_1170, %parallel_loop3A_1173 : vector<16xi32>
        tpu.vector_store_idx %arg6[%parallel_loop3A_1174], %broadcast_in_dim3A_10 masked %parallel_loop3A_1166 {add = true} : memref<65536xf32, #tpu.memory_space<vmem>>[vector<16xi32>], vector<16xf32>, vector<16xi1>
        %parallel_loop3A_1175 = arith.constant 16384 : i32
        %parallel_loop3A_1176 = vector.broadcast %parallel_loop3A_1175 : i32 to vector<16xi32>
        %parallel_loop3A_1177 = arith.addi %parallel_loop3A_1174, %parallel_loop3A_1176 : vector<16xi32>
        tpu.vector_store_idx %arg6[%parallel_loop3A_1177], %parallel_loop3A_1163 masked %parallel_loop3A_1166 {add = true} : memref<65536xf32, #tpu.memory_space<vmem>>[vector<16xi32>], vector<16xf32>, vector<16xi1>
        %parallel_loop3A_1178 = arith.index_cast %and3A_38 : i32 to index
        %parallel_loop3A_1179 = arith.index_cast %parallel_loop3A_61 : i32 to index
        %parallel_loop3A_1180 = arith.constant 496 : index
        %parallel_loop3A_1181 = tpu.vector_load %arg5[%parallel_loop3A_1178, %parallel_loop3A_1179, %parallel_loop3A_1180] {strides = array<i32>} : memref<2x32x512xf32, #tpu.memory_space<vmem>>, vector<16xf32>,
        %parallel_loop3A_1182 = tpu.bitcast %parallel_loop3A_1181 : vector<16xf32> -> vector<16xi32>
        %parallel_loop3A_1183 = arith.constant 1 : i32
        %parallel_loop3A_1184 = vector.broadcast %parallel_loop3A_1183 : i32 to vector<16xi32>
        %parallel_loop3A_1185 = arith.andi %parallel_loop3A_1182, %parallel_loop3A_1184 : vector<16xi32>
        %parallel_loop3A_1186 = arith.constant -2 : i32
        %parallel_loop3A_1187 = vector.broadcast %parallel_loop3A_1186 : i32 to vector<16xi32>
        %parallel_loop3A_1188 = arith.andi %parallel_loop3A_1182, %parallel_loop3A_1187 : vector<16xi32>
        %parallel_loop3A_1189 = tpu.bitcast %parallel_loop3A_1188 : vector<16xi32> -> vector<16xf32>
        %parallel_loop3A_1190 = arith.mulf %parallel_loop3A_1189, %get3A_11 : vector<16xf32>
        %parallel_loop3A_1191 = arith.fptosi %parallel_loop3A_1190 : vector<16xf32> to vector<16xi32>
        %parallel_loop3A_1192 = arith.constant 0 : i32
        %parallel_loop3A_1193 = arith.constant 1023 : i32
        %parallel_loop3A_1194 = vector.broadcast %parallel_loop3A_1192 : i32 to vector<16xi32>
        %parallel_loop3A_1195 = arith.maxsi %parallel_loop3A_1194, %parallel_loop3A_1191 : vector<16xi32>
        %parallel_loop3A_1196 = vector.broadcast %parallel_loop3A_1193 : i32 to vector<16xi32>
        %parallel_loop3A_1197 = arith.minsi %parallel_loop3A_1196, %parallel_loop3A_1195 : vector<16xi32>
        %parallel_loop3A_1198 = arith.sitofp %parallel_loop3A_1197 : vector<16xi32> to vector<16xf32>
        %parallel_loop3A_1199 = arith.subf %parallel_loop3A_1190, %parallel_loop3A_1198 : vector<16xf32>
        %parallel_loop3A_1200 = arith.constant 0.000000e+00 : f32
        %parallel_loop3A_1201 = vector.broadcast %parallel_loop3A_1200 : f32 to vector<16xf32>
        %parallel_loop3A_1202 = arith.cmpf ogt, %parallel_loop3A_1189, %parallel_loop3A_1201 : vector<16xf32>
        %parallel_loop3A_1203 = arith.constant 16 : i32
        %parallel_loop3A_1204 = vector.broadcast %parallel_loop3A_1203 : i32 to vector<16xi32>
        %parallel_loop3A_1205 = arith.muli %parallel_loop3A_1197, %parallel_loop3A_1204 : vector<16xi32>
        %parallel_loop3A_1206 = arith.addi %parallel_loop3A_1205, %iota3A : vector<16xi32>
        %parallel_loop3A_1207 = arith.constant 32768 : i32
        %parallel_loop3A_1208 = vector.broadcast %parallel_loop3A_1207 : i32 to vector<16xi32>
        %parallel_loop3A_1209 = arith.muli %parallel_loop3A_1185, %parallel_loop3A_1208 : vector<16xi32>
        %parallel_loop3A_1210 = arith.addi %parallel_loop3A_1206, %parallel_loop3A_1209 : vector<16xi32>
        tpu.vector_store_idx %arg6[%parallel_loop3A_1210], %broadcast_in_dim3A_10 masked %parallel_loop3A_1202 {add = true} : memref<65536xf32, #tpu.memory_space<vmem>>[vector<16xi32>], vector<16xf32>, vector<16xi1>
        %parallel_loop3A_1211 = arith.constant 16384 : i32
        %parallel_loop3A_1212 = vector.broadcast %parallel_loop3A_1211 : i32 to vector<16xi32>
        %parallel_loop3A_1213 = arith.addi %parallel_loop3A_1210, %parallel_loop3A_1212 : vector<16xi32>
        tpu.vector_store_idx %arg6[%parallel_loop3A_1213], %parallel_loop3A_1199 masked %parallel_loop3A_1202 {add = true} : memref<65536xf32, #tpu.memory_space<vmem>>[vector<16xi32>], vector<16xf32>, vector<16xi1>
      } {sc.loop_unroll_factor = 4 : i64, sc.parallel_access}
    }
    %scan3A_34 = arith.constant 16 : i32
    %mul3A_35 = arith.constant 65536 : i32
    %mul3A_36 = arith.muli %add3A, %mul3A_35 : i32
    "tpu.region"() ({
      %run_scoped3A = tpu.sem_alloc : memref<!tpu.dma_semaphore, #tpu.memory_space<semaphore_mem>>
      %dma_start3A_37 = tpu.memref_slice %arg4[%mul3A_36] : memref<2097152xf32, #tpu.memory_space<hbm>> -> memref<65536xf32, #tpu.memory_space<hbm>>
      %dma_start3A_38 = tpu.memref_slice %arg4[%mul3A_36] : memref<2097152xf32, #tpu.memory_space<hbm>> -> memref<65536xf32, #tpu.memory_space<hbm>>
      tpu.enqueue_dma source(%arg6 : memref<65536xf32, #tpu.memory_space<vmem>>) target(%dma_start3A_38 : memref<65536xf32, #tpu.memory_space<hbm>>) target_semaphore(%run_scoped3A : memref<!tpu.dma_semaphore, #tpu.memory_space<semaphore_mem>>)
      %dma_wait3A = tpu.memref_slice %arg4[%mul3A_36] : memref<2097152xf32, #tpu.memory_space<hbm>> -> memref<65536xf32, #tpu.memory_space<hbm>>
      %dma_wait3A_39 = tpu.memref_slice %arg4[%mul3A_36] : memref<2097152xf32, #tpu.memory_space<hbm>> -> memref<65536xf32, #tpu.memory_space<hbm>>
      tpu.wait_dma2 semaphore(%run_scoped3A : memref<!tpu.dma_semaphore, #tpu.memory_space<semaphore_mem>>) src(%arg6 : memref<65536xf32, #tpu.memory_space<vmem>>) dst(%dma_wait3A_39 : memref<65536xf32, #tpu.memory_space<hbm>>)
      tpu.yield
    }) : () -> ()
    return
  }
}

module attributes {stable_mosaic.version = 14 : i64} {
  func.func @_combine_body(%arg0: memref<4x512x1024xf32, #tpu.memory_space<vmem>>, %arg1: memref<1x1xf32, #tpu.memory_space<smem>>, %arg2: memref<1x1xf32, #tpu.memory_space<smem>>, %arg3: memref<1x1xf32, #tpu.memory_space<smem>>, %arg4: memref<1x1xf32, #tpu.memory_space<smem>>) attributes {dimension_semantics = [], scalar_prefetch = 0 : i64, scratch_operands = 0 : i64, tpu.core_type = #tpu.core_type<tc>} {
    %get3A = arith.constant 0 : index
    %get3A_0 = arith.constant 0 : index
    %get3A_1 = arith.constant 0 : index
    %get3A_2 = vector.load %arg0[%get3A, %get3A_0, %get3A_1] : memref<4x512x1024xf32, #tpu.memory_space<vmem>>, vector<4x512x1024xf32>
    %reduce_sum3A = arith.constant dense<0.000000e+00> : vector<4x1024xf32>
    %reduce_sum3A_3 = vector.multi_reduction <add>, %get3A_2, %reduce_sum3A [1] : vector<4x512x1024xf32> to vector<4x1024xf32>
    %slice3A = vector.extract_strided_slice %reduce_sum3A_3 {offsets = [0, 0], sizes = [1, 1024], strides = [1, 1]} : vector<4x1024xf32> to vector<1x1024xf32>
    %slice3A_4 = vector.extract_strided_slice %reduce_sum3A_3 {offsets = [1, 0], sizes = [1, 1024], strides = [1, 1]} : vector<4x1024xf32> to vector<1x1024xf32>
    %slice3A_5 = vector.extract_strided_slice %reduce_sum3A_3 {offsets = [2, 0], sizes = [1, 1024], strides = [1, 1]} : vector<4x1024xf32> to vector<1x1024xf32>
    %add3A = arith.addf %slice3A, %slice3A_5 : vector<1x1024xf32>
    %slice3A_6 = vector.extract_strided_slice %reduce_sum3A_3 {offsets = [3, 0], sizes = [1, 1024], strides = [1, 1]} : vector<4x1024xf32> to vector<1x1024xf32>
    %add3A_7 = arith.addf %slice3A_4, %slice3A_6 : vector<1x1024xf32>
    %get3A_8 = arith.constant 0 : index
    %get3A_9 = arith.constant 0 : index
    %get3A_10 = memref.load %arg2[%get3A_8, %get3A_9] : memref<1x1xf32, #tpu.memory_space<smem>>
    %get3A_11 = arith.constant 0 : index
    %get3A_12 = arith.constant 0 : index
    %get3A_13 = memref.load %arg3[%get3A_11, %get3A_12] : memref<1x1xf32, #tpu.memory_space<smem>>
    %max3A = arith.constant 1.000000e-30 : f32
    %max3A_14 = arith.maximumf %get3A_13, %max3A : f32
    %mul3A = arith.constant 9.765625E-4 : f32
    %mul3A_15 = arith.mulf %max3A_14, %mul3A : f32
    %iota3A = tpu.iota {dimensions = array<i32: 0>} : vector<1024x1024xi32>
    %iota3A_16 = tpu.iota {dimensions = array<i32: 1>} : vector<1024x1024xi32>
    %ge3A = arith.cmpi sge, %iota3A, %iota3A_16 : vector<1024x1024xi32>
    %convert_element_type3A = arith.extui %ge3A : vector<1024x1024xi1> to vector<1024x1024xi32>
    %convert_element_type3A_17 = arith.sitofp %convert_element_type3A : vector<1024x1024xi32> to vector<1024x1024xf32>
    %gt3A = arith.cmpi sgt, %iota3A, %iota3A_16 : vector<1024x1024xi32>
    %convert_element_type3A_18 = arith.extui %gt3A : vector<1024x1024xi1> to vector<1024x1024xi32>
    %convert_element_type3A_19 = arith.sitofp %convert_element_type3A_18 : vector<1024x1024xi32> to vector<1024x1024xf32>
    %lt3A = arith.cmpi slt, %iota3A, %iota3A_16 : vector<1024x1024xi32>
    %convert_element_type3A_20 = arith.extui %lt3A : vector<1024x1024xi1> to vector<1024x1024xi32>
    %convert_element_type3A_21 = arith.sitofp %convert_element_type3A_20 : vector<1024x1024xi32> to vector<1024x1024xf32>
    %dot_general3A = arith.constant dense<0.000000e+00> : vector<1x1024xf32>
    %dot_general3A_22 = tpu.matmul %slice3A, %convert_element_type3A_17, %dot_general3A {dimension_numbers = #tpu.dot_dimension_numbers<[1], [0], [0], [1], [0, 0, 1, 1], [], []>, precision = #tpu.contract_precision<fp32>, transpose_lhs_hint = false} : vector<1x1024xf32>, vector<1024x1024xf32>, vector<1x1024xf32> -> vector<1x1024xf32>
    %add3A_23 = vector.broadcast %get3A_10 : f32 to vector<1x1024xf32>
    %add3A_24 = arith.addf %add3A_23, %dot_general3A_22 : vector<1x1024xf32>
    %dot_general3A_25 = arith.constant dense<0.000000e+00> : vector<1x1024xf32>
    %dot_general3A_26 = tpu.matmul %slice3A, %convert_element_type3A_19, %dot_general3A_25 {dimension_numbers = #tpu.dot_dimension_numbers<[1], [0], [0], [1], [0, 0, 1, 1], [], []>, precision = #tpu.contract_precision<fp32>, transpose_lhs_hint = false} : vector<1x1024xf32>, vector<1024x1024xf32>, vector<1x1024xf32> -> vector<1x1024xf32>
    %add3A_27 = vector.broadcast %get3A_10 : f32 to vector<1x1024xf32>
    %add3A_28 = arith.addf %add3A_27, %dot_general3A_26 : vector<1x1024xf32>
    %max3A_29 = arith.constant 1.000000e+00 : f32
    %max3A_30 = vector.broadcast %max3A_29 : f32 to vector<1x1024xf32>
    %max3A_31 = arith.maximumf %slice3A, %max3A_30 : vector<1x1024xf32>
    %div3A = arith.divf %slice3A_4, %max3A_31 : vector<1x1024xf32>
    %sub3A = arith.constant 1.000000e+00 : f32
    %sub3A_32 = vector.broadcast %sub3A : f32 to vector<1x1024xf32>
    %sub3A_33 = arith.subf %sub3A_32, %div3A : vector<1x1024xf32>
    %max3A_34 = arith.constant 1.000000e+00 : f32
    %max3A_35 = vector.broadcast %max3A_34 : f32 to vector<1x1024xf32>
    %max3A_36 = arith.maximumf %add3A_28, %max3A_35 : vector<1x1024xf32>
    %div3A_37 = arith.divf %sub3A_33, %max3A_36 : vector<1x1024xf32>
    %max3A_38 = arith.constant 1.000000e+00 : f32
    %max3A_39 = vector.broadcast %max3A_38 : f32 to vector<1x1024xf32>
    %max3A_40 = arith.maximumf %add3A_24, %max3A_39 : vector<1x1024xf32>
    %div3A_41 = arith.divf %div3A, %max3A_40 : vector<1x1024xf32>
    %add3A_42 = arith.addf %div3A_37, %div3A_41 : vector<1x1024xf32>
    %mul3A_43 = vector.broadcast %mul3A_15 : f32 to vector<1x1024xf32>
    %mul3A_44 = arith.mulf %mul3A_43, %add3A_42 : vector<1x1024xf32>
    %dot_general3A_45 = arith.constant dense<0.000000e+00> : vector<1x1024xf32>
    %dot_general3A_46 = tpu.matmul %mul3A_44, %convert_element_type3A_21, %dot_general3A_45 {dimension_numbers = #tpu.dot_dimension_numbers<[1], [0], [0], [1], [0, 0, 1, 1], [], []>, precision = #tpu.contract_precision<fp32>, transpose_lhs_hint = false} : vector<1x1024xf32>, vector<1024x1024xf32>, vector<1x1024xf32> -> vector<1x1024xf32>
    %mul3A_47 = arith.mulf %add3A, %dot_general3A_46 : vector<1x1024xf32>
    %mul3A_48 = arith.mulf %add3A_7, %mul3A_44 : vector<1x1024xf32>
    %add3A_49 = arith.addf %mul3A_47, %mul3A_48 : vector<1x1024xf32>
    %reduce_sum3A_50 = vector.shape_cast %add3A_49 : vector<1x1024xf32> to vector<1x1x1024xf32>
    %reduce_sum3A_51 = arith.constant dense<0.000000e+00> : vector<1xf32>
    %reduce_sum3A_52 = vector.multi_reduction <add>, %reduce_sum3A_50, %reduce_sum3A_51 [1, 2] : vector<1x1x1024xf32> to vector<1xf32>
    %reduce_sum3A_53 = vector.shape_cast %reduce_sum3A_52 : vector<1xf32> to vector<1x1x1xf32>
    %reduce_sum3A_54 = vector.extract %reduce_sum3A_53[0, 0, 0] : f32 from vector<1x1x1xf32>
    %get3A_55 = arith.constant 0 : index
    %get3A_56 = arith.constant 0 : index
    %get3A_57 = memref.load %arg1[%get3A_55, %get3A_56] : memref<1x1xf32, #tpu.memory_space<smem>>
    %mul3A_58 = arith.constant 1.1920929E-7 : f32
    %mul3A_59 = arith.mulf %get3A_57, %mul3A_58 : f32
    %add3A_60 = arith.addf %mul3A_59, %reduce_sum3A_54 : f32
    %swap3A = arith.constant 0 : index
    %swap3A_61 = arith.constant 0 : index
    %swap3A_62 = memref.load %arg4[%swap3A, %swap3A_61] : memref<1x1xf32, #tpu.memory_space<smem>>
    memref.store %add3A_60, %arg4[%swap3A, %swap3A_61] : memref<1x1xf32, #tpu.memory_space<smem>>
    return
  }
}

module attributes {stable_mosaic.version = 14 : i64} {
  func.func @_stats_body(%arg0: i32, %arg1: memref<1024x512xf32, #tpu.memory_space<vmem>>, %arg2: memref<1024x512xf32, #tpu.memory_space<vmem>>, %arg3: memref<1024x512xf32, #tpu.memory_space<vmem>>, %arg4: memref<1x1xf32, #tpu.memory_space<smem>>, %arg5: memref<1x1xf32, #tpu.memory_space<smem>>, %arg6: memref<1x1xf32, #tpu.memory_space<smem>>) attributes {dimension_semantics = [#tpu.dimension_semantics<arbitrary>], iteration_bounds = array<i64: 16>, scalar_prefetch = 0 : i64, scratch_operands = 0 : i64, tpu.core_type = #tpu.core_type<tc>, window_params = [{transform_indices = @transform_0, window_bounds = array<i64: 1024, 512>}, {transform_indices = @transform_1, window_bounds = array<i64: 1024, 512>}, {transform_indices = @transform_2, window_bounds = array<i64: 1024, 512>}, {transform_indices = @transform_3, window_bounds = array<i64: 1, 1>}, {transform_indices = @transform_4, window_bounds = array<i64: 1, 1>}, {transform_indices = @transform_5, window_bounds = array<i64: 1, 1>}]} {
    %get3A = arith.constant 0 : index
    %get3A_0 = arith.constant 0 : index
    %get3A_1 = vector.load %arg1[%get3A, %get3A_0] : memref<1024x512xf32, #tpu.memory_space<vmem>>, vector<1024x512xf32>
    %get3A_2 = arith.constant 0 : index
    %get3A_3 = arith.constant 0 : index
    %get3A_4 = vector.load %arg2[%get3A_2, %get3A_3] : memref<1024x512xf32, #tpu.memory_space<vmem>>, vector<1024x512xf32>
    %neg3A = arith.constant 0.000000e+00 : f32
    %neg3A_5 = vector.broadcast %neg3A : f32 to vector<1024x512xf32>
    %neg3A_6 = arith.subf %neg3A_5, %get3A_1 : vector<1024x512xf32>
    %max3A = arith.constant 0.000000e+00 : f32
    %max3A_7 = vector.broadcast %max3A : f32 to vector<1024x512xf32>
    %max3A_8 = arith.maximumf %neg3A_6, %max3A_7 : vector<1024x512xf32>
    %abs3A = math.absf %get3A_1 : vector<1024x512xf32>
    %neg3A_9 = arith.constant 0.000000e+00 : f32
    %neg3A_10 = vector.broadcast %neg3A_9 : f32 to vector<1024x512xf32>
    %neg3A_11 = arith.subf %neg3A_10, %abs3A : vector<1024x512xf32>
    %exp3A = math.exp %neg3A_11 : vector<1024x512xf32>
    %add3A = arith.constant 1.000000e+00 : f32
    %add3A_12 = vector.broadcast %add3A : f32 to vector<1024x512xf32>
    %add3A_13 = arith.addf %add3A_12, %exp3A : vector<1024x512xf32>
    %log3A = math.log %add3A_13 : vector<1024x512xf32>
    %add3A_14 = arith.addf %max3A_8, %log3A : vector<1024x512xf32>
    %sub3A = arith.constant 1.000000e+00 : f32
    %sub3A_15 = vector.broadcast %sub3A : f32 to vector<1024x512xf32>
    %sub3A_16 = arith.subf %sub3A_15, %get3A_4 : vector<1024x512xf32>
    %mul3A = arith.mulf %sub3A_16, %get3A_1 : vector<1024x512xf32>
    %add3A_17 = arith.addf %add3A_14, %mul3A : vector<1024x512xf32>
    %reduce_sum3A = vector.shape_cast %add3A_17 : vector<1024x512xf32> to vector<1x1024x512xf32>
    %reduce_sum3A_18 = arith.constant dense<0.000000e+00> : vector<1xf32>
    %reduce_sum3A_19 = vector.multi_reduction <add>, %reduce_sum3A, %reduce_sum3A_18 [1, 2] : vector<1x1024x512xf32> to vector<1xf32>
    %reduce_sum3A_20 = vector.shape_cast %reduce_sum3A_19 : vector<1xf32> to vector<1x1x1xf32>
    %reduce_sum3A_21 = vector.extract %reduce_sum3A_20[0, 0, 0] : f32 from vector<1x1x1xf32>
    %reduce_sum3A_22 = vector.shape_cast %get3A_4 : vector<1024x512xf32> to vector<1x1024x512xf32>
    %reduce_sum3A_23 = arith.constant dense<0.000000e+00> : vector<1xf32>
    %reduce_sum3A_24 = vector.multi_reduction <add>, %reduce_sum3A_22, %reduce_sum3A_23 [1, 2] : vector<1x1024x512xf32> to vector<1xf32>
    %reduce_sum3A_25 = vector.shape_cast %reduce_sum3A_24 : vector<1xf32> to vector<1x1x1xf32>
    %reduce_sum3A_26 = vector.extract %reduce_sum3A_25[0, 0, 0] : f32 from vector<1x1x1xf32>
    %mul3A_27 = arith.constant 2.000000e+00 : f32
    %mul3A_28 = vector.broadcast %mul3A_27 : f32 to vector<1024x512xf32>
    %mul3A_29 = arith.mulf %mul3A_28, %get3A_4 : vector<1024x512xf32>
    %sub3A_30 = arith.constant 1.000000e+00 : f32
    %sub3A_31 = vector.broadcast %sub3A_30 : f32 to vector<1024x512xf32>
    %sub3A_32 = arith.subf %mul3A_29, %sub3A_31 : vector<1024x512xf32>
    %mul3A_33 = arith.mulf %get3A_1, %sub3A_32 : vector<1024x512xf32>
    %sub3A_34 = arith.constant 1.000000e+00 : f32
    %sub3A_35 = vector.broadcast %sub3A_34 : f32 to vector<1024x512xf32>
    %sub3A_36 = arith.subf %sub3A_35, %mul3A_33 : vector<1024x512xf32>
    %reduce_max3A = vector.shape_cast %sub3A_36 : vector<1024x512xf32> to vector<1x1024x512xf32>
    %reduce_max3A_37 = arith.constant dense<0xFF800000> : vector<1xf32>
    %reduce_max3A_38 = vector.multi_reduction <maximumf>, %reduce_max3A, %reduce_max3A_37 [1, 2] : vector<1x1024x512xf32> to vector<1xf32>
    %reduce_max3A_39 = vector.shape_cast %reduce_max3A_38 : vector<1xf32> to vector<1x1x1xf32>
    %reduce_max3A_40 = vector.extract %reduce_max3A_39[0, 0, 0] : f32 from vector<1x1x1xf32>
    %bitcast_convert_type3A = tpu.bitcast %sub3A_36 : vector<1024x512xf32> -> vector<1024x512xi32>
    %and3A = arith.constant -2 : i32
    %and3A_41 = vector.broadcast %and3A : i32 to vector<1024x512xi32>
    %and3A_42 = arith.andi %bitcast_convert_type3A, %and3A_41 : vector<1024x512xi32>
    %convert_element_type3A = arith.fptoui %get3A_4 : vector<1024x512xf32> to vector<1024x512xi32>
    %or3A = arith.ori %and3A_42, %convert_element_type3A : vector<1024x512xi32>
    %bitcast_convert_type3A_43 = tpu.bitcast %or3A : vector<1024x512xi32> -> vector<1024x512xf32>
    %swap3A = arith.constant 0 : index
    %swap3A_44 = arith.constant 0 : index
    %swap3A_45 = vector.load %arg3[%swap3A, %swap3A_44] : memref<1024x512xf32, #tpu.memory_space<vmem>>, vector<1024x512xf32>
    tpu.vector_store %arg3[%swap3A, %swap3A_44], %bitcast_convert_type3A_43 {strides = array<i32>} : memref<1024x512xf32, #tpu.memory_space<vmem>>, vector<1024x512xf32>,
    %eq3A = arith.constant 0 : i32
    %eq3A_46 = arith.cmpi eq, %arg0, %eq3A : i32
    %convert_element_type3A_47 = arith.extui %eq3A_46 : i1 to i32
    %cond3A = arith.constant 0 : i32
    %cond3A_48 = arith.cmpi ne, %convert_element_type3A_47, %cond3A : i32
    scf.if %cond3A_48 {
      %swap3A_53 = arith.constant 0 : index
      %swap3A_54 = arith.constant 0 : index
      %swap3A_55 = memref.load %arg4[%swap3A_53, %swap3A_54] : memref<1x1xf32, #tpu.memory_space<smem>>
      memref.store %reduce_sum3A_21, %arg4[%swap3A_53, %swap3A_54] : memref<1x1xf32, #tpu.memory_space<smem>>
      %swap3A_56 = arith.constant 0 : index
      %swap3A_57 = arith.constant 0 : index
      %swap3A_58 = memref.load %arg5[%swap3A_56, %swap3A_57] : memref<1x1xf32, #tpu.memory_space<smem>>
      memref.store %reduce_sum3A_26, %arg5[%swap3A_56, %swap3A_57] : memref<1x1xf32, #tpu.memory_space<smem>>
      %swap3A_59 = arith.constant 0 : index
      %swap3A_60 = arith.constant 0 : index
      %swap3A_61 = memref.load %arg6[%swap3A_59, %swap3A_60] : memref<1x1xf32, #tpu.memory_space<smem>>
      memref.store %reduce_max3A_40, %arg6[%swap3A_59, %swap3A_60] : memref<1x1xf32, #tpu.memory_space<smem>>
    } else {
    }
    %ne3A = arith.constant 0 : i32
    %ne3A_49 = arith.cmpi ne, %arg0, %ne3A : i32
    %convert_element_type3A_50 = arith.extui %ne3A_49 : i1 to i32
    %cond3A_51 = arith.constant 0 : i32
    %cond3A_52 = arith.cmpi ne, %convert_element_type3A_50, %cond3A_51 : i32
    scf.if %cond3A_52 {
      %get3A_53 = arith.constant 0 : index
      %get3A_54 = arith.constant 0 : index
      %get3A_55 = memref.load %arg4[%get3A_53, %get3A_54] : memref<1x1xf32, #tpu.memory_space<smem>>
      %add3A_56 = arith.addf %get3A_55, %reduce_sum3A_21 : f32
      %swap3A_57 = arith.constant 0 : index
      %swap3A_58 = arith.constant 0 : index
      %swap3A_59 = memref.load %arg4[%swap3A_57, %swap3A_58] : memref<1x1xf32, #tpu.memory_space<smem>>
      memref.store %add3A_56, %arg4[%swap3A_57, %swap3A_58] : memref<1x1xf32, #tpu.memory_space<smem>>
      %get3A_60 = arith.constant 0 : index
      %get3A_61 = arith.constant 0 : index
      %get3A_62 = memref.load %arg5[%get3A_60, %get3A_61] : memref<1x1xf32, #tpu.memory_space<smem>>
      %add3A_63 = arith.addf %get3A_62, %reduce_sum3A_26 : f32
      %swap3A_64 = arith.constant 0 : index
      %swap3A_65 = arith.constant 0 : index
      %swap3A_66 = memref.load %arg5[%swap3A_64, %swap3A_65] : memref<1x1xf32, #tpu.memory_space<smem>>
      memref.store %add3A_63, %arg5[%swap3A_64, %swap3A_65] : memref<1x1xf32, #tpu.memory_space<smem>>
      %get3A_67 = arith.constant 0 : index
      %get3A_68 = arith.constant 0 : index
      %get3A_69 = memref.load %arg6[%get3A_67, %get3A_68] : memref<1x1xf32, #tpu.memory_space<smem>>
      %max3A_70 = arith.maximumf %get3A_69, %reduce_max3A_40 : f32
      %swap3A_71 = arith.constant 0 : index
      %swap3A_72 = arith.constant 0 : index
      %swap3A_73 = memref.load %arg6[%swap3A_71, %swap3A_72] : memref<1x1xf32, #tpu.memory_space<smem>>
      memref.store %max3A_70, %arg6[%swap3A_71, %swap3A_72] : memref<1x1xf32, #tpu.memory_space<smem>>
    } else {
    }
    return
  }
  func.func @transform_0(%arg0: i32) -> (i32, i32) {
    %c0_i32 = arith.constant 0 : i32
    %c0_i32_0 = arith.constant 0 : i32
    return %arg0, %c0_i32 : i32, i32
  }
  func.func @transform_1(%arg0: i32) -> (i32, i32) {
    %c0_i32 = arith.constant 0 : i32
    %c0_i32_0 = arith.constant 0 : i32
    return %arg0, %c0_i32 : i32, i32
  }
  func.func @transform_2(%arg0: i32) -> (i32, i32) {
    %c0_i32 = arith.constant 0 : i32
    %c0_i32_0 = arith.constant 0 : i32
    return %arg0, %c0_i32 : i32, i32
  }
  func.func @transform_3(%arg0: i32) -> (i32, i32) {
    %c0_i32 = arith.constant 0 : i32
    %c0_i32_0 = arith.constant 0 : i32
    %c0_i32_1 = arith.constant 0 : i32
    return %c0_i32, %c0_i32_0 : i32, i32
  }
  func.func @transform_4(%arg0: i32) -> (i32, i32) {
    %c0_i32 = arith.constant 0 : i32
    %c0_i32_0 = arith.constant 0 : i32
    %c0_i32_1 = arith.constant 0 : i32
    return %c0_i32, %c0_i32_0 : i32, i32
  }
  func.func @transform_5(%arg0: i32) -> (i32, i32) {
    %c0_i32 = arith.constant 0 : i32
    %c0_i32_0 = arith.constant 0 : i32
    %c0_i32_1 = arith.constant 0 : i32
    return %c0_i32, %c0_i32_0 : i32, i32
  }
}

</mosaic_0001>

<sc_bundles>
// kernel: kernel.5.cloned.1.call-start
scs
__scs_entry_jumppad:
0x0: {  	(pc) =	sbr.rel $0x88, $3  }
0x1: {  	(tag) =	ssettag $0x0;
	lr =	simm.s32 $0x1  }
0x2: {  	[smem:$0x3F9F] =	sst lr;
	_ =	strace $0xD0000000  }
0x3: {  	_ = 	snop  }
0x4: {  	_ = 	snop  }
0x5: {  	_ = 	snop  }
0x6: {  	_ = 	snop  }
0x7: {  	_ = 	snop  }
__scs_overlays_trampoline_lowered:
0x8: {  	[smem:$0x3FAE] =	sst s0  }
0x9: {  	[smem:$0x3FAF] =	sst s1  }
0xa: {  	[smem:$0x3FB0] =	sst s2  }
0xb: {  	[smem:$0x3FB1] =	sst s3  }
0xc: {  	[smem:$0x3FB2] =	sst s4  }
0xd: {  	[smem:$0x3FB3] =	sst s5  }
0xe: {  	[smem:$0x3FB4] =	sst s6  }
0xf: {  	[smem:$0x3FB5] =	sst s7  }
0x10: {  	[smem:$0x3FB6] =	sst s8  }
0x11: {  	[smem:$0x3FB7] =	sst s9;
	s0 =	simm.s32 @!p0 $0x0  }
0x12: {  	s1 =	sld [smem:$0x3F9D];
	s0 =	simm.s32 @p0 $0x1  }
0x13: {  	[smem:$0x3FB8] =	sst s0;
	s0 =	simm.s32 @!p1 $0x0  }
0x14: {  	s2 =	sld [smem:$0x3F9C];
	s0 =	simm.s32 @p1 $0x1  }
0x15: {  	[smem:$0x3FB9] =	sst s0;
	s0 =	simm.s32 @!p2 $0x0  }
0x16: {  	s3 =	sld [smem:$0x3FDB];
	s0 =	simm.s32 @p2 $0x1  }
0x17: {  	s4 =	simm.s32 $0x1BF5;
	[smem:$0x3FBB] =	sst s0  }
0x18: {  	s0 =	sld [smem:$0x3F9E];
	_ =	swait.ge [sflag:s4], $0x0  }
0x19: {  	s7 =	sld [smem:$0x3F9F]  }
0x1a: {  	s8 =	sadd.s32 $0xFFFFE003, lr  }
0x1b: {  	s9 =	sadd.s32 $0xFFFFFEF7, lr;
	s5 =	simm.s32 $0xFFFFFFFF;
	p2 =	slt.u32 s8, $0xFFFFF086  }
0x1c: {  	p1 =	slt.u32 s9, $0xF7A;
	s5 =	simm.s32 @!p2 $0x0  }
0x1d: {  	s5 =	simm.s32 @p1 $0x1;
	p0 =	seq.s32 s7, s2  }
0x1e: {  	s7 =	smul.u32 @!p0 $0xF7A, s2;
	p2 =	seq.s32 @!p0 s5, $0x0  }
0x1f: {  	s9 =	smul.u32 $0xF7A, s1;
	s8 =	simm.s32 @!p0 $0x1BF5;
	p2 =	por !p2, p0  }
0x20: {  	[sflag:s8] =	ssyncset.s32 @!p0 $0xFFFFF086;
	s6 =	sadd.s32 @!p0 s3, s7;
	s7 =	simm.s32 @!p0 $0x108  }
0x21: {  	s3 =	sadd.s32 s3, s9;
	s6 =	sadd.s32 @!p0 $0x88, s6;
	s7 =	simm.s32 @p2 $0x1082  }
0x22: {  	[simem:s7], [sflag:s8] =	dma.local @!p0 [hbm:s6], $0xF7A  }
0x23: {  	s9 =	sor.u32 $0xD0000000, s2;
	s6 =	simm.s32 $0x108;
	_ =	swait.ge @!p0 [sflag:s8], $0x0  }
0x24: {  	s3 =	sadd.s32 $0x88, s3;
	s6 =	simm.s32 @!p1 $0x1082;
	[sflag:s4] =	ssyncset.s32 $0xFFFFF086  }
0x25: {  	[simem:s6], [sflag:s4] =	dma.local [hbm:s3], $0xF7A  }
0x26: {  	[smem:$0x3F9F] =	sst s1;
	(tag) =	ssettag s2;
	_ =	strace s9  }
0x27: {  	s1 =	sld [smem:$0x3FAF]  }
0x28: {  	s2 =	sld [smem:$0x3FB0]  }
0x29: {  	s4 =	sld [smem:$0x3FB2]  }
0x2a: {  	p0 =	seq.s32 s5, $0x0;
	s5 =	sld [smem:$0x3FB3]  }
0x2b: {  	s6 =	sld [smem:$0x3FB4]  }
0x2c: {  	s7 =	sld [smem:$0x3FB5]  }
0x2d: {  	s3 =	simm.s32 $0x108;
	s8 =	sld [smem:$0x3FB6]  }
0x2e: {  	s3 =	simm.s32 @!p0 $0x1082;
	s9 =	sld [smem:$0x3FB7]  }
0x2f: {  	lr =	sadd.s32 s0, s3;
	s0 =	sld [smem:$0x3FAE]  }
0x30: {  	s3 =	sld [smem:$0x3FB1]  }
0x31: {  	[smem:$0x3FBA] =	sst s10  }
0x32: {  	s10 =	sld [smem:$0x3FB8];
	_ =	sdelay $0x3  }
0x33: {  	p0 =	seq.s32 s10, $0x1;
	s10 =	sld [smem:$0x3FBA];
	_ =	sdelay $0x3  }
0x34: {  	[smem:$0x3FBA] =	sst s10  }
0x35: {  	s10 =	sld [smem:$0x3FB9];
	_ =	sdelay $0x3  }
0x36: {  	p1 =	seq.s32 s10, $0x1;
	s10 =	sld [smem:$0x3FBA];
	_ =	sdelay $0x3  }
0x37: {  	[smem:$0x3FBA] =	sst s10  }
0x38: {  	s10 =	sld [smem:$0x3FBB]  }
0x39: {  	_ = 	snop;
	(pc) =	sbr.ind lr, $3  }
0x3a: {  	_ = 	snop  }
0x3b: {  	_ = 	snop  }
0x3c: {  	p2 =	seq.s32 s10, $0x1;
	s10 =	sld [smem:$0x3FBA]  }
0x3d: {  	_ =	shalt  }
0x3e: {  	_ =	shalt  }
0x3f: {  	_ =	shalt  }
0x40: {  	_ =	shalt  }
0x41: {  	_ =	shalt  }
0x42: {  	_ =	shalt  }
0x43: {  	_ =	shalt  }
0x44: {  	_ =	shalt  }
0x45: {  	_ =	shalt  }
0x46: {  	_ =	shalt  }
0x47: {  	_ =	shalt  }
0x48: {  	_ =	shalt  }
0x49: {  	_ =	shalt  }
0x4a: {  	_ =	shalt  }
0x4b: {  	_ =	shalt  }
0x4c: {  	_ =	shalt  }
0x4d: {  	_ =	shalt  }
0x4e: {  	_ =	shalt  }
0x4f: {  	_ =	shalt  }
0x50: {  	_ =	shalt  }
0x51: {  	_ =	shalt  }
0x52: {  	_ =	shalt  }
0x53: {  	_ =	shalt  }
0x54: {  	_ =	shalt  }
0x55: {  	_ =	shalt  }
0x56: {  	_ =	shalt  }
0x57: {  	_ =	shalt  }
0x58: {  	_ =	shalt  }
0x59: {  	_ =	shalt  }
0x5a: {  	_ =	shalt  }
0x5b: {  	_ =	shalt  }
0x5c: {  	_ =	shalt  }
0x5d: {  	_ =	shalt  }
0x5e: {  	_ =	shalt  }
0x5f: {  	_ =	shalt  }
0x60: {  	_ =	shalt  }
0x61: {  	_ =	shalt  }
0x62: {  	_ =	shalt  }
0x63: {  	_ =	shalt  }
0x64: {  	_ =	shalt  }
0x65: {  	_ =	shalt  }
0x66: {  	_ =	shalt  }
0x67: {  	_ =	shalt  }
0x68: {  	_ =	shalt  }
0x69: {  	_ =	shalt  }
0x6a: {  	_ =	shalt  }
0x6b: {  	_ =	shalt  }
0x6c: {  	_ =	shalt  }
0x6d: {  	_ =	shalt  }
0x6e: {  	_ =	shalt  }
0x6f: {  	_ =	shalt  }
0x70: {  	_ =	shalt  }
0x71: {  	_ =	shalt  }
0x72: {  	_ =	shalt  }
0x73: {  	_ =	shalt  }
0x74: {  	_ =	shalt  }
0x75: {  	_ =	shalt  }
0x76: {  	_ =	shalt  }
0x77: {  	_ =	shalt  }
0x78: {  	_ =	shalt  }
0x79: {  	_ =	shalt  }
0x7a: {  	_ =	shalt  }
0x7b: {  	_ =	shalt  }
0x7c: {  	_ =	shalt  }
0x7d: {  	_ =	shalt  }
0x7e: {  	_ =	shalt  }
0x7f: {  	_ =	shalt  }
0x80: {  	_ =	shalt  }
0x81: {  	_ =	shalt  }
0x82: {  	_ =	shalt  }
0x83: {  	_ =	shalt  }
0x84: {  	_ =	shalt  }
0x85: {  	_ =	shalt  }
0x86: {  	_ =	shalt  }
0x87: {  	_ =	shalt  }
.Lfunc_end0:
.L_simem_size_0:
called_computation_lowered:
.L_overlay_start_0:
0x88: {  	s2 =	sld [smem:$0x3FD9]  }
0x89: {  	s3 =	sld [smem:$0x3FFE];
	_ =	sdelay $0x1  }
0x8a: {  	s1 =	srdreg.scid  }
0x8b: {  	s0 =	sand.u32 $0x1, s1  }
0x8c: {  	s16 =	sshll.u32 s0, $0xA;
	s2 =	sadd.s32 s3, s2  }
0x8d: {  	s2 =	sadd.s32 s2, s16  }
0x8e: {  	[smem:$0x3FC6] =	sst s2  }
0x8f: {  	_ = 	snop  }
0x90: {  	(tm) =	ssettm $0x1  }
0x91: {  	s17 =	sld [smem:$0x3FFB];
	_ =	sdelay $0x3  }
0x92: {  	_ =	strace s17  }
0x93: {  	s2 =	sld [smem:$0x3FFC];
	_ =	sdelay $0x3  }
0x94: {  	_ =	strace s2  }
0x95: {  	s2 =	sld [smem:$0x3FFD];
	_ =	sdelay $0x3  }
0x96: {  	_ =	strace s2  }
0x97: {  	_ =	strace $0x8FFFFFFF  }
0x98: {  	s18 =	sld [smem:$0x3FDB];
	_ =	sdelay $0x1  }
0x99: {  	s19 =	simm.s32 $_scs_section_size  }
0x9a: {  	s4 =	simm.s32 $_size__tile_overlayer_lowered;
	s5 =	simm.s32 $_tile_overlayer_lowered  }
0x9b: {  	s22 =	simm.s32 $0x1BFF;
	s21 =	sshll.u32 s5, $0x1;
	s2 =	sadd.s32 s19, s18  }
0x9c: {  	s6 =	simm.s32 $0x0;
	s20 =	sshll.u32 s4, $0x1;
	s4 =	sadd.s32 s21, s2  }
0x9d: {  	[timem:s6], [sflag:s22] =	dma.local [hbm:s4], s20  }
0x9e: {  	_ =	swait.ge [sflag:s22], s20  }
0x9f: {  	s3 =	ssub.s32 $0x0, s20;
	[sflag:s22] =	ssyncset.done $0x0  }
0xa0: {  	[sflag:s22] =	ssyncadd.s32 s3;
	_ =	sdelay $0x1  }
0xa1: {  	s23 =	simm.s32 $0x1B8B  }
0xa2: {  	_ =	swait.ge [sflag:s23], $0x1  }
0xa3: {  	[sflag:s23] =	ssyncset.done $0x0  }
0xa4: {  	s25 =	simm.s32 $0x1B8E;
	s24 =	sld [smem:$0x3FFE];
	[sflag:s23] =	ssyncadd.s32 $0xFFFFFFFF  }
0xa5: {  	s26 =	simm.s32 $execute0_lowered;
	[smem:$0x3FD2] =	sst s25  }
0xa6: {  	s4 =	sshll.u32 s26, $0x1;
	_ =	strace $0x80000046;
	[dreg:$0x1] =	wrdreg $0xFFFFFFFF  }
0xa7: {  	s28 =	simm.s32 $_size_execute0_lowered;
	s2 =	sadd.s32 s2, s4;
	[dreg:$0x0] =	wrdreg $0x0  }
0xa8: {  	s4 =	sshll.u32 s28, $0x1;
	[dreg:$0x2] =	wrdreg s2  }
0xa9: {  	[dreg:$0x3] =	wrdreg s4  }
0xaa: {  	[dreg:$0x4] =	wrdreg $0xC0  }
0xab: {  	_ =	task [dreg:s6], $0x5FFFF  }
0xac: {  	[dreg:$0x1] =	wrdreg $0xFFFFFFFF  }
0xad: {  	[dreg:$0x0] =	wrdreg $0x60  }
0xae: {  	[dreg:$0x2] =	wrdreg s24  }
0xaf: {  	[dreg:$0x3] =	wrdreg $0x9  }
0xb0: {  	_ =	task.clear_ibuf [dreg:s6], $0x4FFFF;
	_ =	strace $0x90000046  }
0xb1: {  	s29 =	simm.s32 $0x9;
	_ =	strace $0x80000048  }
0xb2: {  	_ =	swait.ge [sflag:s29], $0x1  }
0xb3: {  	[sflag:s29] =	ssyncadd.s32 $0xFFFFFFFF  }
0xb4: {  	_ =	strace $0x90000048  }
0xb5: {  	_ =	sfence  }
0xb6: {  	s30 =	sld [smem:$0x0];
	_ =	sdelay $0x2  }
0xb7: {  	s31 =	sshll.u32 s1, $0xD;
	s1 =	sshrl.u32 s1, $0x2  }
0xb8: {  	s3 =	sand.u32 $0x4000, s31;
	s1 =	sadd.s32 s1, s30  }
0xb9: {  	s0 =	sor.u32 s3, s0;
	s1 =	sshll.u32 s1, $0x11  }
0xba: {  	s0 =	sor.u32 s1, s0  }
0xbb: {  	s0 =	sadd.s32 $0x8F2B, s0  }
0xbc: {  	[sflag:s0] =	ssyncadd.remote.s32 $0x1  }
0xbd: {  	_ =	sfence.sel $0xFFFF  }
0xbe: {  	[dreg:$0x0] =	wrdreg $0xFFFFFFFF;
	(pc) =	sbr.abs _section_cstart, $3  }
0xbf: {  	[dreg:$0x1] =	wrdreg $0xFFFFFFFF  }
0xc0: {  	_ =	task.clear_ibuf [dreg:s6], $0x2FFFF;
	_ =	strace $0x9FFFFFFF  }
0xc1: {  	(tm) =	ssettm $0x7FFFFFFF  }
tec
execute0_lowered:
.L_overlay_start_1:
0x0: {  	(tag) =	ssettag $0x1  }
0x1: {  	s1 =	srdreg.scid  }
0x2: {  	s0 =	stileid.u32;
	s4 =	rddreg [dreg:$0x0];
	s2 =	simm.s32 $0x0  }
0x3: {  	s9 =	simm.s32 $0x8000;
	s3 =	sand.u32 $0x1, s1;
	s1 =	rddreg [dreg:$0x1]  }
0x4: {  	s10 =	simm.s32 $0x0;
	s5 =	sshll.u32 s0, $0x1;
	[smem:$0x7FF] =	sst s2  }
0x5: {  	s5 =	sor.u32 s3, s5;
	_ =	strace $0x80000047;
	s7 =	ssub.s32 $0x2, s3  }
0x6: {  	s3 =	sadd.s32 $0x100C00, s4;
	s6 =	sshll.u32 s5, $0xF;
	s5 =	sshll.u32 s5, $0xD  }
0x7: {  	s8 =	sshrl.u32 s7, $0x1;
	s6 =	sadd.s32 s6, s4;
	s5 =	sadd.s32 s5, s4  }
0x8: {  	v0 =	vlaneseq.u32;
	s7 =	ssub.s32 s7, s8;
	s8 =	simm.s32 $0x3;
	s4 =	sadd.s32 $0x600, s6  }
0x9: {  	v1 =	vimm.f32 $0.0e+00;
	v2 =	vimm.f32 $1.000000000e+00;
	v3 =	vor.u32 $0x4000, v0;
	s5 =	sadd.s32 $0x100E00, s5;
	s6 =	smax.u32 s7, $0x1;
	s7 =	simm.s32 $0x18000  }
.LBB2_1:
0xa: {  	[tilespmem:s7], [sflag:$0x3] =	stream.linear.gather [hbm4b:s3+s2], $0x80, $0x38;
	[tilespmem:$0x18080] =	vst v63  }
0xb: {  	_ =	swait.ge [sflag:s8], $0x80  }
0xc: {  	[sflag:s8] =	ssyncset.done $0x0  }
0xd: {  	s11 =	simm.s32 $0x40;
	s12 =	simm.s32 $0x0;
	[sflag:s8] =	ssyncadd.s32 $0xFFFFFF80  }
.LBB2_2:
0xe: {  	p0 =	sne.s32 s11, $0x3FFC0;
	[tilespmem:s12+$0x8000] =	vst v1;
	s12 =	smov.u32 s11;
	s11 =	sadd.s32 $0x40, s11  }
.Ltmp0:
0xf: {  	(pc) =	sbr.rel @p0 .LBB2_2-.Ltmp0, $2  }
0x10: {  	_ =	sdelay $0x2  }
0x11: {  	s12 =	sshra.s32 s12, $0x2  }
0x12: {  	[tilespmem:s12+$0x8000] =	vst v1;
	s11 =	simm.s32 $0x0  }
0x13: {  	v4 =	vld [tilespmem:$0x18000];
	[tilespmem:s11], [sflag:$0x1] =	stream.linear.gather [hbm4b:s4+s11], $0x4000, $0x38  }
.LBB2_5:
0x14: {  	s12 =	sand.u32 $0x1, s11;
	p0 =	seq.s32 s11, $0xF  }
0x15: {  	s11 =	sadd.s32 $0x1, s11;
	s13 =	sadd.s32 $0x1, s12;
	s14 =	sxor.u32 @!p0 $0x1, s12  }
0x16: {  	s15 =	sshll.u32 @!p0 s11, $0xB;
	s16 =	simm.s32 @!p0 $0x0;
	_ =	swait.ge [sflag:s13], $0x4000  }
0x17: {  	s12 =	sshll.u32 s12, $0xE;
	s15 =	sadd.s32 @!p0 s15, s4;
	[sflag:s13] =	ssyncset.done $0x0  }
0x18: {  	[sflag:s13] =	ssyncadd.s32 $0xFFFFC000;
	s13 =	sshll.u32 @!p0 s14, $0xE;
	s14 =	sadd.s32 @!p0 $0x1, s14  }
0x19: {  	[tilespmem:s13], [sflag:s14] =	stream.linear.gather @!p0 [hbm4b:s15+s16], $0x4000, $0x38;
	[tilespmem:$0x18080] =	vst v63  }
0x1a: {  	s13 =	simm.s32 $0xFFFFFFFC;
	s14 =	simm.s32 $0x0;
	s15 =	simm.s32 $0x0  }
.LBB2_6:
0x1b: {  	s16 =	sand.u32 $0x3000, s14  }
0x1c: {  	s17 =	sand.u32 $0x200, s15;
	s16 =	sadd.s32 s16, s12  }
0x1d: {  	s16 =	sadd.s32 s17, s16  }
0x1e: {  	v5 =	vld [tilespmem:s16+$0x0];
	_ =	sdelay $0x4  }
0x1f: {  	v6 =	vand.u32 $0xFFFFFFFE, v5  }
0x20: {  	v7 =	vmul.f32 v6, v4;
	_ =	sdelay $0x1  }
0x21: {  	v8 =	vtrunc.f32 v7  }
0x22: {  	v8 =	vcvt.f32.s32 v8;
	_ =	sdelay $0x1  }
0x23: {  	vm0 =	vgt.s32 v8, $0x0  }
0x24: {  	v8 =	vnsel vm0, $0x0, v8  }
0x25: {  	v5 =	vshll.u32 v5, $0xF;
	v8 =	vmin.u32 v8, $0x3FF  }
0x26: {  	v5 =	vand.u32 $0x8000, v5;
	v9 =	vshll.u32 v8, $0x4  }
0x27: {  	vm4 =	vgt.f32 v6, $0.0e+00;
	v5 =	vor.u32 v5, v9  }
0x28: {  	v5 =	vor.u32 v0, v5  }
0x29: {  	v6 =	vor.u32 $0x4000, v5  }
0x2a: {  	v8 =	vcvt.s32.f32 v8;
	_ =	sdelay $0x1  }
0x2b: {  	v7 =	vsub.f32 v7, v8  }
0x2c: {  	[tilespmem:v5+s9+$0x0] =	vst.idx.add.f32.msk vm4, v2  }
0x2d: {  	[tilespmem:v6+s9+$0x0] =	vst.idx.add.f32.msk vm4, v7  }
0x2e: {  	v5 =	vld [tilespmem:s16+$0x10];
	_ =	sdelay $0x4  }
0x2f: {  	v6 =	vand.u32 $0xFFFFFFFE, v5  }
0x30: {  	v7 =	vmul.f32 v6, v4;
	_ =	sdelay $0x1  }
0x31: {  	v63 =	vtrunc.f32 v7  }
0x32: {  	v8 =	vcvt.f32.s32 v63;
	_ =	sdelay $0x1  }
0x33: {  	vm5 =	vgt.s32 v8, $0x0  }
0x34: {  	v8 =	vnsel vm5, $0x0, v8  }
0x35: {  	v5 =	vshll.u32 v5, $0xF;
	v8 =	vmin.u32 v8, $0x3FF  }
0x36: {  	v5 =	vand.u32 $0x8000, v5;
	v12 =	vshll.u32 v8, $0x4  }
0x37: {  	vm6 =	vgt.f32 v6, $0.0e+00;
	v5 =	vor.u32 v5, v12  }
0x38: {  	v6 =	vor.u32 v0, v5  }
0x39: {  	v5 =	vor.u32 v3, v5  }
0x3a: {  	v8 =	vcvt.s32.f32 v8;
	_ =	sdelay $0x1  }
0x3b: {  	v7 =	vsub.f32 v7, v8  }
0x3c: {  	[tilespmem:v6+s9+$0x0] =	vst.idx.add.f32.msk vm6, v2  }
0x3d: {  	[tilespmem:v5+s9+$0x0] =	vst.idx.add.f32.msk vm6, v7  }
0x3e: {  	v5 =	vld [tilespmem:s16+$0x20];
	_ =	sdelay $0x4  }
0x3f: {  	v6 =	vand.u32 $0xFFFFFFFE, v5  }
0x40: {  	v7 =	vmul.f32 v6, v4;
	_ =	sdelay $0x1  }
0x41: {  	v13 =	vtrunc.f32 v7  }
0x42: {  	v8 =	vcvt.f32.s32 v13;
	_ =	sdelay $0x1  }
0x43: {  	vm7 =	vgt.s32 v8, $0x0  }
0x44: {  	v8 =	vnsel vm7, $0x0, v8  }
0x45: {  	v5 =	vshll.u32 v5, $0xF;
	v8 =	vmin.u32 v8, $0x3FF  }
0x46: {  	v5 =	vand.u32 $0x8000, v5;
	v14 =	vshll.u32 v8, $0x4  }
0x47: {  	vm8 =	vgt.f32 v6, $0.0e+00;
	v5 =	vor.u32 v5, v14  }
0x48: {  	v6 =	vor.u32 v0, v5  }
0x49: {  	v5 =	vor.u32 v3, v5  }
0x4a: {  	v8 =	vcvt.s32.f32 v8;
	_ =	sdelay $0x1  }
0x4b: {  	v7 =	vsub.f32 v7, v8  }
0x4c: {  	[tilespmem:v6+s9+$0x0] =	vst.idx.add.f32.msk vm8, v2  }
0x4d: {  	[tilespmem:v5+s9+$0x0] =	vst.idx.add.f32.msk vm8, v7  }
0x4e: {  	v5 =	vld [tilespmem:s16+$0x30];
	_ =	sdelay $0x4  }
0x4f: {  	v6 =	vand.u32 $0xFFFFFFFE, v5  }
0x50: {  	v7 =	vmul.f32 v6, v4;
	_ =	sdelay $0x1  }
0x51: {  	v15 =	vtrunc.f32 v7  }
0x52: {  	v8 =	vcvt.f32.s32 v15;
	_ =	sdelay $0x1  }
0x53: {  	vm9 =	vgt.s32 v8, $0x0  }
0x54: {  	v8 =	vnsel vm9, $0x0, v8  }
0x55: {  	v5 =	vshll.u32 v5, $0xF;
	v8 =	vmin.u32 v8, $0x3FF  }
0x56: {  	v5 =	vand.u32 $0x8000, v5;
	v16 =	vshll.u32 v8, $0x4  }
0x57: {  	vm10 =	vgt.f32 v6, $0.0e+00;
	v5 =	vor.u32 v5, v16  }
0x58: {  	v6 =	vor.u32 v0, v5  }
0x59: {  	v5 =	vor.u32 v3, v5  }
0x5a: {  	v8 =	vcvt.s32.f32 v8;
	_ =	sdelay $0x1  }
0x5b: {  	v7 =	vsub.f32 v7, v8  }
0x5c: {  	[tilespmem:v6+s9+$0x0] =	vst.idx.add.f32.msk vm10, v2  }
0x5d: {  	[tilespmem:v5+s9+$0x0] =	vst.idx.add.f32.msk vm10, v7  }
0x5e: {  	v5 =	vld [tilespmem:s16+$0x40];
	_ =	sdelay $0x4  }
0x5f: {  	v6 =	vand.u32 $0xFFFFFFFE, v5  }
0x60: {  	v7 =	vmul.f32 v6, v4;
	_ =	sdelay $0x1  }
0x61: {  	v17 =	vtrunc.f32 v7  }
0x62: {  	v8 =	vcvt.f32.s32 v17;
	_ =	sdelay $0x1  }
0x63: {  	vm11 =	vgt.s32 v8, $0x0  }
0x64: {  	v8 =	vnsel vm11, $0x0, v8  }
0x65: {  	v5 =	vshll.u32 v5, $0xF;
	v8 =	vmin.u32 v8, $0x3FF  }
0x66: {  	v5 =	vand.u32 $0x8000, v5;
	v18 =	vshll.u32 v8, $0x4  }
0x67: {  	vm12 =	vgt.f32 v6, $0.0e+00;
	v5 =	vor.u32 v5, v18  }
0x68: {  	v6 =	vor.u32 v0, v5  }
0x69: {  	v5 =	vor.u32 v3, v5  }
0x6a: {  	v8 =	vcvt.s32.f32 v8;
	_ =	sdelay $0x1  }
0x6b: {  	v7 =	vsub.f32 v7, v8  }
0x6c: {  	[tilespmem:v6+s9+$0x0] =	vst.idx.add.f32.msk vm12, v2  }
0x6d: {  	[tilespmem:v5+s9+$0x0] =	vst.idx.add.f32.msk vm12, v7  }
0x6e: {  	v5 =	vld [tilespmem:s16+$0x50];
	_ =	sdelay $0x4  }
0x6f: {  	v6 =	vand.u32 $0xFFFFFFFE, v5  }
0x70: {  	v7 =	vmul.f32 v6, v4;
	_ =	sdelay $0x1  }
0x71: {  	v19 =	vtrunc.f32 v7  }
0x72: {  	v8 =	vcvt.f32.s32 v19;
	_ =	sdelay $0x1  }
0x73: {  	vm13 =	vgt.s32 v8, $0x0  }
0x74: {  	v8 =	vnsel vm13, $0x0, v8  }
0x75: {  	v5 =	vshll.u32 v5, $0xF;
	v8 =	vmin.u32 v8, $0x3FF  }
0x76: {  	v5 =	vand.u32 $0x8000, v5;
	v20 =	vshll.u32 v8, $0x4  }
0x77: {  	vm14 =	vgt.f32 v6, $0.0e+00;
	v5 =	vor.u32 v5, v20  }
0x78: {  	v6 =	vor.u32 v0, v5  }
0x79: {  	v5 =	vor.u32 v3, v5  }
0x7a: {  	v8 =	vcvt.s32.f32 v8;
	_ =	sdelay $0x1  }
0x7b: {  	v7 =	vsub.f32 v7, v8  }
0x7c: {  	[tilespmem:v6+s9+$0x0] =	vst.idx.add.f32.msk vm14, v2  }
0x7d: {  	[tilespmem:v5+s9+$0x0] =	vst.idx.add.f32.msk vm14, v7  }
0x7e: {  	v5 =	vld [tilespmem:s16+$0x60];
	_ =	sdelay $0x4  }
0x7f: {  	v6 =	vand.u32 $0xFFFFFFFE, v5  }
0x80: {  	v7 =	vmul.f32 v6, v4;
	_ =	sdelay $0x1  }
0x81: {  	v21 =	vtrunc.f32 v7  }
0x82: {  	v8 =	vcvt.f32.s32 v21;
	_ =	sdelay $0x1  }
0x83: {  	vm15 =	vgt.s32 v8, $0x0  }
0x84: {  	v8 =	vnsel vm15, $0x0, v8  }
0x85: {  	v5 =	vshll.u32 v5, $0xF;
	v8 =	vmin.u32 v8, $0x3FF  }
0x86: {  	v5 =	vand.u32 $0x8000, v5;
	v22 =	vshll.u32 v8, $0x4  }
0x87: {  	vm4 =	vgt.f32 v6, $0.0e+00;
	v5 =	vor.u32 v5, v22  }
0x88: {  	v6 =	vor.u32 v0, v5  }
0x89: {  	v5 =	vor.u32 v3, v5  }
0x8a: {  	v8 =	vcvt.s32.f32 v8;
	_ =	sdelay $0x1  }
0x8b: {  	v7 =	vsub.f32 v7, v8  }
0x8c: {  	[tilespmem:v6+s9+$0x0] =	vst.idx.add.f32.msk vm4, v2  }
0x8d: {  	[tilespmem:v5+s9+$0x0] =	vst.idx.add.f32.msk vm4, v7  }
0x8e: {  	v5 =	vld [tilespmem:s16+$0x70];
	_ =	sdelay $0x4  }
0x8f: {  	v6 =	vand.u32 $0xFFFFFFFE, v5  }
0x90: {  	v7 =	vmul.f32 v6, v4;
	_ =	sdelay $0x1  }
0x91: {  	v23 =	vtrunc.f32 v7  }
0x92: {  	v8 =	vcvt.f32.s32 v23;
	_ =	sdelay $0x1  }
0x93: {  	vm5 =	vgt.s32 v8, $0x0  }
0x94: {  	v8 =	vnsel vm5, $0x0, v8  }
0x95: {  	v5 =	vshll.u32 v5, $0xF;
	v8 =	vmin.u32 v8, $0x3FF  }
0x96: {  	v5 =	vand.u32 $0x8000, v5;
	v24 =	vshll.u32 v8, $0x4  }
0x97: {  	vm6 =	vgt.f32 v6, $0.0e+00;
	v5 =	vor.u32 v5, v24  }
0x98: {  	v6 =	vor.u32 v0, v5  }
0x99: {  	v5 =	vor.u32 v3, v5  }
0x9a: {  	v8 =	vcvt.s32.f32 v8;
	_ =	sdelay $0x1  }
0x9b: {  	v7 =	vsub.f32 v7, v8  }
0x9c: {  	[tilespmem:v6+s9+$0x0] =	vst.idx.add.f32.msk vm6, v2  }
0x9d: {  	[tilespmem:v5+s9+$0x0] =	vst.idx.add.f32.msk vm6, v7  }
0x9e: {  	v5 =	vld [tilespmem:s16+$0x400];
	_ =	sdelay $0x4  }
0x9f: {  	v6 =	vand.u32 $0xFFFFFFFE, v5  }
0xa0: {  	v7 =	vmul.f32 v6, v4;
	_ =	sdelay $0x1  }
0xa1: {  	v25 =	vtrunc.f32 v7  }
0xa2: {  	v8 =	vcvt.f32.s32 v25;
	_ =	sdelay $0x1  }
0xa3: {  	vm7 =	vgt.s32 v8, $0x0  }
0xa4: {  	v8 =	vnsel vm7, $0x0, v8  }
0xa5: {  	v5 =	vshll.u32 v5, $0xF;
	v8 =	vmin.u32 v8, $0x3FF  }
0xa6: {  	v5 =	vand.u32 $0x8000, v5;
	v26 =	vshll.u32 v8, $0x4  }
0xa7: {  	vm8 =	vgt.f32 v6, $0.0e+00;
	v5 =	vor.u32 v5, v26  }
0xa8: {  	v6 =	vor.u32 v0, v5  }
0xa9: {  	v5 =	vor.u32 v3, v5  }
0xaa: {  	v8 =	vcvt.s32.f32 v8;
	_ =	sdelay $0x1  }
0xab: {  	v7 =	vsub.f32 v7, v8  }
0xac: {  	[tilespmem:v6+s9+$0x0] =	vst.idx.add.f32.msk vm8, v2  }
0xad: {  	[tilespmem:v5+s9+$0x0] =	vst.idx.add.f32.msk vm8, v7  }
0xae: {  	v5 =	vld [tilespmem:s16+$0x410];
	_ =	sdelay $0x4  }
0xaf: {  	v6 =	vand.u32 $0xFFFFFFFE, v5  }
0xb0: {  	v7 =	vmul.f32 v6, v4;
	_ =	sdelay $0x1  }
0xb1: {  	v27 =	vtrunc.f32 v7  }
0xb2: {  	v8 =	vcvt.f32.s32 v27;
	_ =	sdelay $0x1  }
0xb3: {  	vm9 =	vgt.s32 v8, $0x0  }
0xb4: {  	v8 =	vnsel vm9, $0x0, v8  }
0xb5: {  	v5 =	vshll.u32 v5, $0xF;
	v8 =	vmin.u32 v8, $0x3FF  }
0xb6: {  	v5 =	vand.u32 $0x8000, v5;
	v28 =	vshll.u32 v8, $0x4  }
0xb7: {  	vm10 =	vgt.f32 v6, $0.0e+00;
	v5 =	vor.u32 v5, v28  }
0xb8: {  	v6 =	vor.u32 v0, v5  }
0xb9: {  	v5 =	vor.u32 v3, v5  }
0xba: {  	v8 =	vcvt.s32.f32 v8;
	_ =	sdelay $0x1  }
0xbb: {  	v7 =	vsub.f32 v7, v8  }
0xbc: {  	[tilespmem:v6+s9+$0x0] =	vst.idx.add.f32.msk vm10, v2  }
0xbd: {  	[tilespmem:v5+s9+$0x0] =	vst.idx.add.f32.msk vm10, v7  }
0xbe: {  	v5 =	vld [tilespmem:s16+$0x420];
	_ =	sdelay $0x4  }
0xbf: {  	v6 =	vand.u32 $0xFFFFFFFE, v5  }
0xc0: {  	v7 =	vmul.f32 v6, v4;
	_ =	sdelay $0x1  }
0xc1: {  	v29 =	vtrunc.f32 v7  }
0xc2: {  	v8 =	vcvt.f32.s32 v29;
	_ =	sdelay $0x1  }
0xc3: {  	vm11 =	vgt.s32 v8, $0x0  }
0xc4: {  	v8 =	vnsel vm11, $0x0, v8  }
0xc5: {  	v5 =	vshll.u32 v5, $0xF;
	v8 =	vmin.u32 v8, $0x3FF  }
0xc6: {  	v5 =	vand.u32 $0x8000, v5;
	v30 =	vshll.u32 v8, $0x4  }
0xc7: {  	vm12 =	vgt.f32 v6, $0.0e+00;
	v5 =	vor.u32 v5, v30  }
0xc8: {  	v6 =	vor.u32 v0, v5  }
0xc9: {  	v5 =	vor.u32 v3, v5  }
0xca: {  	v8 =	vcvt.s32.f32 v8;
	_ =	sdelay $0x1  }
0xcb: {  	v7 =	vsub.f32 v7, v8  }
0xcc: {  	[tilespmem:v6+s9+$0x0] =	vst.idx.add.f32.msk vm12, v2  }
0xcd: {  	[tilespmem:v5+s9+$0x0] =	vst.idx.add.f32.msk vm12, v7  }
0xce: {  	v5 =	vld [tilespmem:s16+$0x430];
	_ =	sdelay $0x4  }
0xcf: {  	v6 =	vand.u32 $0xFFFFFFFE, v5  }
0xd0: {  	v7 =	vmul.f32 v6, v4;
	_ =	sdelay $0x1  }
0xd1: {  	v31 =	vtrunc.f32 v7  }
0xd2: {  	v8 =	vcvt.f32.s32 v31;
	_ =	sdelay $0x1  }
0xd3: {  	vm13 =	vgt.s32 v8, $0x0  }
0xd4: {  	v8 =	vnsel vm13, $0x0, v8  }
0xd5: {  	v5 =	vshll.u32 v5, $0xF;
	v8 =	vmin.u32 v8, $0x3FF  }
0xd6: {  	v5 =	vand.u32 $0x8000, v5;
	v32 =	vshll.u32 v8, $0x4  }
0xd7: {  	vm14 =	vgt.f32 v6, $0.0e+00;
	v5 =	vor.u32 v5, v32  }
0xd8: {  	v6 =	vor.u32 v0, v5  }
0xd9: {  	v5 =	vor.u32 v3, v5  }
0xda: {  	v8 =	vcvt.s32.f32 v8;
	_ =	sdelay $0x1  }
0xdb: {  	v7 =	vsub.f32 v7, v8  }
0xdc: {  	[tilespmem:v6+s9+$0x0] =	vst.idx.add.f32.msk vm14, v2  }
0xdd: {  	[tilespmem:v5+s9+$0x0] =	vst.idx.add.f32.msk vm14, v7  }
0xde: {  	v5 =	vld [tilespmem:s16+$0x440];
	_ =	sdelay $0x4  }
0xdf: {  	v6 =	vand.u32 $0xFFFFFFFE, v5  }
0xe0: {  	v7 =	vmul.f32 v6, v4;
	_ =	sdelay $0x1  }
0xe1: {  	v33 =	vtrunc.f32 v7  }
0xe2: {  	v8 =	vcvt.f32.s32 v33;
	_ =	sdelay $0x1  }
0xe3: {  	vm15 =	vgt.s32 v8, $0x0  }
0xe4: {  	v34 =	vld [tilespmem:s16+$0x80];
	v8 =	vnsel vm15, $0x0, v8  }
0xe5: {  	v5 =	vshll.u32 v5, $0xF;
	v8 =	vmin.u32 v8, $0x3FF  }
0xe6: {  	v5 =	vand.u32 $0x8000, v5;
	v10 =	vshll.u32 v8, $0x4  }
0xe7: {  	v36 =	vld [tilespmem:s16+$0x180];
	vm4 =	vgt.f32 v6, $0.0e+00;
	v5 =	vor.u32 v5, v10  }
0xe8: {  	v6 =	vor.u32 v0, v5  }
0xe9: {  	v35 =	vand.u32 $0xFFFFFFFE, v34  }
0xea: {  	v11 =	vmul.f32 v35, v4;
	v12 =	vld [tilespmem:s16+$0x100]  }
0xeb: {  	v5 =	vor.u32 v3, v5  }
0xec: {  	v13 =	vtrunc.f32 v11;
	v14 =	vand.u32 $0xFFFFFFFE, v36;
	v8 =	vcvt.s32.f32 v8  }
0xed: {  	v9 =	vshll.u32 v34, $0xF;
	v16 =	vmul.f32 v14, v4;
	[tilespmem:v6+s9+$0x0] =	vst.idx.add.f32.msk vm4, v2;
	v6 =	vcvt.f32.s32 v13  }
0xee: {  	v9 =	vand.u32 $0x8000, v9;
	v7 =	vsub.f32 v7, v8  }
0xef: {  	v40 =	vshll.u32 v12, $0xF;
	v18 =	vtrunc.f32 v16;
	vm5 =	vgt.s32 v6, $0x0  }
0xf0: {  	v18 =	vcvt.f32.s32 v18;
	[tilespmem:v5+s9+$0x0] =	vst.idx.add.f32.msk vm4, v7;
	v7 =	vand.u32 $0xFFFFFFFE, v12;
	v6 =	vnsel vm5, $0x0, v6  }
0xf1: {  	vm6 =	vgt.f32 v35, $0.0e+00;
	v37 =	vmul.f32 v7, v4;
	v6 =	vmin.u32 v6, $0x3FF  }
0xf2: {  	vm7 =	vgt.s32 v18, $0x0;
	v8 =	vshll.u32 v36, $0xF;
	v38 =	vshll.u32 v6, $0x4  }
0xf3: {  	vm8 =	vgt.f32 v7, $0.0e+00;
	v39 =	vtrunc.f32 v37;
	v9 =	vor.u32 v9, v38  }
0xf4: {  	v7 =	vnsel vm7, $0x0, v18;
	v10 =	vcvt.f32.s32 v39;
	v15 =	vor.u32 v0, v9  }
0xf5: {  	v8 =	vand.u32 $0x8000, v8;
	v7 =	vmin.u32 v7, $0x3FF;
	v9 =	vor.u32 v3, v9  }
0xf6: {  	v42 =	vshll.u32 v7, $0x4;
	v6 =	vcvt.s32.f32 v6;
	vm1 =	vgt.s32 v10, $0x0  }
0xf7: {  	vm9 =	vgt.f32 v14, $0.0e+00;
	v8 =	vor.u32 v8, v42;
	v10 =	vnsel vm1, $0x0, v10  }
0xf8: {  	v5 =	vld [tilespmem:s16+$0x450];
	v44 =	vor.u32 v0, v8;
	v6 =	vsub.f32 v11, v6;
	v10 =	vmin.u32 v10, $0x3FF  }
0xf9: {  	v8 =	vor.u32 v3, v8;
	v11 =	vand.u32 $0x8000, v40;
	v41 =	vshll.u32 v10, $0x4;
	[tilespmem:v15+s9+$0x0] =	vst.idx.add.f32.msk vm6, v2  }
0xfa: {  	v7 =	vcvt.s32.f32 v7;
	[tilespmem:v9+s9+$0x0] =	vst.idx.add.f32.msk vm6, v6;
	v6 =	vor.u32 v11, v41  }
0xfb: {  	v9 =	vld [tilespmem:s16+$0x90];
	v11 =	vor.u32 v0, v6  }
0xfc: {  	v7 =	vsub.f32 v16, v7;
	v6 =	vor.u32 v3, v6  }
0xfd: {  	v17 =	vand.u32 $0xFFFFFFFE, v5;
	v10 =	vcvt.s32.f32 v10;
	[tilespmem:v44+s9+$0x0] =	vst.idx.add.f32.msk vm9, v2  }
0xfe: {  	v19 =	vmul.f32 v17, v4;
	[tilespmem:v8+s9+$0x0] =	vst.idx.add.f32.msk vm9, v7  }
0xff: {  	v10 =	vsub.f32 v37, v10;
	v7 =	vld [tilespmem:s16+$0x190]  }
0x100: {  	v43 =	vtrunc.f32 v19;
	v45 =	vand.u32 $0xFFFFFFFE, v9;
	[tilespmem:v11+s9+$0x0] =	vst.idx.add.f32.msk vm8, v2  }
0x101: {  	v12 =	vcvt.f32.s32 v43;
	v46 =	vmul.f32 v45, v4;
	[tilespmem:v6+s9+$0x0] =	vst.idx.add.f32.msk vm8, v10  }
0x102: {  	v5 =	vshll.u32 v5, $0xF;
	v10 =	vld [tilespmem:s16+$0x110]  }
0x103: {  	v5 =	vand.u32 $0x8000, v5;
	vm2 =	vgt.s32 v12, $0x0;
	v47 =	vtrunc.f32 v46  }
0x104: {  	v54 =	vand.u32 $0xFFFFFFFE, v7;
	v6 =	vnsel vm2, $0x0, v12;
	v12 =	vcvt.f32.s32 v47  }
0x105: {  	vm10 =	vgt.f32 v17, $0.0e+00;
	v9 =	vshll.u32 v9, $0xF;
	v56 =	vmul.f32 v54, v4  }
0x106: {  	vm12 =	vgt.f32 v45, $0.0e+00;
	v6 =	vmin.u32 v6, $0x3FF;
	vm11 =	vgt.s32 v12, $0x0  }
0x107: {  	v48 =	vshll.u32 v6, $0x4;
	v12 =	vnsel vm11, $0x0, v12;
	v50 =	vand.u32 $0xFFFFFFFE, v10  }
0x108: {  	v5 =	vor.u32 v5, v48;
	v12 =	vmin.u32 v12, $0x3FF;
	v51 =	vmul.f32 v50, v4  }
0x109: {  	v9 =	vand.u32 $0x8000, v9;
	v49 =	vor.u32 v0, v5;
	v52 =	vshll.u32 v12, $0x4  }
0x10a: {  	v5 =	vor.u32 v3, v5;
	v9 =	vor.u32 v9, v52;
	v53 =	vtrunc.f32 v51  }
0x10b: {  	v6 =	vcvt.s32.f32 v6;
	v55 =	vor.u32 v0, v9;
	v13 =	vcvt.f32.s32 v53  }
0x10c: {  	v57 =	vtrunc.f32 v56;
	v9 =	vor.u32 v3, v9  }
0x10d: {  	v6 =	vsub.f32 v19, v6;
	v12 =	vcvt.s32.f32 v12;
	vm13 =	vgt.s32 v13, $0x0  }
0x10e: {  	v59 =	vcvt.f32.s32 v57;
	[tilespmem:v49+s9+$0x0] =	vst.idx.add.f32.msk vm10, v2;
	v58 =	vnsel vm13, $0x0, v13  }
0x10f: {  	v60 =	vshll.u32 v10, $0xF;
	[tilespmem:v5+s9+$0x0] =	vst.idx.add.f32.msk vm10, v6;
	v5 =	vsub.f32 v46, v12;
	v6 =	vmin.u32 v58, $0x3FF  }
0x110: {  	vm14 =	vgt.s32 v59, $0x0;
	v8 =	vand.u32 $0x8000, v60;
	[tilespmem:v55+s9+$0x0] =	vst.idx.add.f32.msk vm12, v2;
	v61 =	vshll.u32 v6, $0x4  }
0x111: {  	v62 =	vnsel vm14, $0x0, v59;
	vm15 =	vgt.f32 v50, $0.0e+00;
	[tilespmem:v9+s9+$0x0] =	vst.idx.add.f32.msk vm12, v5;
	v5 =	vor.u32 v8, v61  }
0x112: {  	v7 =	vshll.u32 v7, $0xF;
	v8 =	vmin.u32 v62, $0x3FF;
	v9 =	vld [tilespmem:s16+$0xA0];
	v10 =	vor.u32 v0, v5  }
0x113: {  	v7 =	vand.u32 $0x8000, v7;
	v5 =	vor.u32 v3, v5;
	v24 =	vshll.u32 v8, $0x4  }
0x114: {  	vm4 =	vgt.f32 v54, $0.0e+00;
	v6 =	vcvt.s32.f32 v6;
	v7 =	vor.u32 v7, v24  }
0x115: {  	v12 =	vor.u32 v0, v7  }
0x116: {  	v63 =	vld [tilespmem:s16+$0x460];
	v6 =	vsub.f32 v51, v6;
	v7 =	vor.u32 v3, v7  }
0x117: {  	v8 =	vcvt.s32.f32 v8;
	v25 =	vand.u32 $0xFFFFFFFE, v9;
	[tilespmem:v10+s9+$0x0] =	vst.idx.add.f32.msk vm15, v2  }
0x118: {  	v27 =	vmul.f32 v25, v4;
	[tilespmem:v5+s9+$0x0] =	vst.idx.add.f32.msk vm15, v6  }
0x119: {  	v8 =	vsub.f32 v56, v8;
	v6 =	vld [tilespmem:s16+$0x120]  }
0x11a: {  	[tilespmem:v12+s9+$0x0] =	vst.idx.add.f32.msk vm4, v2;
	v28 =	vtrunc.f32 v27  }
0x11b: {  	[tilespmem:v7+s9+$0x0] =	vst.idx.add.f32.msk vm4, v8;
	v15 =	vcvt.f32.s32 v28  }
0x11c: {  	v8 =	vld [tilespmem:s16+$0x1A0]  }
0x11d: {  	v26 =	vand.u32 $0xFFFFFFFE, v63;
	v9 =	vshll.u32 v9, $0xF;
	vm5 =	vgt.s32 v15, $0x0  }
0x11e: {  	v5 =	vmul.f32 v26, v4;
	v30 =	vnsel vm5, $0x0, v15;
	v31 =	vand.u32 $0xFFFFFFFE, v6  }
0x11f: {  	vm7 =	vgt.f32 v25, $0.0e+00;
	v12 =	vmin.u32 v30, $0x3FF;
	v32 =	vmul.f32 v31, v4  }
0x120: {  	v9 =	vand.u32 $0x8000, v9;
	v29 =	vtrunc.f32 v5;
	v33 =	vshll.u32 v12, $0x4  }
0x121: {  	v35 =	vand.u32 $0xFFFFFFFE, v8;
	v9 =	vor.u32 v9, v33;
	v34 =	vtrunc.f32 v32  }
0x122: {  	v37 =	vmul.f32 v35, v4;
	v36 =	vor.u32 v0, v9;
	v13 =	vcvt.f32.s32 v34  }
0x123: {  	v11 =	vshll.u32 v63, $0xF;
	v7 =	vcvt.f32.s32 v29;
	v9 =	vor.u32 v3, v9  }
0x124: {  	v12 =	vcvt.s32.f32 v12;
	v20 =	vtrunc.f32 v37;
	vm8 =	vgt.s32 v13, $0x0  }
0x125: {  	vm6 =	vgt.s32 v7, $0x0;
	v20 =	vcvt.f32.s32 v20;
	v13 =	vnsel vm8, $0x0, v13  }
0x126: {  	v6 =	vshll.u32 v6, $0xF;
	v12 =	vsub.f32 v27, v12;
	v13 =	vmin.u32 v13, $0x3FF  }
0x127: {  	v6 =	vand.u32 $0x8000, v6;
	vm9 =	vgt.s32 v20, $0x0;
	[tilespmem:v36+s9+$0x0] =	vst.idx.add.f32.msk vm7, v2;
	v38 =	vshll.u32 v13, $0x4  }
0x128: {  	vm10 =	vgt.f32 v31, $0.0e+00;
	v39 =	vnsel vm9, $0x0, v20;
	[tilespmem:v9+s9+$0x0] =	vst.idx.add.f32.msk vm7, v12;
	v6 =	vor.u32 v6, v38  }
0x129: {  	v8 =	vshll.u32 v8, $0xF;
	v9 =	vmin.u32 v39, $0x3FF;
	v12 =	vld [tilespmem:s16+$0xB0];
	v14 =	vor.u32 v0, v6  }
0x12a: {  	v8 =	vand.u32 $0x8000, v8;
	v6 =	vor.u32 v3, v6;
	v40 =	vshll.u32 v9, $0x4  }
0x12b: {  	vm11 =	vgt.f32 v35, $0.0e+00;
	v13 =	vcvt.s32.f32 v13;
	v8 =	vor.u32 v8, v40  }
0x12c: {  	v11 =	vand.u32 $0x8000, v11;
	v7 =	vnsel vm6, $0x0, v7;
	v42 =	vor.u32 v0, v8  }
0x12d: {  	v7 =	vmin.u32 v7, $0x3FF;
	v13 =	vsub.f32 v32, v13;
	v8 =	vor.u32 v3, v8  }
0x12e: {  	v41 =	vshll.u32 v7, $0x4;
	v9 =	vcvt.s32.f32 v9;
	v43 =	vand.u32 $0xFFFFFFFE, v12;
	[tilespmem:v14+s9+$0x0] =	vst.idx.add.f32.msk vm10, v2  }
0x12f: {  	vm12 =	vgt.f32 v26, $0.0e+00;
	v44 =	vor.u32 v11, v41;
	v45 =	vmul.f32 v43, v4;
	[tilespmem:v6+s9+$0x0] =	vst.idx.add.f32.msk vm10, v13  }
0x130: {  	v9 =	vsub.f32 v37, v9;
	v6 =	vor.u32 v0, v44;
	v13 =	vld [tilespmem:s16+$0x130]  }
0x131: {  	v10 =	vor.u32 v3, v44;
	[tilespmem:v42+s9+$0x0] =	vst.idx.add.f32.msk vm11, v2;
	v46 =	vtrunc.f32 v45  }
0x132: {  	v7 =	vcvt.s32.f32 v7;
	[tilespmem:v8+s9+$0x0] =	vst.idx.add.f32.msk vm11, v9;
	v14 =	vcvt.f32.s32 v46  }
0x133: {  	v8 =	vld [tilespmem:s16+$0x1B0]  }
0x134: {  	v5 =	vsub.f32 v5, v7;
	vm13 =	vgt.s32 v14, $0x0  }
0x135: {  	[tilespmem:v6+s9+$0x0] =	vst.idx.add.f32.msk vm12, v2;
	v6 =	vnsel vm13, $0x0, v14;
	v7 =	vand.u32 $0xFFFFFFFE, v13  }
0x136: {  	[tilespmem:v10+s9+$0x0] =	vst.idx.add.f32.msk vm12, v5;
	v5 =	vmin.u32 v6, $0x3FF;
	v6 =	vshll.u32 v12, $0xF;
	v47 =	vmul.f32 v7, v4  }
0x137: {  	vm14 =	vgt.f32 v43, $0.0e+00;
	v48 =	vshll.u32 v5, $0x4;
	v6 =	vand.u32 $0x8000, v6  }
0x138: {  	v50 =	vand.u32 $0xFFFFFFFE, v8;
	v6 =	vor.u32 v6, v48;
	v49 =	vtrunc.f32 v47  }
0x139: {  	v52 =	vmul.f32 v50, v4;
	v51 =	vor.u32 v0, v6;
	v12 =	vcvt.f32.s32 v49  }
0x13a: {  	v6 =	vor.u32 v3, v6  }
0x13b: {  	v5 =	vcvt.s32.f32 v5;
	v53 =	vtrunc.f32 v52;
	vm15 =	vgt.s32 v12, $0x0  }
0x13c: {  	v17 =	vcvt.f32.s32 v53;
	v12 =	vnsel vm15, $0x0, v12  }
0x13d: {  	v56 =	vshll.u32 v13, $0xF;
	v10 =	vld [tilespmem:s16+$0x470];
	v5 =	vsub.f32 v45, v5;
	v55 =	vmin.u32 v12, $0x3FF  }
0x13e: {  	v12 =	vand.u32 $0x8000, v56;
	vm4 =	vgt.s32 v17, $0x0;
	[tilespmem:v51+s9+$0x0] =	vst.idx.add.f32.msk vm14, v2;
	v57 =	vshll.u32 v55, $0x4  }
0x13f: {  	vm5 =	vgt.f32 v7, $0.0e+00;
	[tilespmem:v6+s9+$0x0] =	vst.idx.add.f32.msk vm14, v5;
	v5 =	vor.u32 v12, v57;
	v6 =	vnsel vm4, $0x0, v17  }
0x140: {  	v8 =	vshll.u32 v8, $0xF;
	v7 =	vld [tilespmem:s16+$0xC0];
	v12 =	vor.u32 v0, v5;
	v6 =	vmin.u32 v6, $0x3FF  }
0x141: {  	v8 =	vand.u32 $0x8000, v8;
	v5 =	vor.u32 v3, v5;
	v58 =	vshll.u32 v6, $0x4  }
0x142: {  	vm6 =	vgt.f32 v50, $0.0e+00;
	v11 =	vcvt.s32.f32 v55;
	v8 =	vor.u32 v8, v58  }
0x143: {  	v60 =	vor.u32 v0, v8  }
0x144: {  	v54 =	vand.u32 $0xFFFFFFFE, v10;
	v9 =	vsub.f32 v47, v11;
	v8 =	vor.u32 v3, v8  }
0x145: {  	v59 =	vmul.f32 v54, v4;
	v6 =	vcvt.s32.f32 v6;
	v62 =	vand.u32 $0xFFFFFFFE, v7;
	[tilespmem:v12+s9+$0x0] =	vst.idx.add.f32.msk vm5, v2  }
0x146: {  	v63 =	vmul.f32 v62, v4;
	[tilespmem:v5+s9+$0x0] =	vst.idx.add.f32.msk vm5, v9  }
0x147: {  	v61 =	vtrunc.f32 v59;
	v6 =	vsub.f32 v52, v6;
	v5 =	vld [tilespmem:s16+$0x140]  }
0x148: {  	v11 =	vcvt.f32.s32 v61;
	v24 =	vtrunc.f32 v63;
	[tilespmem:v60+s9+$0x0] =	vst.idx.add.f32.msk vm6, v2  }
0x149: {  	v9 =	vcvt.f32.s32 v24;
	[tilespmem:v8+s9+$0x0] =	vst.idx.add.f32.msk vm6, v6  }
0x14a: {  	vm7 =	vgt.s32 v11, $0x0;
	v8 =	vld [tilespmem:s16+$0x1C0]  }
0x14b: {  	v10 =	vshll.u32 v10, $0xF;
	v11 =	vnsel vm7, $0x0, v11;
	vm8 =	vgt.s32 v9, $0x0  }
0x14c: {  	v7 =	vshll.u32 v7, $0xF;
	v9 =	vnsel vm8, $0x0, v9;
	v25 =	vand.u32 $0xFFFFFFFE, v5  }
0x14d: {  	vm9 =	vgt.f32 v62, $0.0e+00;
	v9 =	vmin.u32 v9, $0x3FF;
	v26 =	vmul.f32 v25, v4  }
0x14e: {  	v7 =	vand.u32 $0x8000, v7;
	v6 =	vmin.u32 v11, $0x3FF;
	v27 =	vshll.u32 v9, $0x4  }
0x14f: {  	v7 =	vor.u32 v7, v27;
	v28 =	vtrunc.f32 v26;
	v29 =	vand.u32 $0xFFFFFFFE, v8  }
0x150: {  	v30 =	vor.u32 v0, v7;
	v15 =	vcvt.f32.s32 v28;
	v31 =	vmul.f32 v29, v4  }
0x151: {  	v10 =	vand.u32 $0x8000, v10;
	v11 =	vshll.u32 v6, $0x4;
	v7 =	vor.u32 v3, v7  }
0x152: {  	v9 =	vcvt.s32.f32 v9;
	vm11 =	vgt.s32 v15, $0x0;
	v32 =	vtrunc.f32 v31  }
0x153: {  	v10 =	vor.u32 v10, v11;
	v15 =	vnsel vm11, $0x0, v15;
	v11 =	vcvt.f32.s32 v32  }
0x154: {  	v5 =	vshll.u32 v5, $0xF;
	v9 =	vsub.f32 v63, v9;
	v34 =	vmin.u32 v15, $0x3FF  }
0x155: {  	v5 =	vand.u32 $0x8000, v5;
	[tilespmem:v30+s9+$0x0] =	vst.idx.add.f32.msk vm9, v2;
	v15 =	vshll.u32 v34, $0x4;
	vm12 =	vgt.s32 v11, $0x0  }
0x156: {  	vm13 =	vgt.f32 v25, $0.0e+00;
	[tilespmem:v7+s9+$0x0] =	vst.idx.add.f32.msk vm9, v9;
	v5 =	vor.u32 v5, v15;
	v7 =	vnsel vm12, $0x0, v11  }
0x157: {  	v8 =	vshll.u32 v8, $0xF;
	v9 =	vld [tilespmem:s16+$0xD0];
	v35 =	vor.u32 v0, v5;
	v7 =	vmin.u32 v7, $0x3FF  }
0x158: {  	v8 =	vand.u32 $0x8000, v8;
	v5 =	vor.u32 v3, v5;
	v36 =	vshll.u32 v7, $0x4  }
0x159: {  	vm14 =	vgt.f32 v29, $0.0e+00;
	v12 =	vcvt.s32.f32 v34;
	v8 =	vor.u32 v8, v36  }
0x15a: {  	v14 =	vor.u32 v0, v8  }
0x15b: {  	v12 =	vsub.f32 v26, v12;
	v8 =	vor.u32 v3, v8  }
0x15c: {  	v7 =	vcvt.s32.f32 v7;
	v37 =	vand.u32 $0xFFFFFFFE, v9;
	[tilespmem:v35+s9+$0x0] =	vst.idx.add.f32.msk vm13, v2  }
0x15d: {  	v38 =	vmul.f32 v37, v4;
	[tilespmem:v5+s9+$0x0] =	vst.idx.add.f32.msk vm13, v12  }
0x15e: {  	v7 =	vsub.f32 v31, v7;
	v5 =	vcvt.s32.f32 v6;
	v6 =	vld [tilespmem:s16+$0x150]  }
0x15f: {  	v39 =	vtrunc.f32 v38;
	[tilespmem:v14+s9+$0x0] =	vst.idx.add.f32.msk vm14, v2  }
0x160: {  	v12 =	vcvt.f32.s32 v39;
	[tilespmem:v8+s9+$0x0] =	vst.idx.add.f32.msk vm14, v7  }
0x161: {  	vm10 =	vgt.f32 v54, $0.0e+00;
	v7 =	vld [tilespmem:s16+$0x1D0]  }
0x162: {  	v33 =	vor.u32 v0, v10;
	v10 =	vor.u32 v3, v10;
	vm15 =	vgt.s32 v12, $0x0  }
0x163: {  	v9 =	vshll.u32 v9, $0xF;
	v40 =	vnsel vm15, $0x0, v12;
	v41 =	vand.u32 $0xFFFFFFFE, v6  }
0x164: {  	vm4 =	vgt.f32 v37, $0.0e+00;
	v8 =	vmin.u32 v40, $0x3FF;
	v42 =	vmul.f32 v41, v4  }
0x165: {  	v9 =	vand.u32 $0x8000, v9;
	v5 =	vsub.f32 v59, v5;
	v43 =	vshll.u32 v8, $0x4  }
0x166: {  	v9 =	vor.u32 v9, v43;
	v44 =	vtrunc.f32 v42;
	v45 =	vand.u32 $0xFFFFFFFE, v7  }
0x167: {  	[tilespmem:v33+s9+$0x0] =	vst.idx.add.f32.msk vm10, v2;
	v46 =	vor.u32 v0, v9;
	v13 =	vcvt.f32.s32 v44;
	v47 =	vmul.f32 v45, v4  }
0x168: {  	[tilespmem:v10+s9+$0x0] =	vst.idx.add.f32.msk vm10, v5;
	v9 =	vor.u32 v3, v9  }
0x169: {  	v5 =	vld [tilespmem:s16+$0x800];
	v8 =	vcvt.s32.f32 v8;
	vm5 =	vgt.s32 v13, $0x0;
	v49 =	vtrunc.f32 v47  }
0x16a: {  	v6 =	vshll.u32 v6, $0xF;
	v13 =	vnsel vm5, $0x0, v13;
	v18 =	vcvt.f32.s32 v49  }
0x16b: {  	v6 =	vand.u32 $0x8000, v6;
	v8 =	vsub.f32 v38, v8;
	v51 =	vmin.u32 v13, $0x3FF  }
0x16c: {  	vm7 =	vgt.f32 v41, $0.0e+00;
	[tilespmem:v46+s9+$0x0] =	vst.idx.add.f32.msk vm4, v2;
	v13 =	vshll.u32 v51, $0x4;
	vm6 =	vgt.s32 v18, $0x0  }
0x16d: {  	v7 =	vshll.u32 v7, $0xF;
	[tilespmem:v9+s9+$0x0] =	vst.idx.add.f32.msk vm4, v8;
	v6 =	vor.u32 v6, v13;
	v52 =	vnsel vm6, $0x0, v18  }
0x16e: {  	v48 =	vand.u32 $0xFFFFFFFE, v5;
	v9 =	vld [tilespmem:s16+$0xE0];
	v53 =	vor.u32 v0, v6;
	v8 =	vmin.u32 v52, $0x3FF  }
0x16f: {  	v7 =	vand.u32 $0x8000, v7;
	v6 =	vor.u32 v3, v6;
	v54 =	vshll.u32 v8, $0x4  }
0x170: {  	vm8 =	vgt.f32 v45, $0.0e+00;
	v11 =	vcvt.s32.f32 v51;
	v7 =	vor.u32 v7, v54  }
0x171: {  	v50 =	vmul.f32 v48, v4;
	v56 =	vor.u32 v0, v7  }
0x172: {  	v11 =	vsub.f32 v42, v11;
	v7 =	vor.u32 v3, v7  }
0x173: {  	v55 =	vtrunc.f32 v50;
	v8 =	vcvt.s32.f32 v8;
	v57 =	vand.u32 $0xFFFFFFFE, v9;
	[tilespmem:v53+s9+$0x0] =	vst.idx.add.f32.msk vm7, v2  }
0x174: {  	v13 =	vcvt.f32.s32 v55;
	v58 =	vmul.f32 v57, v4;
	[tilespmem:v6+s9+$0x0] =	vst.idx.add.f32.msk vm7, v11  }
0x175: {  	v5 =	vshll.u32 v5, $0xF;
	v8 =	vsub.f32 v47, v8;
	v11 =	vld [tilespmem:s16+$0x160]  }
0x176: {  	v5 =	vand.u32 $0x8000, v5;
	vm9 =	vgt.s32 v13, $0x0;
	v59 =	vtrunc.f32 v58;
	[tilespmem:v56+s9+$0x0] =	vst.idx.add.f32.msk vm8, v2  }
0x177: {  	vm10 =	vgt.f32 v48, $0.0e+00;
	v6 =	vnsel vm9, $0x0, v13;
	v13 =	vcvt.f32.s32 v59;
	[tilespmem:v7+s9+$0x0] =	vst.idx.add.f32.msk vm8, v8  }
0x178: {  	v9 =	vshll.u32 v9, $0xF;
	vm12 =	vgt.f32 v57, $0.0e+00;
	v6 =	vmin.u32 v6, $0x3FF;
	v7 =	vld [tilespmem:s16+$0x1E0]  }
0x179: {  	v9 =	vand.u32 $0x8000, v9;
	v60 =	vshll.u32 v6, $0x4;
	vm11 =	vgt.s32 v13, $0x0  }
0x17a: {  	v6 =	vcvt.s32.f32 v6;
	v13 =	vnsel vm11, $0x0, v13;
	v62 =	vand.u32 $0xFFFFFFFE, v11  }
0x17b: {  	v5 =	vor.u32 v5, v60;
	v13 =	vmin.u32 v13, $0x3FF;
	v63 =	vmul.f32 v62, v4  }
0x17c: {  	v61 =	vor.u32 v0, v5;
	v5 =	vor.u32 v3, v5;
	v20 =	vshll.u32 v13, $0x4  }
0x17d: {  	v9 =	vor.u32 v9, v20;
	v21 =	vtrunc.f32 v63;
	v22 =	vand.u32 $0xFFFFFFFE, v7  }
0x17e: {  	v23 =	vor.u32 v0, v9;
	v12 =	vcvt.f32.s32 v21;
	v24 =	vmul.f32 v22, v4  }
0x17f: {  	v6 =	vsub.f32 v50, v6;
	v9 =	vor.u32 v3, v9  }
0x180: {  	v13 =	vcvt.s32.f32 v13;
	vm13 =	vgt.s32 v12, $0x0;
	v25 =	vtrunc.f32 v24  }
0x181: {  	[tilespmem:v61+s9+$0x0] =	vst.idx.add.f32.msk vm10, v2;
	v26 =	vnsel vm13, $0x0, v12;
	v27 =	vcvt.f32.s32 v25  }
0x182: {  	v28 =	vshll.u32 v11, $0xF;
	[tilespmem:v5+s9+$0x0] =	vst.idx.add.f32.msk vm10, v6;
	v5 =	vsub.f32 v58, v13;
	v6 =	vmin.u32 v26, $0x3FF  }
0x183: {  	v8 =	vand.u32 $0x8000, v28;
	[tilespmem:v23+s9+$0x0] =	vst.idx.add.f32.msk vm12, v2;
	v29 =	vshll.u32 v6, $0x4;
	vm14 =	vgt.s32 v27, $0x0  }
0x184: {  	vm15 =	vgt.f32 v62, $0.0e+00;
	[tilespmem:v9+s9+$0x0] =	vst.idx.add.f32.msk vm12, v5;
	v5 =	vor.u32 v8, v29;
	v30 =	vnsel vm14, $0x0, v27  }
0x185: {  	v7 =	vshll.u32 v7, $0xF;
	v9 =	vld [tilespmem:s16+$0xF0];
	v10 =	vor.u32 v0, v5;
	v8 =	vmin.u32 v30, $0x3FF  }
0x186: {  	v7 =	vand.u32 $0x8000, v7;
	v5 =	vor.u32 v3, v5;
	v32 =	vshll.u32 v8, $0x4  }
0x187: {  	vm4 =	vgt.f32 v22, $0.0e+00;
	v6 =	vcvt.s32.f32 v6;
	v7 =	vor.u32 v7, v32  }
0x188: {  	v12 =	vor.u32 v0, v7  }
0x189: {  	v31 =	vld [tilespmem:s16+$0x810];
	v6 =	vsub.f32 v63, v6;
	v7 =	vor.u32 v3, v7  }
0x18a: {  	v8 =	vcvt.s32.f32 v8;
	v33 =	vand.u32 $0xFFFFFFFE, v9;
	[tilespmem:v10+s9+$0x0] =	vst.idx.add.f32.msk vm15, v2  }
0x18b: {  	v35 =	vmul.f32 v33, v4;
	[tilespmem:v5+s9+$0x0] =	vst.idx.add.f32.msk vm15, v6  }
0x18c: {  	v8 =	vsub.f32 v24, v8;
	v6 =	vld [tilespmem:s16+$0x170]  }
0x18d: {  	v36 =	vtrunc.f32 v35;
	[tilespmem:v12+s9+$0x0] =	vst.idx.add.f32.msk vm4, v2  }
0x18e: {  	v15 =	vcvt.f32.s32 v36;
	[tilespmem:v7+s9+$0x0] =	vst.idx.add.f32.msk vm4, v8  }
0x18f: {  	v8 =	vld [tilespmem:s16+$0x1F0]  }
0x190: {  	v34 =	vand.u32 $0xFFFFFFFE, v31;
	v9 =	vshll.u32 v9, $0xF;
	vm5 =	vgt.s32 v15, $0x0  }
0x191: {  	v5 =	vmul.f32 v34, v4;
	v38 =	vnsel vm5, $0x0, v15;
	v39 =	vand.u32 $0xFFFFFFFE, v6  }
0x192: {  	vm7 =	vgt.f32 v33, $0.0e+00;
	v12 =	vmin.u32 v38, $0x3FF;
	v40 =	vmul.f32 v39, v4  }
0x193: {  	v9 =	vand.u32 $0x8000, v9;
	v37 =	vtrunc.f32 v5;
	v41 =	vshll.u32 v12, $0x4  }
0x194: {  	v9 =	vor.u32 v9, v41;
	v42 =	vtrunc.f32 v40;
	v43 =	vand.u32 $0xFFFFFFFE, v8  }
0x195: {  	v44 =	vor.u32 v0, v9;
	v13 =	vcvt.f32.s32 v42;
	v45 =	vmul.f32 v43, v4  }
0x196: {  	v11 =	vshll.u32 v31, $0xF;
	v7 =	vcvt.f32.s32 v37;
	v9 =	vor.u32 v3, v9  }
0x197: {  	v12 =	vcvt.s32.f32 v12;
	vm8 =	vgt.s32 v13, $0x0;
	v46 =	vtrunc.f32 v45  }
0x198: {  	vm6 =	vgt.s32 v7, $0x0;
	v13 =	vnsel vm8, $0x0, v13;
	v20 =	vcvt.f32.s32 v46  }
0x199: {  	v6 =	vshll.u32 v6, $0xF;
	v12 =	vsub.f32 v35, v12;
	v13 =	vmin.u32 v13, $0x3FF  }
0x19a: {  	v6 =	vand.u32 $0x8000, v6;
	[tilespmem:v44+s9+$0x0] =	vst.idx.add.f32.msk vm7, v2;
	v47 =	vshll.u32 v13, $0x4;
	vm9 =	vgt.s32 v20, $0x0  }
0x19b: {  	vm10 =	vgt.f32 v39, $0.0e+00;
	[tilespmem:v9+s9+$0x0] =	vst.idx.add.f32.msk vm7, v12;
	v6 =	vor.u32 v6, v47;
	v48 =	vnsel vm9, $0x0, v20  }
0x19c: {  	v8 =	vshll.u32 v8, $0xF;
	v12 =	vld [tilespmem:s16+$0x480];
	v14 =	vor.u32 v0, v6;
	v9 =	vmin.u32 v48, $0x3FF  }
0x19d: {  	v8 =	vand.u32 $0x8000, v8;
	v6 =	vor.u32 v3, v6;
	v49 =	vshll.u32 v9, $0x4  }
0x19e: {  	vm11 =	vgt.f32 v43, $0.0e+00;
	v13 =	vcvt.s32.f32 v13;
	v8 =	vor.u32 v8, v49  }
0x19f: {  	v11 =	vand.u32 $0x8000, v11;
	v7 =	vnsel vm6, $0x0, v7;
	v51 =	vor.u32 v0, v8  }
0x1a0: {  	v7 =	vmin.u32 v7, $0x3FF;
	v13 =	vsub.f32 v40, v13;
	v8 =	vor.u32 v3, v8  }
0x1a1: {  	v50 =	vshll.u32 v7, $0x4;
	v9 =	vcvt.s32.f32 v9;
	v52 =	vand.u32 $0xFFFFFFFE, v12;
	[tilespmem:v14+s9+$0x0] =	vst.idx.add.f32.msk vm10, v2  }
0x1a2: {  	vm12 =	vgt.f32 v34, $0.0e+00;
	v53 =	vor.u32 v11, v50;
	v54 =	vmul.f32 v52, v4;
	[tilespmem:v6+s9+$0x0] =	vst.idx.add.f32.msk vm10, v13  }
0x1a3: {  	v9 =	vsub.f32 v45, v9;
	v6 =	vor.u32 v0, v53;
	v13 =	vld [tilespmem:s16+$0x500]  }
0x1a4: {  	v10 =	vor.u32 v3, v53;
	v55 =	vtrunc.f32 v54;
	[tilespmem:v51+s9+$0x0] =	vst.idx.add.f32.msk vm11, v2  }
0x1a5: {  	v7 =	vcvt.s32.f32 v7;
	v14 =	vcvt.f32.s32 v55;
	[tilespmem:v8+s9+$0x0] =	vst.idx.add.f32.msk vm11, v9  }
0x1a6: {  	v8 =	vld [tilespmem:s16+$0x580]  }
0x1a7: {  	v5 =	vsub.f32 v5, v7;
	vm13 =	vgt.s32 v14, $0x0  }
0x1a8: {  	[tilespmem:v6+s9+$0x0] =	vst.idx.add.f32.msk vm12, v2;
	v6 =	vnsel vm13, $0x0, v14;
	v7 =	vand.u32 $0xFFFFFFFE, v13  }
0x1a9: {  	[tilespmem:v10+s9+$0x0] =	vst.idx.add.f32.msk vm12, v5;
	v5 =	vmin.u32 v6, $0x3FF;
	v6 =	vshll.u32 v12, $0xF;
	v56 =	vmul.f32 v7, v4  }
0x1aa: {  	vm14 =	vgt.f32 v52, $0.0e+00;
	v57 =	vshll.u32 v5, $0x4;
	v6 =	vand.u32 $0x8000, v6  }
0x1ab: {  	v6 =	vor.u32 v6, v57;
	v58 =	vtrunc.f32 v56;
	v59 =	vand.u32 $0xFFFFFFFE, v8  }
0x1ac: {  	v60 =	vor.u32 v0, v6;
	v12 =	vcvt.f32.s32 v58;
	v61 =	vmul.f32 v59, v4  }
0x1ad: {  	v6 =	vor.u32 v3, v6  }
0x1ae: {  	v5 =	vcvt.s32.f32 v5;
	vm15 =	vgt.s32 v12, $0x0;
	v62 =	vtrunc.f32 v61  }
0x1af: {  	v12 =	vnsel vm15, $0x0, v12;
	v17 =	vcvt.f32.s32 v62  }
0x1b0: {  	v24 =	vshll.u32 v13, $0xF;
	v10 =	vld [tilespmem:s16+$0x820];
	v5 =	vsub.f32 v54, v5;
	v23 =	vmin.u32 v12, $0x3FF  }
0x1b1: {  	v12 =	vand.u32 $0x8000, v24;
	[tilespmem:v60+s9+$0x0] =	vst.idx.add.f32.msk vm14, v2;
	v25 =	vshll.u32 v23, $0x4;
	vm4 =	vgt.s32 v17, $0x0  }
0x1b2: {  	vm5 =	vgt.f32 v7, $0.0e+00;
	[tilespmem:v6+s9+$0x0] =	vst.idx.add.f32.msk vm14, v5;
	v5 =	vor.u32 v12, v25;
	v6 =	vnsel vm4, $0x0, v17  }
0x1b3: {  	v8 =	vshll.u32 v8, $0xF;
	v7 =	vld [tilespmem:s16+$0x490];
	v12 =	vor.u32 v0, v5;
	v6 =	vmin.u32 v6, $0x3FF  }
0x1b4: {  	v8 =	vand.u32 $0x8000, v8;
	v5 =	vor.u32 v3, v5;
	v26 =	vshll.u32 v6, $0x4  }
0x1b5: {  	vm6 =	vgt.f32 v59, $0.0e+00;
	v11 =	vcvt.s32.f32 v23;
	v8 =	vor.u32 v8, v26  }
0x1b6: {  	v28 =	vor.u32 v0, v8  }
0x1b7: {  	v63 =	vand.u32 $0xFFFFFFFE, v10;
	v9 =	vsub.f32 v56, v11;
	v8 =	vor.u32 v3, v8  }
0x1b8: {  	v27 =	vmul.f32 v63, v4;
	v6 =	vcvt.s32.f32 v6;
	v30 =	vand.u32 $0xFFFFFFFE, v7;
	[tilespmem:v12+s9+$0x0] =	vst.idx.add.f32.msk vm5, v2  }
0x1b9: {  	v31 =	vmul.f32 v30, v4;
	[tilespmem:v5+s9+$0x0] =	vst.idx.add.f32.msk vm5, v9  }
0x1ba: {  	v29 =	vtrunc.f32 v27;
	v6 =	vsub.f32 v61, v6;
	v5 =	vld [tilespmem:s16+$0x510]  }
0x1bb: {  	v11 =	vcvt.f32.s32 v29;
	v32 =	vtrunc.f32 v31;
	[tilespmem:v28+s9+$0x0] =	vst.idx.add.f32.msk vm6, v2  }
0x1bc: {  	v9 =	vcvt.f32.s32 v32;
	[tilespmem:v8+s9+$0x0] =	vst.idx.add.f32.msk vm6, v6  }
0x1bd: {  	vm7 =	vgt.s32 v11, $0x0;
	v8 =	vld [tilespmem:s16+$0x590]  }
0x1be: {  	v10 =	vshll.u32 v10, $0xF;
	v11 =	vnsel vm7, $0x0, v11;
	vm8 =	vgt.s32 v9, $0x0  }
0x1bf: {  	v7 =	vshll.u32 v7, $0xF;
	v9 =	vnsel vm8, $0x0, v9;
	v33 =	vand.u32 $0xFFFFFFFE, v5  }
0x1c0: {  	vm9 =	vgt.f32 v30, $0.0e+00;
	v9 =	vmin.u32 v9, $0x3FF;
	v34 =	vmul.f32 v33, v4  }
0x1c1: {  	v7 =	vand.u32 $0x8000, v7;
	v6 =	vmin.u32 v11, $0x3FF;
	v35 =	vshll.u32 v9, $0x4  }
0x1c2: {  	v7 =	vor.u32 v7, v35;
	v36 =	vtrunc.f32 v34;
	v37 =	vand.u32 $0xFFFFFFFE, v8  }
0x1c3: {  	v38 =	vor.u32 v0, v7;
	v15 =	vcvt.f32.s32 v36;
	v39 =	vmul.f32 v37, v4  }
0x1c4: {  	v10 =	vand.u32 $0x8000, v10;
	v11 =	vshll.u32 v6, $0x4;
	v7 =	vor.u32 v3, v7  }
0x1c5: {  	v9 =	vcvt.s32.f32 v9;
	vm11 =	vgt.s32 v15, $0x0;
	v40 =	vtrunc.f32 v39  }
0x1c6: {  	v10 =	vor.u32 v10, v11;
	v15 =	vnsel vm11, $0x0, v15;
	v11 =	vcvt.f32.s32 v40  }
0x1c7: {  	v5 =	vshll.u32 v5, $0xF;
	v9 =	vsub.f32 v31, v9;
	v42 =	vmin.u32 v15, $0x3FF  }
0x1c8: {  	v5 =	vand.u32 $0x8000, v5;
	[tilespmem:v38+s9+$0x0] =	vst.idx.add.f32.msk vm9, v2;
	v15 =	vshll.u32 v42, $0x4;
	vm12 =	vgt.s32 v11, $0x0  }
0x1c9: {  	vm13 =	vgt.f32 v33, $0.0e+00;
	[tilespmem:v7+s9+$0x0] =	vst.idx.add.f32.msk vm9, v9;
	v5 =	vor.u32 v5, v15;
	v7 =	vnsel vm12, $0x0, v11  }
0x1ca: {  	v8 =	vshll.u32 v8, $0xF;
	v9 =	vld [tilespmem:s16+$0x4A0];
	v43 =	vor.u32 v0, v5;
	v7 =	vmin.u32 v7, $0x3FF  }
0x1cb: {  	v8 =	vand.u32 $0x8000, v8;
	v5 =	vor.u32 v3, v5;
	v44 =	vshll.u32 v7, $0x4  }
0x1cc: {  	vm14 =	vgt.f32 v37, $0.0e+00;
	v12 =	vcvt.s32.f32 v42;
	v8 =	vor.u32 v8, v44  }
0x1cd: {  	v14 =	vor.u32 v0, v8  }
0x1ce: {  	v12 =	vsub.f32 v34, v12;
	v8 =	vor.u32 v3, v8  }
0x1cf: {  	v7 =	vcvt.s32.f32 v7;
	v45 =	vand.u32 $0xFFFFFFFE, v9;
	[tilespmem:v43+s9+$0x0] =	vst.idx.add.f32.msk vm13, v2  }
0x1d0: {  	v46 =	vmul.f32 v45, v4;
	[tilespmem:v5+s9+$0x0] =	vst.idx.add.f32.msk vm13, v12  }
0x1d1: {  	v7 =	vsub.f32 v39, v7;
	v5 =	vcvt.s32.f32 v6;
	v6 =	vld [tilespmem:s16+$0x520]  }
0x1d2: {  	v47 =	vtrunc.f32 v46;
	[tilespmem:v14+s9+$0x0] =	vst.idx.add.f32.msk vm14, v2  }
0x1d3: {  	v12 =	vcvt.f32.s32 v47;
	[tilespmem:v8+s9+$0x0] =	vst.idx.add.f32.msk vm14, v7  }
0x1d4: {  	vm10 =	vgt.f32 v63, $0.0e+00;
	v7 =	vld [tilespmem:s16+$0x5A0]  }
0x1d5: {  	v41 =	vor.u32 v0, v10;
	v10 =	vor.u32 v3, v10;
	vm15 =	vgt.s32 v12, $0x0  }
0x1d6: {  	v9 =	vshll.u32 v9, $0xF;
	v48 =	vnsel vm15, $0x0, v12;
	v49 =	vand.u32 $0xFFFFFFFE, v6  }
0x1d7: {  	vm4 =	vgt.f32 v45, $0.0e+00;
	v8 =	vmin.u32 v48, $0x3FF;
	v50 =	vmul.f32 v49, v4  }
0x1d8: {  	v9 =	vand.u32 $0x8000, v9;
	v5 =	vsub.f32 v27, v5;
	v51 =	vshll.u32 v8, $0x4  }
0x1d9: {  	v9 =	vor.u32 v9, v51;
	v52 =	vtrunc.f32 v50;
	v53 =	vand.u32 $0xFFFFFFFE, v7  }
0x1da: {  	[tilespmem:v41+s9+$0x0] =	vst.idx.add.f32.msk vm10, v2;
	v54 =	vor.u32 v0, v9;
	v13 =	vcvt.f32.s32 v52;
	v55 =	vmul.f32 v53, v4  }
0x1db: {  	[tilespmem:v10+s9+$0x0] =	vst.idx.add.f32.msk vm10, v5;
	v9 =	vor.u32 v3, v9  }
0x1dc: {  	v5 =	vld [tilespmem:s16+$0x830];
	v8 =	vcvt.s32.f32 v8;
	vm5 =	vgt.s32 v13, $0x0;
	v57 =	vtrunc.f32 v55  }
0x1dd: {  	v6 =	vshll.u32 v6, $0xF;
	v13 =	vnsel vm5, $0x0, v13;
	v18 =	vcvt.f32.s32 v57  }
0x1de: {  	v6 =	vand.u32 $0x8000, v6;
	v8 =	vsub.f32 v46, v8;
	v59 =	vmin.u32 v13, $0x3FF  }
0x1df: {  	vm7 =	vgt.f32 v49, $0.0e+00;
	[tilespmem:v54+s9+$0x0] =	vst.idx.add.f32.msk vm4, v2;
	v13 =	vshll.u32 v59, $0x4;
	vm6 =	vgt.s32 v18, $0x0  }
0x1e0: {  	v7 =	vshll.u32 v7, $0xF;
	[tilespmem:v9+s9+$0x0] =	vst.idx.add.f32.msk vm4, v8;
	v6 =	vor.u32 v6, v13;
	v60 =	vnsel vm6, $0x0, v18  }
0x1e1: {  	v56 =	vand.u32 $0xFFFFFFFE, v5;
	v9 =	vld [tilespmem:s16+$0x4B0];
	v61 =	vor.u32 v0, v6;
	v8 =	vmin.u32 v60, $0x3FF  }
0x1e2: {  	v7 =	vand.u32 $0x8000, v7;
	v6 =	vor.u32 v3, v6;
	v62 =	vshll.u32 v8, $0x4  }
0x1e3: {  	vm8 =	vgt.f32 v53, $0.0e+00;
	v11 =	vcvt.s32.f32 v59;
	v7 =	vor.u32 v7, v62  }
0x1e4: {  	v58 =	vmul.f32 v56, v4;
	v18 =	vor.u32 v0, v7  }
0x1e5: {  	v11 =	vsub.f32 v50, v11;
	v7 =	vor.u32 v3, v7  }
0x1e6: {  	v63 =	vtrunc.f32 v58;
	v8 =	vcvt.s32.f32 v8;
	v20 =	vand.u32 $0xFFFFFFFE, v9;
	[tilespmem:v61+s9+$0x0] =	vst.idx.add.f32.msk vm7, v2  }
0x1e7: {  	v13 =	vcvt.f32.s32 v63;
	v21 =	vmul.f32 v20, v4;
	[tilespmem:v6+s9+$0x0] =	vst.idx.add.f32.msk vm7, v11  }
0x1e8: {  	v5 =	vshll.u32 v5, $0xF;
	v8 =	vsub.f32 v55, v8;
	v11 =	vld [tilespmem:s16+$0x530]  }
0x1e9: {  	v5 =	vand.u32 $0x8000, v5;
	vm9 =	vgt.s32 v13, $0x0;
	v22 =	vtrunc.f32 v21;
	[tilespmem:v18+s9+$0x0] =	vst.idx.add.f32.msk vm8, v2  }
0x1ea: {  	vm10 =	vgt.f32 v56, $0.0e+00;
	v6 =	vnsel vm9, $0x0, v13;
	v13 =	vcvt.f32.s32 v22;
	[tilespmem:v7+s9+$0x0] =	vst.idx.add.f32.msk vm8, v8  }
0x1eb: {  	v9 =	vshll.u32 v9, $0xF;
	vm12 =	vgt.f32 v20, $0.0e+00;
	v6 =	vmin.u32 v6, $0x3FF;
	v7 =	vld [tilespmem:s16+$0x5B0]  }
0x1ec: {  	v9 =	vand.u32 $0x8000, v9;
	v23 =	vshll.u32 v6, $0x4;
	vm11 =	vgt.s32 v13, $0x0  }
0x1ed: {  	v6 =	vcvt.s32.f32 v6;
	v13 =	vnsel vm11, $0x0, v13;
	v25 =	vand.u32 $0xFFFFFFFE, v11  }
0x1ee: {  	v5 =	vor.u32 v5, v23;
	v13 =	vmin.u32 v13, $0x3FF;
	v26 =	vmul.f32 v25, v4  }
0x1ef: {  	v24 =	vor.u32 v0, v5;
	v5 =	vor.u32 v3, v5;
	v27 =	vshll.u32 v13, $0x4  }
0x1f0: {  	v9 =	vor.u32 v9, v27;
	v28 =	vtrunc.f32 v26;
	v29 =	vand.u32 $0xFFFFFFFE, v7  }
0x1f1: {  	v30 =	vor.u32 v0, v9;
	v12 =	vcvt.f32.s32 v28;
	v31 =	vmul.f32 v29, v4  }
0x1f2: {  	v6 =	vsub.f32 v58, v6;
	v9 =	vor.u32 v3, v9  }
0x1f3: {  	v13 =	vcvt.s32.f32 v13;
	vm13 =	vgt.s32 v12, $0x0;
	v32 =	vtrunc.f32 v31  }
0x1f4: {  	[tilespmem:v24+s9+$0x0] =	vst.idx.add.f32.msk vm10, v2;
	v33 =	vnsel vm13, $0x0, v12;
	v34 =	vcvt.f32.s32 v32  }
0x1f5: {  	v35 =	vshll.u32 v11, $0xF;
	[tilespmem:v5+s9+$0x0] =	vst.idx.add.f32.msk vm10, v6;
	v5 =	vsub.f32 v21, v13;
	v6 =	vmin.u32 v33, $0x3FF  }
0x1f6: {  	v8 =	vand.u32 $0x8000, v35;
	[tilespmem:v30+s9+$0x0] =	vst.idx.add.f32.msk vm12, v2;
	v36 =	vshll.u32 v6, $0x4;
	vm14 =	vgt.s32 v34, $0x0  }
0x1f7: {  	vm15 =	vgt.f32 v25, $0.0e+00;
	[tilespmem:v9+s9+$0x0] =	vst.idx.add.f32.msk vm12, v5;
	v5 =	vor.u32 v8, v36;
	v37 =	vnsel vm14, $0x0, v34  }
0x1f8: {  	v7 =	vshll.u32 v7, $0xF;
	v9 =	vld [tilespmem:s16+$0x4C0];
	v10 =	vor.u32 v0, v5;
	v8 =	vmin.u32 v37, $0x3FF  }
0x1f9: {  	v7 =	vand.u32 $0x8000, v7;
	v5 =	vor.u32 v3, v5;
	v39 =	vshll.u32 v8, $0x4  }
0x1fa: {  	vm4 =	vgt.f32 v29, $0.0e+00;
	v6 =	vcvt.s32.f32 v6;
	v7 =	vor.u32 v7, v39  }
0x1fb: {  	v12 =	vor.u32 v0, v7  }
0x1fc: {  	v38 =	vld [tilespmem:s16+$0x840];
	v6 =	vsub.f32 v26, v6;
	v7 =	vor.u32 v3, v7  }
0x1fd: {  	v8 =	vcvt.s32.f32 v8;
	v40 =	vand.u32 $0xFFFFFFFE, v9;
	[tilespmem:v10+s9+$0x0] =	vst.idx.add.f32.msk vm15, v2  }
0x1fe: {  	v42 =	vmul.f32 v40, v4;
	[tilespmem:v5+s9+$0x0] =	vst.idx.add.f32.msk vm15, v6  }
0x1ff: {  	v8 =	vsub.f32 v31, v8;
	v6 =	vld [tilespmem:s16+$0x540]  }
0x200: {  	v43 =	vtrunc.f32 v42;
	[tilespmem:v12+s9+$0x0] =	vst.idx.add.f32.msk vm4, v2  }
0x201: {  	v15 =	vcvt.f32.s32 v43;
	[tilespmem:v7+s9+$0x0] =	vst.idx.add.f32.msk vm4, v8  }
0x202: {  	v8 =	vld [tilespmem:s16+$0x5C0]  }
0x203: {  	v41 =	vand.u32 $0xFFFFFFFE, v38;
	v9 =	vshll.u32 v9, $0xF;
	vm5 =	vgt.s32 v15, $0x0  }
0x204: {  	v5 =	vmul.f32 v41, v4;
	v45 =	vnsel vm5, $0x0, v15;
	v46 =	vand.u32 $0xFFFFFFFE, v6  }
0x205: {  	vm7 =	vgt.f32 v40, $0.0e+00;
	v12 =	vmin.u32 v45, $0x3FF;
	v47 =	vmul.f32 v46, v4  }
0x206: {  	v9 =	vand.u32 $0x8000, v9;
	v44 =	vtrunc.f32 v5;
	v48 =	vshll.u32 v12, $0x4  }
0x207: {  	v9 =	vor.u32 v9, v48;
	v49 =	vtrunc.f32 v47;
	v50 =	vand.u32 $0xFFFFFFFE, v8  }
0x208: {  	v51 =	vor.u32 v0, v9;
	v13 =	vcvt.f32.s32 v49;
	v52 =	vmul.f32 v50, v4  }
0x209: {  	v11 =	vshll.u32 v38, $0xF;
	v7 =	vcvt.f32.s32 v44;
	v9 =	vor.u32 v3, v9  }
0x20a: {  	v12 =	vcvt.s32.f32 v12;
	vm8 =	vgt.s32 v13, $0x0;
	v53 =	vtrunc.f32 v52  }
0x20b: {  	vm6 =	vgt.s32 v7, $0x0;
	v13 =	vnsel vm8, $0x0, v13;
	v20 =	vcvt.f32.s32 v53  }
0x20c: {  	v6 =	vshll.u32 v6, $0xF;
	v12 =	vsub.f32 v42, v12;
	v13 =	vmin.u32 v13, $0x3FF  }
0x20d: {  	v6 =	vand.u32 $0x8000, v6;
	[tilespmem:v51+s9+$0x0] =	vst.idx.add.f32.msk vm7, v2;
	v54 =	vshll.u32 v13, $0x4;
	vm9 =	vgt.s32 v20, $0x0  }
0x20e: {  	vm10 =	vgt.f32 v46, $0.0e+00;
	[tilespmem:v9+s9+$0x0] =	vst.idx.add.f32.msk vm7, v12;
	v6 =	vor.u32 v6, v54;
	v55 =	vnsel vm9, $0x0, v20  }
0x20f: {  	v8 =	vshll.u32 v8, $0xF;
	v12 =	vld [tilespmem:s16+$0x4D0];
	v14 =	vor.u32 v0, v6;
	v9 =	vmin.u32 v55, $0x3FF  }
0x210: {  	v8 =	vand.u32 $0x8000, v8;
	v6 =	vor.u32 v3, v6;
	v56 =	vshll.u32 v9, $0x4  }
0x211: {  	vm11 =	vgt.f32 v50, $0.0e+00;
	v13 =	vcvt.s32.f32 v13;
	v8 =	vor.u32 v8, v56  }
0x212: {  	v11 =	vand.u32 $0x8000, v11;
	v7 =	vnsel vm6, $0x0, v7;
	v58 =	vor.u32 v0, v8  }
0x213: {  	v7 =	vmin.u32 v7, $0x3FF;
	v13 =	vsub.f32 v47, v13;
	v8 =	vor.u32 v3, v8  }
0x214: {  	v57 =	vshll.u32 v7, $0x4;
	v9 =	vcvt.s32.f32 v9;
	v59 =	vand.u32 $0xFFFFFFFE, v12;
	[tilespmem:v14+s9+$0x0] =	vst.idx.add.f32.msk vm10, v2  }
0x215: {  	vm12 =	vgt.f32 v41, $0.0e+00;
	v60 =	vor.u32 v11, v57;
	v61 =	vmul.f32 v59, v4;
	[tilespmem:v6+s9+$0x0] =	vst.idx.add.f32.msk vm10, v13  }
0x216: {  	v9 =	vsub.f32 v52, v9;
	v6 =	vor.u32 v0, v60;
	v13 =	vld [tilespmem:s16+$0x550]  }
0x217: {  	v10 =	vor.u32 v3, v60;
	v62 =	vtrunc.f32 v61;
	[tilespmem:v58+s9+$0x0] =	vst.idx.add.f32.msk vm11, v2  }
0x218: {  	v7 =	vcvt.s32.f32 v7;
	v14 =	vcvt.f32.s32 v62;
	[tilespmem:v8+s9+$0x0] =	vst.idx.add.f32.msk vm11, v9  }
0x219: {  	v8 =	vld [tilespmem:s16+$0x5D0]  }
0x21a: {  	v5 =	vsub.f32 v5, v7;
	vm13 =	vgt.s32 v14, $0x0  }
0x21b: {  	[tilespmem:v6+s9+$0x0] =	vst.idx.add.f32.msk vm12, v2;
	v6 =	vnsel vm13, $0x0, v14;
	v7 =	vand.u32 $0xFFFFFFFE, v13  }
0x21c: {  	[tilespmem:v10+s9+$0x0] =	vst.idx.add.f32.msk vm12, v5;
	v5 =	vmin.u32 v6, $0x3FF;
	v6 =	vshll.u32 v12, $0xF;
	v63 =	vmul.f32 v7, v4  }
0x21d: {  	vm14 =	vgt.f32 v59, $0.0e+00;
	v20 =	vshll.u32 v5, $0x4;
	v6 =	vand.u32 $0x8000, v6  }
0x21e: {  	v6 =	vor.u32 v6, v20;
	v21 =	vtrunc.f32 v63;
	v22 =	vand.u32 $0xFFFFFFFE, v8  }
0x21f: {  	v23 =	vor.u32 v0, v6;
	v12 =	vcvt.f32.s32 v21;
	v24 =	vmul.f32 v22, v4  }
0x220: {  	v6 =	vor.u32 v3, v6  }
0x221: {  	v5 =	vcvt.s32.f32 v5;
	vm15 =	vgt.s32 v12, $0x0;
	v25 =	vtrunc.f32 v24  }
0x222: {  	v12 =	vnsel vm15, $0x0, v12;
	v17 =	vcvt.f32.s32 v25  }
0x223: {  	v28 =	vshll.u32 v13, $0xF;
	v10 =	vld [tilespmem:s16+$0x850];
	v5 =	vsub.f32 v61, v5;
	v27 =	vmin.u32 v12, $0x3FF  }
0x224: {  	v12 =	vand.u32 $0x8000, v28;
	[tilespmem:v23+s9+$0x0] =	vst.idx.add.f32.msk vm14, v2;
	v29 =	vshll.u32 v27, $0x4;
	vm4 =	vgt.s32 v17, $0x0  }
0x225: {  	vm5 =	vgt.f32 v7, $0.0e+00;
	[tilespmem:v6+s9+$0x0] =	vst.idx.add.f32.msk vm14, v5;
	v5 =	vor.u32 v12, v29;
	v6 =	vnsel vm4, $0x0, v17  }
0x226: {  	v8 =	vshll.u32 v8, $0xF;
	v7 =	vld [tilespmem:s16+$0x4E0];
	v12 =	vor.u32 v0, v5;
	v6 =	vmin.u32 v6, $0x3FF  }
0x227: {  	v8 =	vand.u32 $0x8000, v8;
	v5 =	vor.u32 v3, v5;
	v30 =	vshll.u32 v6, $0x4  }
0x228: {  	vm6 =	vgt.f32 v22, $0.0e+00;
	v11 =	vcvt.s32.f32 v27;
	v8 =	vor.u32 v8, v30  }
0x229: {  	v32 =	vor.u32 v0, v8  }
0x22a: {  	v26 =	vand.u32 $0xFFFFFFFE, v10;
	v9 =	vsub.f32 v63, v11;
	v8 =	vor.u32 v3, v8  }
0x22b: {  	v31 =	vmul.f32 v26, v4;
	v6 =	vcvt.s32.f32 v6;
	v34 =	vand.u32 $0xFFFFFFFE, v7;
	[tilespmem:v12+s9+$0x0] =	vst.idx.add.f32.msk vm5, v2  }
0x22c: {  	v35 =	vmul.f32 v34, v4;
	[tilespmem:v5+s9+$0x0] =	vst.idx.add.f32.msk vm5, v9  }
0x22d: {  	v33 =	vtrunc.f32 v31;
	v6 =	vsub.f32 v24, v6;
	v5 =	vld [tilespmem:s16+$0x560]  }
0x22e: {  	v11 =	vcvt.f32.s32 v33;
	v36 =	vtrunc.f32 v35;
	[tilespmem:v32+s9+$0x0] =	vst.idx.add.f32.msk vm6, v2  }
0x22f: {  	v9 =	vcvt.f32.s32 v36;
	[tilespmem:v8+s9+$0x0] =	vst.idx.add.f32.msk vm6, v6  }
0x230: {  	vm7 =	vgt.s32 v11, $0x0;
	v8 =	vld [tilespmem:s16+$0x5E0]  }
0x231: {  	v10 =	vshll.u32 v10, $0xF;
	v11 =	vnsel vm7, $0x0, v11;
	vm8 =	vgt.s32 v9, $0x0  }
0x232: {  	v7 =	vshll.u32 v7, $0xF;
	v9 =	vnsel vm8, $0x0, v9;
	v37 =	vand.u32 $0xFFFFFFFE, v5  }
0x233: {  	vm9 =	vgt.f32 v34, $0.0e+00;
	v9 =	vmin.u32 v9, $0x3FF;
	v38 =	vmul.f32 v37, v4  }
0x234: {  	v7 =	vand.u32 $0x8000, v7;
	v6 =	vmin.u32 v11, $0x3FF;
	v39 =	vshll.u32 v9, $0x4  }
0x235: {  	v7 =	vor.u32 v7, v39;
	v40 =	vtrunc.f32 v38;
	v41 =	vand.u32 $0xFFFFFFFE, v8  }
0x236: {  	v42 =	vor.u32 v0, v7;
	v15 =	vcvt.f32.s32 v40;
	v43 =	vmul.f32 v41, v4  }
0x237: {  	v10 =	vand.u32 $0x8000, v10;
	v11 =	vshll.u32 v6, $0x4;
	v7 =	vor.u32 v3, v7  }
0x238: {  	v9 =	vcvt.s32.f32 v9;
	vm11 =	vgt.s32 v15, $0x0;
	v44 =	vtrunc.f32 v43  }
0x239: {  	v10 =	vor.u32 v10, v11;
	v15 =	vnsel vm11, $0x0, v15;
	v11 =	vcvt.f32.s32 v44  }
0x23a: {  	v5 =	vshll.u32 v5, $0xF;
	v9 =	vsub.f32 v35, v9;
	v46 =	vmin.u32 v15, $0x3FF  }
0x23b: {  	v5 =	vand.u32 $0x8000, v5;
	[tilespmem:v42+s9+$0x0] =	vst.idx.add.f32.msk vm9, v2;
	v15 =	vshll.u32 v46, $0x4;
	vm12 =	vgt.s32 v11, $0x0  }
0x23c: {  	vm13 =	vgt.f32 v37, $0.0e+00;
	[tilespmem:v7+s9+$0x0] =	vst.idx.add.f32.msk vm9, v9;
	v5 =	vor.u32 v5, v15;
	v7 =	vnsel vm12, $0x0, v11  }
0x23d: {  	v8 =	vshll.u32 v8, $0xF;
	v9 =	vld [tilespmem:s16+$0x4F0];
	v47 =	vor.u32 v0, v5;
	v7 =	vmin.u32 v7, $0x3FF  }
0x23e: {  	v8 =	vand.u32 $0x8000, v8;
	v5 =	vor.u32 v3, v5;
	v48 =	vshll.u32 v7, $0x4  }
0x23f: {  	vm14 =	vgt.f32 v41, $0.0e+00;
	v12 =	vcvt.s32.f32 v46;
	v8 =	vor.u32 v8, v48  }
0x240: {  	v14 =	vor.u32 v0, v8  }
0x241: {  	v12 =	vsub.f32 v38, v12;
	v8 =	vor.u32 v3, v8  }
0x242: {  	v7 =	vcvt.s32.f32 v7;
	v49 =	vand.u32 $0xFFFFFFFE, v9;
	[tilespmem:v47+s9+$0x0] =	vst.idx.add.f32.msk vm13, v2  }
0x243: {  	v50 =	vmul.f32 v49, v4;
	[tilespmem:v5+s9+$0x0] =	vst.idx.add.f32.msk vm13, v12  }
0x244: {  	v7 =	vsub.f32 v43, v7;
	v5 =	vcvt.s32.f32 v6;
	v6 =	vld [tilespmem:s16+$0x570]  }
0x245: {  	v51 =	vtrunc.f32 v50;
	[tilespmem:v14+s9+$0x0] =	vst.idx.add.f32.msk vm14, v2  }
0x246: {  	v12 =	vcvt.f32.s32 v51;
	[tilespmem:v8+s9+$0x0] =	vst.idx.add.f32.msk vm14, v7  }
0x247: {  	vm10 =	vgt.f32 v26, $0.0e+00;
	v7 =	vld [tilespmem:s16+$0x5F0]  }
0x248: {  	v45 =	vor.u32 v0, v10;
	v10 =	vor.u32 v3, v10;
	vm15 =	vgt.s32 v12, $0x0  }
0x249: {  	v9 =	vshll.u32 v9, $0xF;
	v52 =	vnsel vm15, $0x0, v12;
	v53 =	vand.u32 $0xFFFFFFFE, v6  }
0x24a: {  	vm4 =	vgt.f32 v49, $0.0e+00;
	v8 =	vmin.u32 v52, $0x3FF;
	v54 =	vmul.f32 v53, v4  }
0x24b: {  	v9 =	vand.u32 $0x8000, v9;
	v5 =	vsub.f32 v31, v5;
	v55 =	vshll.u32 v8, $0x4  }
0x24c: {  	v9 =	vor.u32 v9, v55;
	v56 =	vtrunc.f32 v54;
	v57 =	vand.u32 $0xFFFFFFFE, v7  }
0x24d: {  	[tilespmem:v45+s9+$0x0] =	vst.idx.add.f32.msk vm10, v2;
	v58 =	vor.u32 v0, v9;
	v13 =	vcvt.f32.s32 v56;
	v59 =	vmul.f32 v57, v4  }
0x24e: {  	[tilespmem:v10+s9+$0x0] =	vst.idx.add.f32.msk vm10, v5;
	v9 =	vor.u32 v3, v9  }
0x24f: {  	v5 =	vld [tilespmem:s16+$0x860];
	v8 =	vcvt.s32.f32 v8;
	vm5 =	vgt.s32 v13, $0x0;
	v61 =	vtrunc.f32 v59  }
0x250: {  	v6 =	vshll.u32 v6, $0xF;
	v13 =	vnsel vm5, $0x0, v13;
	v18 =	vcvt.f32.s32 v61  }
0x251: {  	v6 =	vand.u32 $0x8000, v6;
	v8 =	vsub.f32 v50, v8;
	v63 =	vmin.u32 v13, $0x3FF  }
0x252: {  	vm7 =	vgt.f32 v53, $0.0e+00;
	[tilespmem:v58+s9+$0x0] =	vst.idx.add.f32.msk vm4, v2;
	v13 =	vshll.u32 v63, $0x4;
	vm6 =	vgt.s32 v18, $0x0  }
0x253: {  	v7 =	vshll.u32 v7, $0xF;
	[tilespmem:v9+s9+$0x0] =	vst.idx.add.f32.msk vm4, v8;
	v6 =	vor.u32 v6, v13;
	v18 =	vnsel vm6, $0x0, v18  }
0x254: {  	v60 =	vand.u32 $0xFFFFFFFE, v5;
	v9 =	vld [tilespmem:s16+$0x880];
	v20 =	vor.u32 v0, v6;
	v8 =	vmin.u32 v18, $0x3FF  }
0x255: {  	v7 =	vand.u32 $0x8000, v7;
	v6 =	vor.u32 v3, v6;
	v21 =	vshll.u32 v8, $0x4  }
0x256: {  	vm8 =	vgt.f32 v57, $0.0e+00;
	v11 =	vcvt.s32.f32 v63;
	v7 =	vor.u32 v7, v21  }
0x257: {  	v62 =	vmul.f32 v60, v4;
	v23 =	vor.u32 v0, v7  }
0x258: {  	v11 =	vsub.f32 v54, v11;
	v7 =	vor.u32 v3, v7  }
0x259: {  	v22 =	vtrunc.f32 v62;
	v8 =	vcvt.s32.f32 v8;
	v24 =	vand.u32 $0xFFFFFFFE, v9;
	[tilespmem:v20+s9+$0x0] =	vst.idx.add.f32.msk vm7, v2  }
0x25a: {  	v13 =	vcvt.f32.s32 v22;
	v25 =	vmul.f32 v24, v4;
	[tilespmem:v6+s9+$0x0] =	vst.idx.add.f32.msk vm7, v11  }
0x25b: {  	v5 =	vshll.u32 v5, $0xF;
	v8 =	vsub.f32 v59, v8;
	v11 =	vld [tilespmem:s16+$0x900]  }
0x25c: {  	v5 =	vand.u32 $0x8000, v5;
	vm9 =	vgt.s32 v13, $0x0;
	v26 =	vtrunc.f32 v25;
	[tilespmem:v23+s9+$0x0] =	vst.idx.add.f32.msk vm8, v2  }
0x25d: {  	vm10 =	vgt.f32 v60, $0.0e+00;
	v6 =	vnsel vm9, $0x0, v13;
	v13 =	vcvt.f32.s32 v26;
	[tilespmem:v7+s9+$0x0] =	vst.idx.add.f32.msk vm8, v8  }
0x25e: {  	v9 =	vshll.u32 v9, $0xF;
	vm12 =	vgt.f32 v24, $0.0e+00;
	v6 =	vmin.u32 v6, $0x3FF;
	v7 =	vld [tilespmem:s16+$0x980]  }
0x25f: {  	v9 =	vand.u32 $0x8000, v9;
	v27 =	vshll.u32 v6, $0x4;
	vm11 =	vgt.s32 v13, $0x0  }
0x260: {  	v6 =	vcvt.s32.f32 v6;
	v13 =	vnsel vm11, $0x0, v13;
	v29 =	vand.u32 $0xFFFFFFFE, v11  }
0x261: {  	v5 =	vor.u32 v5, v27;
	v13 =	vmin.u32 v13, $0x3FF;
	v30 =	vmul.f32 v29, v4  }
0x262: {  	v28 =	vor.u32 v0, v5;
	v5 =	vor.u32 v3, v5;
	v31 =	vshll.u32 v13, $0x4  }
0x263: {  	v9 =	vor.u32 v9, v31;
	v32 =	vtrunc.f32 v30;
	v33 =	vand.u32 $0xFFFFFFFE, v7  }
0x264: {  	v34 =	vor.u32 v0, v9;
	v12 =	vcvt.f32.s32 v32;
	v35 =	vmul.f32 v33, v4  }
0x265: {  	v6 =	vsub.f32 v62, v6;
	v9 =	vor.u32 v3, v9  }
0x266: {  	v13 =	vcvt.s32.f32 v13;
	vm13 =	vgt.s32 v12, $0x0;
	v36 =	vtrunc.f32 v35  }
0x267: {  	[tilespmem:v28+s9+$0x0] =	vst.idx.add.f32.msk vm10, v2;
	v37 =	vnsel vm13, $0x0, v12;
	v38 =	vcvt.f32.s32 v36  }
0x268: {  	v39 =	vshll.u32 v11, $0xF;
	[tilespmem:v5+s9+$0x0] =	vst.idx.add.f32.msk vm10, v6;
	v5 =	vsub.f32 v25, v13;
	v6 =	vmin.u32 v37, $0x3FF  }
0x269: {  	v8 =	vand.u32 $0x8000, v39;
	[tilespmem:v34+s9+$0x0] =	vst.idx.add.f32.msk vm12, v2;
	v40 =	vshll.u32 v6, $0x4;
	vm14 =	vgt.s32 v38, $0x0  }
0x26a: {  	vm15 =	vgt.f32 v29, $0.0e+00;
	[tilespmem:v9+s9+$0x0] =	vst.idx.add.f32.msk vm12, v5;
	v5 =	vor.u32 v8, v40;
	v41 =	vnsel vm14, $0x0, v38  }
0x26b: {  	v7 =	vshll.u32 v7, $0xF;
	v9 =	vld [tilespmem:s16+$0x890];
	v10 =	vor.u32 v0, v5;
	v8 =	vmin.u32 v41, $0x3FF  }
0x26c: {  	v7 =	vand.u32 $0x8000, v7;
	v5 =	vor.u32 v3, v5;
	v43 =	vshll.u32 v8, $0x4  }
0x26d: {  	vm4 =	vgt.f32 v33, $0.0e+00;
	v6 =	vcvt.s32.f32 v6;
	v7 =	vor.u32 v7, v43  }
0x26e: {  	v12 =	vor.u32 v0, v7  }
0x26f: {  	v42 =	vld [tilespmem:s16+$0x870];
	v6 =	vsub.f32 v30, v6;
	v7 =	vor.u32 v3, v7  }
0x270: {  	v8 =	vcvt.s32.f32 v8;
	v44 =	vand.u32 $0xFFFFFFFE, v9;
	[tilespmem:v10+s9+$0x0] =	vst.idx.add.f32.msk vm15, v2  }
0x271: {  	v46 =	vmul.f32 v44, v4;
	[tilespmem:v5+s9+$0x0] =	vst.idx.add.f32.msk vm15, v6  }
0x272: {  	v8 =	vsub.f32 v35, v8;
	v6 =	vld [tilespmem:s16+$0x910]  }
0x273: {  	v47 =	vtrunc.f32 v46;
	[tilespmem:v12+s9+$0x0] =	vst.idx.add.f32.msk vm4, v2  }
0x274: {  	v15 =	vcvt.f32.s32 v47;
	[tilespmem:v7+s9+$0x0] =	vst.idx.add.f32.msk vm4, v8  }
0x275: {  	v8 =	vld [tilespmem:s16+$0x990]  }
0x276: {  	v45 =	vand.u32 $0xFFFFFFFE, v42;
	v9 =	vshll.u32 v9, $0xF;
	vm5 =	vgt.s32 v15, $0x0  }
0x277: {  	v5 =	vmul.f32 v45, v4;
	v49 =	vnsel vm5, $0x0, v15;
	v50 =	vand.u32 $0xFFFFFFFE, v6  }
0x278: {  	vm7 =	vgt.f32 v44, $0.0e+00;
	v12 =	vmin.u32 v49, $0x3FF;
	v51 =	vmul.f32 v50, v4  }
0x279: {  	v9 =	vand.u32 $0x8000, v9;
	v48 =	vtrunc.f32 v5;
	v52 =	vshll.u32 v12, $0x4  }
0x27a: {  	v9 =	vor.u32 v9, v52;
	v53 =	vtrunc.f32 v51;
	v54 =	vand.u32 $0xFFFFFFFE, v8  }
0x27b: {  	v55 =	vor.u32 v0, v9;
	v13 =	vcvt.f32.s32 v53;
	v56 =	vmul.f32 v54, v4  }
0x27c: {  	v11 =	vshll.u32 v42, $0xF;
	v7 =	vcvt.f32.s32 v48;
	v9 =	vor.u32 v3, v9  }
0x27d: {  	v12 =	vcvt.s32.f32 v12;
	vm8 =	vgt.s32 v13, $0x0;
	v57 =	vtrunc.f32 v56  }
0x27e: {  	vm6 =	vgt.s32 v7, $0x0;
	v13 =	vnsel vm8, $0x0, v13;
	v20 =	vcvt.f32.s32 v57  }
0x27f: {  	v6 =	vshll.u32 v6, $0xF;
	v12 =	vsub.f32 v46, v12;
	v13 =	vmin.u32 v13, $0x3FF  }
0x280: {  	v6 =	vand.u32 $0x8000, v6;
	[tilespmem:v55+s9+$0x0] =	vst.idx.add.f32.msk vm7, v2;
	v58 =	vshll.u32 v13, $0x4;
	vm9 =	vgt.s32 v20, $0x0  }
0x281: {  	vm10 =	vgt.f32 v50, $0.0e+00;
	[tilespmem:v9+s9+$0x0] =	vst.idx.add.f32.msk vm7, v12;
	v6 =	vor.u32 v6, v58;
	v59 =	vnsel vm9, $0x0, v20  }
0x282: {  	v8 =	vshll.u32 v8, $0xF;
	v12 =	vld [tilespmem:s16+$0x8A0];
	v14 =	vor.u32 v0, v6;
	v9 =	vmin.u32 v59, $0x3FF  }
0x283: {  	v8 =	vand.u32 $0x8000, v8;
	v6 =	vor.u32 v3, v6;
	v60 =	vshll.u32 v9, $0x4  }
0x284: {  	vm11 =	vgt.f32 v54, $0.0e+00;
	v13 =	vcvt.s32.f32 v13;
	v8 =	vor.u32 v8, v60  }
0x285: {  	v11 =	vand.u32 $0x8000, v11;
	v7 =	vnsel vm6, $0x0, v7;
	v62 =	vor.u32 v0, v8  }
0x286: {  	v7 =	vmin.u32 v7, $0x3FF;
	v13 =	vsub.f32 v51, v13;
	v8 =	vor.u32 v3, v8  }
0x287: {  	v61 =	vshll.u32 v7, $0x4;
	v9 =	vcvt.s32.f32 v9;
	v63 =	vand.u32 $0xFFFFFFFE, v12;
	[tilespmem:v14+s9+$0x0] =	vst.idx.add.f32.msk vm10, v2  }
0x288: {  	vm12 =	vgt.f32 v45, $0.0e+00;
	v20 =	vor.u32 v11, v61;
	v21 =	vmul.f32 v63, v4;
	[tilespmem:v6+s9+$0x0] =	vst.idx.add.f32.msk vm10, v13  }
0x289: {  	v9 =	vsub.f32 v56, v9;
	v6 =	vor.u32 v0, v20;
	v13 =	vld [tilespmem:s16+$0x920]  }
0x28a: {  	v10 =	vor.u32 v3, v20;
	v22 =	vtrunc.f32 v21;
	[tilespmem:v62+s9+$0x0] =	vst.idx.add.f32.msk vm11, v2  }
0x28b: {  	v7 =	vcvt.s32.f32 v7;
	v14 =	vcvt.f32.s32 v22;
	[tilespmem:v8+s9+$0x0] =	vst.idx.add.f32.msk vm11, v9  }
0x28c: {  	v8 =	vld [tilespmem:s16+$0x9A0]  }
0x28d: {  	v5 =	vsub.f32 v5, v7;
	vm13 =	vgt.s32 v14, $0x0  }
0x28e: {  	[tilespmem:v6+s9+$0x0] =	vst.idx.add.f32.msk vm12, v2;
	v6 =	vnsel vm13, $0x0, v14;
	v7 =	vand.u32 $0xFFFFFFFE, v13  }
0x28f: {  	[tilespmem:v10+s9+$0x0] =	vst.idx.add.f32.msk vm12, v5;
	v5 =	vmin.u32 v6, $0x3FF;
	v6 =	vshll.u32 v12, $0xF;
	v23 =	vmul.f32 v7, v4  }
0x290: {  	vm14 =	vgt.f32 v63, $0.0e+00;
	v24 =	vshll.u32 v5, $0x4;
	v6 =	vand.u32 $0x8000, v6  }
0x291: {  	v6 =	vor.u32 v6, v24;
	v25 =	vtrunc.f32 v23;
	v26 =	vand.u32 $0xFFFFFFFE, v8  }
0x292: {  	v27 =	vor.u32 v0, v6;
	v12 =	vcvt.f32.s32 v25;
	v28 =	vmul.f32 v26, v4  }
0x293: {  	v6 =	vor.u32 v3, v6  }
0x294: {  	v5 =	vcvt.s32.f32 v5;
	vm15 =	vgt.s32 v12, $0x0;
	v29 =	vtrunc.f32 v28  }
0x295: {  	v12 =	vnsel vm15, $0x0, v12;
	v17 =	vcvt.f32.s32 v29  }
0x296: {  	v32 =	vshll.u32 v13, $0xF;
	v10 =	vld [tilespmem:s16+$0xC00];
	v5 =	vsub.f32 v21, v5;
	v31 =	vmin.u32 v12, $0x3FF  }
0x297: {  	v12 =	vand.u32 $0x8000, v32;
	[tilespmem:v27+s9+$0x0] =	vst.idx.add.f32.msk vm14, v2;
	v33 =	vshll.u32 v31, $0x4;
	vm4 =	vgt.s32 v17, $0x0  }
0x298: {  	vm5 =	vgt.f32 v7, $0.0e+00;
	[tilespmem:v6+s9+$0x0] =	vst.idx.add.f32.msk vm14, v5;
	v5 =	vor.u32 v12, v33;
	v6 =	vnsel vm4, $0x0, v17  }
0x299: {  	v8 =	vshll.u32 v8, $0xF;
	v7 =	vld [tilespmem:s16+$0x8B0];
	v12 =	vor.u32 v0, v5;
	v6 =	vmin.u32 v6, $0x3FF  }
0x29a: {  	v8 =	vand.u32 $0x8000, v8;
	v5 =	vor.u32 v3, v5;
	v34 =	vshll.u32 v6, $0x4  }
0x29b: {  	vm6 =	vgt.f32 v26, $0.0e+00;
	v11 =	vcvt.s32.f32 v31;
	v8 =	vor.u32 v8, v34  }
0x29c: {  	v36 =	vor.u32 v0, v8  }
0x29d: {  	v30 =	vand.u32 $0xFFFFFFFE, v10;
	v9 =	vsub.f32 v23, v11;
	v8 =	vor.u32 v3, v8  }
0x29e: {  	v35 =	vmul.f32 v30, v4;
	v6 =	vcvt.s32.f32 v6;
	v38 =	vand.u32 $0xFFFFFFFE, v7;
	[tilespmem:v12+s9+$0x0] =	vst.idx.add.f32.msk vm5, v2  }
0x29f: {  	v39 =	vmul.f32 v38, v4;
	[tilespmem:v5+s9+$0x0] =	vst.idx.add.f32.msk vm5, v9  }
0x2a0: {  	v37 =	vtrunc.f32 v35;
	v6 =	vsub.f32 v28, v6;
	v5 =	vld [tilespmem:s16+$0x930]  }
0x2a1: {  	v11 =	vcvt.f32.s32 v37;
	v40 =	vtrunc.f32 v39;
	[tilespmem:v36+s9+$0x0] =	vst.idx.add.f32.msk vm6, v2  }
0x2a2: {  	v9 =	vcvt.f32.s32 v40;
	[tilespmem:v8+s9+$0x0] =	vst.idx.add.f32.msk vm6, v6  }
0x2a3: {  	vm7 =	vgt.s32 v11, $0x0;
	v8 =	vld [tilespmem:s16+$0x9B0]  }
0x2a4: {  	v10 =	vshll.u32 v10, $0xF;
	v11 =	vnsel vm7, $0x0, v11;
	vm8 =	vgt.s32 v9, $0x0  }
0x2a5: {  	v7 =	vshll.u32 v7, $0xF;
	v9 =	vnsel vm8, $0x0, v9;
	v41 =	vand.u32 $0xFFFFFFFE, v5  }
0x2a6: {  	vm9 =	vgt.f32 v38, $0.0e+00;
	v9 =	vmin.u32 v9, $0x3FF;
	v42 =	vmul.f32 v41, v4  }
0x2a7: {  	v7 =	vand.u32 $0x8000, v7;
	v6 =	vmin.u32 v11, $0x3FF;
	v43 =	vshll.u32 v9, $0x4  }
0x2a8: {  	v7 =	vor.u32 v7, v43;
	v44 =	vtrunc.f32 v42;
	v45 =	vand.u32 $0xFFFFFFFE, v8  }
0x2a9: {  	v46 =	vor.u32 v0, v7;
	v15 =	vcvt.f32.s32 v44;
	v47 =	vmul.f32 v45, v4  }
0x2aa: {  	v10 =	vand.u32 $0x8000, v10;
	v11 =	vshll.u32 v6, $0x4;
	v7 =	vor.u32 v3, v7  }
0x2ab: {  	v9 =	vcvt.s32.f32 v9;
	vm11 =	vgt.s32 v15, $0x0;
	v48 =	vtrunc.f32 v47  }
0x2ac: {  	v10 =	vor.u32 v10, v11;
	v15 =	vnsel vm11, $0x0, v15;
	v11 =	vcvt.f32.s32 v48  }
0x2ad: {  	v5 =	vshll.u32 v5, $0xF;
	v9 =	vsub.f32 v39, v9;
	v50 =	vmin.u32 v15, $0x3FF  }
0x2ae: {  	v5 =	vand.u32 $0x8000, v5;
	[tilespmem:v46+s9+$0x0] =	vst.idx.add.f32.msk vm9, v2;
	v15 =	vshll.u32 v50, $0x4;
	vm12 =	vgt.s32 v11, $0x0  }
0x2af: {  	vm13 =	vgt.f32 v41, $0.0e+00;
	[tilespmem:v7+s9+$0x0] =	vst.idx.add.f32.msk vm9, v9;
	v5 =	vor.u32 v5, v15;
	v7 =	vnsel vm12, $0x0, v11  }
0x2b0: {  	v8 =	vshll.u32 v8, $0xF;
	v9 =	vld [tilespmem:s16+$0x8C0];
	v51 =	vor.u32 v0, v5;
	v7 =	vmin.u32 v7, $0x3FF  }
0x2b1: {  	v8 =	vand.u32 $0x8000, v8;
	v5 =	vor.u32 v3, v5;
	v52 =	vshll.u32 v7, $0x4  }
0x2b2: {  	vm14 =	vgt.f32 v45, $0.0e+00;
	v12 =	vcvt.s32.f32 v50;
	v8 =	vor.u32 v8, v52  }
0x2b3: {  	v14 =	vor.u32 v0, v8  }
0x2b4: {  	v12 =	vsub.f32 v42, v12;
	v8 =	vor.u32 v3, v8  }
0x2b5: {  	v7 =	vcvt.s32.f32 v7;
	v53 =	vand.u32 $0xFFFFFFFE, v9;
	[tilespmem:v51+s9+$0x0] =	vst.idx.add.f32.msk vm13, v2  }
0x2b6: {  	v54 =	vmul.f32 v53, v4;
	[tilespmem:v5+s9+$0x0] =	vst.idx.add.f32.msk vm13, v12  }
0x2b7: {  	v7 =	vsub.f32 v47, v7;
	v5 =	vcvt.s32.f32 v6;
	v6 =	vld [tilespmem:s16+$0x940]  }
0x2b8: {  	v55 =	vtrunc.f32 v54;
	[tilespmem:v14+s9+$0x0] =	vst.idx.add.f32.msk vm14, v2  }
0x2b9: {  	v12 =	vcvt.f32.s32 v55;
	[tilespmem:v8+s9+$0x0] =	vst.idx.add.f32.msk vm14, v7  }
0x2ba: {  	vm10 =	vgt.f32 v30, $0.0e+00;
	v7 =	vld [tilespmem:s16+$0x9C0]  }
0x2bb: {  	v49 =	vor.u32 v0, v10;
	v10 =	vor.u32 v3, v10;
	vm15 =	vgt.s32 v12, $0x0  }
0x2bc: {  	v9 =	vshll.u32 v9, $0xF;
	v56 =	vnsel vm15, $0x0, v12;
	v57 =	vand.u32 $0xFFFFFFFE, v6  }
0x2bd: {  	vm4 =	vgt.f32 v53, $0.0e+00;
	v8 =	vmin.u32 v56, $0x3FF;
	v58 =	vmul.f32 v57, v4  }
0x2be: {  	v9 =	vand.u32 $0x8000, v9;
	v5 =	vsub.f32 v35, v5;
	v59 =	vshll.u32 v8, $0x4  }
0x2bf: {  	v9 =	vor.u32 v9, v59;
	v60 =	vtrunc.f32 v58;
	v61 =	vand.u32 $0xFFFFFFFE, v7  }
0x2c0: {  	[tilespmem:v49+s9+$0x0] =	vst.idx.add.f32.msk vm10, v2;
	v62 =	vor.u32 v0, v9;
	v13 =	vcvt.f32.s32 v60;
	v63 =	vmul.f32 v61, v4  }
0x2c1: {  	[tilespmem:v10+s9+$0x0] =	vst.idx.add.f32.msk vm10, v5;
	v9 =	vor.u32 v3, v9  }
0x2c2: {  	v5 =	vld [tilespmem:s16+$0xC10];
	v8 =	vcvt.s32.f32 v8;
	vm5 =	vgt.s32 v13, $0x0;
	v22 =	vtrunc.f32 v63  }
0x2c3: {  	v6 =	vshll.u32 v6, $0xF;
	v13 =	vnsel vm5, $0x0, v13;
	v18 =	vcvt.f32.s32 v22  }
0x2c4: {  	v6 =	vand.u32 $0x8000, v6;
	v8 =	vsub.f32 v54, v8;
	v24 =	vmin.u32 v13, $0x3FF  }
0x2c5: {  	vm7 =	vgt.f32 v57, $0.0e+00;
	[tilespmem:v62+s9+$0x0] =	vst.idx.add.f32.msk vm4, v2;
	v13 =	vshll.u32 v24, $0x4;
	vm6 =	vgt.s32 v18, $0x0  }
0x2c6: {  	v7 =	vshll.u32 v7, $0xF;
	[tilespmem:v9+s9+$0x0] =	vst.idx.add.f32.msk vm4, v8;
	v6 =	vor.u32 v6, v13;
	v25 =	vnsel vm6, $0x0, v18  }
0x2c7: {  	v21 =	vand.u32 $0xFFFFFFFE, v5;
	v9 =	vld [tilespmem:s16+$0x8D0];
	v26 =	vor.u32 v0, v6;
	v8 =	vmin.u32 v25, $0x3FF  }
0x2c8: {  	v7 =	vand.u32 $0x8000, v7;
	v6 =	vor.u32 v3, v6;
	v27 =	vshll.u32 v8, $0x4  }
0x2c9: {  	vm8 =	vgt.f32 v61, $0.0e+00;
	v11 =	vcvt.s32.f32 v24;
	v7 =	vor.u32 v7, v27  }
0x2ca: {  	v23 =	vmul.f32 v21, v4;
	v29 =	vor.u32 v0, v7  }
0x2cb: {  	v11 =	vsub.f32 v58, v11;
	v7 =	vor.u32 v3, v7  }
0x2cc: {  	v28 =	vtrunc.f32 v23;
	v8 =	vcvt.s32.f32 v8;
	v30 =	vand.u32 $0xFFFFFFFE, v9;
	[tilespmem:v26+s9+$0x0] =	vst.idx.add.f32.msk vm7, v2  }
0x2cd: {  	v13 =	vcvt.f32.s32 v28;
	v31 =	vmul.f32 v30, v4;
	[tilespmem:v6+s9+$0x0] =	vst.idx.add.f32.msk vm7, v11  }
0x2ce: {  	v5 =	vshll.u32 v5, $0xF;
	v8 =	vsub.f32 v63, v8;
	v11 =	vld [tilespmem:s16+$0x950]  }
0x2cf: {  	v5 =	vand.u32 $0x8000, v5;
	vm9 =	vgt.s32 v13, $0x0;
	v32 =	vtrunc.f32 v31;
	[tilespmem:v29+s9+$0x0] =	vst.idx.add.f32.msk vm8, v2  }
0x2d0: {  	vm10 =	vgt.f32 v21, $0.0e+00;
	v6 =	vnsel vm9, $0x0, v13;
	v13 =	vcvt.f32.s32 v32;
	[tilespmem:v7+s9+$0x0] =	vst.idx.add.f32.msk vm8, v8  }
0x2d1: {  	v9 =	vshll.u32 v9, $0xF;
	vm12 =	vgt.f32 v30, $0.0e+00;
	v6 =	vmin.u32 v6, $0x3FF;
	v7 =	vld [tilespmem:s16+$0x9D0]  }
0x2d2: {  	v9 =	vand.u32 $0x8000, v9;
	v33 =	vshll.u32 v6, $0x4;
	vm11 =	vgt.s32 v13, $0x0  }
0x2d3: {  	v6 =	vcvt.s32.f32 v6;
	v13 =	vnsel vm11, $0x0, v13;
	v35 =	vand.u32 $0xFFFFFFFE, v11  }
0x2d4: {  	v5 =	vor.u32 v5, v33;
	v13 =	vmin.u32 v13, $0x3FF;
	v36 =	vmul.f32 v35, v4  }
0x2d5: {  	v34 =	vor.u32 v0, v5;
	v5 =	vor.u32 v3, v5;
	v37 =	vshll.u32 v13, $0x4  }
0x2d6: {  	v9 =	vor.u32 v9, v37;
	v38 =	vtrunc.f32 v36;
	v39 =	vand.u32 $0xFFFFFFFE, v7  }
0x2d7: {  	v40 =	vor.u32 v0, v9;
	v12 =	vcvt.f32.s32 v38;
	v41 =	vmul.f32 v39, v4  }
0x2d8: {  	v6 =	vsub.f32 v23, v6;
	v9 =	vor.u32 v3, v9  }
0x2d9: {  	v13 =	vcvt.s32.f32 v13;
	vm13 =	vgt.s32 v12, $0x0;
	v42 =	vtrunc.f32 v41  }
0x2da: {  	[tilespmem:v34+s9+$0x0] =	vst.idx.add.f32.msk vm10, v2;
	v43 =	vnsel vm13, $0x0, v12;
	v44 =	vcvt.f32.s32 v42  }
0x2db: {  	v45 =	vshll.u32 v11, $0xF;
	[tilespmem:v5+s9+$0x0] =	vst.idx.add.f32.msk vm10, v6;
	v5 =	vsub.f32 v31, v13;
	v6 =	vmin.u32 v43, $0x3FF  }
0x2dc: {  	v8 =	vand.u32 $0x8000, v45;
	[tilespmem:v40+s9+$0x0] =	vst.idx.add.f32.msk vm12, v2;
	v46 =	vshll.u32 v6, $0x4;
	vm14 =	vgt.s32 v44, $0x0  }
0x2dd: {  	vm15 =	vgt.f32 v35, $0.0e+00;
	[tilespmem:v9+s9+$0x0] =	vst.idx.add.f32.msk vm12, v5;
	v5 =	vor.u32 v8, v46;
	v47 =	vnsel vm14, $0x0, v44  }
0x2de: {  	v7 =	vshll.u32 v7, $0xF;
	v9 =	vld [tilespmem:s16+$0x8E0];
	v10 =	vor.u32 v0, v5;
	v8 =	vmin.u32 v47, $0x3FF  }
0x2df: {  	v7 =	vand.u32 $0x8000, v7;
	v5 =	vor.u32 v3, v5;
	v49 =	vshll.u32 v8, $0x4  }
0x2e0: {  	vm4 =	vgt.f32 v39, $0.0e+00;
	v6 =	vcvt.s32.f32 v6;
	v7 =	vor.u32 v7, v49  }
0x2e1: {  	v12 =	vor.u32 v0, v7  }
0x2e2: {  	v48 =	vld [tilespmem:s16+$0xC20];
	v6 =	vsub.f32 v36, v6;
	v7 =	vor.u32 v3, v7  }
0x2e3: {  	v8 =	vcvt.s32.f32 v8;
	v50 =	vand.u32 $0xFFFFFFFE, v9;
	[tilespmem:v10+s9+$0x0] =	vst.idx.add.f32.msk vm15, v2  }
0x2e4: {  	v52 =	vmul.f32 v50, v4;
	[tilespmem:v5+s9+$0x0] =	vst.idx.add.f32.msk vm15, v6  }
0x2e5: {  	v8 =	vsub.f32 v41, v8;
	v6 =	vld [tilespmem:s16+$0x960]  }
0x2e6: {  	v53 =	vtrunc.f32 v52;
	[tilespmem:v12+s9+$0x0] =	vst.idx.add.f32.msk vm4, v2  }
0x2e7: {  	v15 =	vcvt.f32.s32 v53;
	[tilespmem:v7+s9+$0x0] =	vst.idx.add.f32.msk vm4, v8  }
0x2e8: {  	v8 =	vld [tilespmem:s16+$0x9E0]  }
0x2e9: {  	v51 =	vand.u32 $0xFFFFFFFE, v48;
	v9 =	vshll.u32 v9, $0xF;
	vm5 =	vgt.s32 v15, $0x0  }
0x2ea: {  	v5 =	vmul.f32 v51, v4;
	v55 =	vnsel vm5, $0x0, v15;
	v56 =	vand.u32 $0xFFFFFFFE, v6  }
0x2eb: {  	vm7 =	vgt.f32 v50, $0.0e+00;
	v12 =	vmin.u32 v55, $0x3FF;
	v57 =	vmul.f32 v56, v4  }
0x2ec: {  	v9 =	vand.u32 $0x8000, v9;
	v54 =	vtrunc.f32 v5;
	v58 =	vshll.u32 v12, $0x4  }
0x2ed: {  	v9 =	vor.u32 v9, v58;
	v59 =	vtrunc.f32 v57;
	v60 =	vand.u32 $0xFFFFFFFE, v8  }
0x2ee: {  	v61 =	vor.u32 v0, v9;
	v13 =	vcvt.f32.s32 v59;
	v62 =	vmul.f32 v60, v4  }
0x2ef: {  	v11 =	vshll.u32 v48, $0xF;
	v7 =	vcvt.f32.s32 v54;
	v9 =	vor.u32 v3, v9  }
0x2f0: {  	v12 =	vcvt.s32.f32 v12;
	vm8 =	vgt.s32 v13, $0x0;
	v63 =	vtrunc.f32 v62  }
0x2f1: {  	vm6 =	vgt.s32 v7, $0x0;
	v13 =	vnsel vm8, $0x0, v13;
	v20 =	vcvt.f32.s32 v63  }
0x2f2: {  	v6 =	vshll.u32 v6, $0xF;
	v12 =	vsub.f32 v52, v12;
	v13 =	vmin.u32 v13, $0x3FF  }
0x2f3: {  	v6 =	vand.u32 $0x8000, v6;
	[tilespmem:v61+s9+$0x0] =	vst.idx.add.f32.msk vm7, v2;
	v18 =	vshll.u32 v13, $0x4;
	vm9 =	vgt.s32 v20, $0x0  }
0x2f4: {  	vm10 =	vgt.f32 v56, $0.0e+00;
	[tilespmem:v9+s9+$0x0] =	vst.idx.add.f32.msk vm7, v12;
	v6 =	vor.u32 v6, v18;
	v20 =	vnsel vm9, $0x0, v20  }
0x2f5: {  	v8 =	vshll.u32 v8, $0xF;
	v12 =	vld [tilespmem:s16+$0x8F0];
	v14 =	vor.u32 v0, v6;
	v9 =	vmin.u32 v20, $0x3FF  }
0x2f6: {  	v8 =	vand.u32 $0x8000, v8;
	v6 =	vor.u32 v3, v6;
	v21 =	vshll.u32 v9, $0x4  }
0x2f7: {  	vm11 =	vgt.f32 v60, $0.0e+00;
	v13 =	vcvt.s32.f32 v13;
	v8 =	vor.u32 v8, v21  }
0x2f8: {  	v11 =	vand.u32 $0x8000, v11;
	v7 =	vnsel vm6, $0x0, v7;
	v23 =	vor.u32 v0, v8  }
0x2f9: {  	v7 =	vmin.u32 v7, $0x3FF;
	v13 =	vsub.f32 v57, v13;
	v8 =	vor.u32 v3, v8  }
0x2fa: {  	v22 =	vshll.u32 v7, $0x4;
	v9 =	vcvt.s32.f32 v9;
	v24 =	vand.u32 $0xFFFFFFFE, v12;
	[tilespmem:v14+s9+$0x0] =	vst.idx.add.f32.msk vm10, v2  }
0x2fb: {  	vm12 =	vgt.f32 v51, $0.0e+00;
	v25 =	vor.u32 v11, v22;
	v26 =	vmul.f32 v24, v4;
	[tilespmem:v6+s9+$0x0] =	vst.idx.add.f32.msk vm10, v13  }
0x2fc: {  	v9 =	vsub.f32 v62, v9;
	v6 =	vor.u32 v0, v25;
	v13 =	vld [tilespmem:s16+$0x970]  }
0x2fd: {  	v10 =	vor.u32 v3, v25;
	v27 =	vtrunc.f32 v26;
	[tilespmem:v23+s9+$0x0] =	vst.idx.add.f32.msk vm11, v2  }
0x2fe: {  	v7 =	vcvt.s32.f32 v7;
	v14 =	vcvt.f32.s32 v27;
	[tilespmem:v8+s9+$0x0] =	vst.idx.add.f32.msk vm11, v9  }
0x2ff: {  	v8 =	vld [tilespmem:s16+$0x9F0]  }
0x300: {  	v5 =	vsub.f32 v5, v7;
	vm13 =	vgt.s32 v14, $0x0  }
0x301: {  	[tilespmem:v6+s9+$0x0] =	vst.idx.add.f32.msk vm12, v2;
	v6 =	vnsel vm13, $0x0, v14;
	v7 =	vand.u32 $0xFFFFFFFE, v13  }
0x302: {  	[tilespmem:v10+s9+$0x0] =	vst.idx.add.f32.msk vm12, v5;
	v5 =	vmin.u32 v6, $0x3FF;
	v6 =	vshll.u32 v12, $0xF;
	v28 =	vmul.f32 v7, v4  }
0x303: {  	vm14 =	vgt.f32 v24, $0.0e+00;
	v29 =	vshll.u32 v5, $0x4;
	v6 =	vand.u32 $0x8000, v6  }
0x304: {  	v6 =	vor.u32 v6, v29;
	v30 =	vtrunc.f32 v28;
	v31 =	vand.u32 $0xFFFFFFFE, v8  }
0x305: {  	v32 =	vor.u32 v0, v6;
	v12 =	vcvt.f32.s32 v30;
	v33 =	vmul.f32 v31, v4  }
0x306: {  	v6 =	vor.u32 v3, v6  }
0x307: {  	v5 =	vcvt.s32.f32 v5;
	vm15 =	vgt.s32 v12, $0x0;
	v34 =	vtrunc.f32 v33  }
0x308: {  	v12 =	vnsel vm15, $0x0, v12;
	v17 =	vcvt.f32.s32 v34  }
0x309: {  	v37 =	vshll.u32 v13, $0xF;
	v10 =	vld [tilespmem:s16+$0xC30];
	v5 =	vsub.f32 v26, v5;
	v36 =	vmin.u32 v12, $0x3FF  }
0x30a: {  	v12 =	vand.u32 $0x8000, v37;
	[tilespmem:v32+s9+$0x0] =	vst.idx.add.f32.msk vm14, v2;
	v38 =	vshll.u32 v36, $0x4;
	vm4 =	vgt.s32 v17, $0x0  }
0x30b: {  	vm5 =	vgt.f32 v7, $0.0e+00;
	[tilespmem:v6+s9+$0x0] =	vst.idx.add.f32.msk vm14, v5;
	v5 =	vor.u32 v12, v38;
	v6 =	vnsel vm4, $0x0, v17  }
0x30c: {  	v8 =	vshll.u32 v8, $0xF;
	v7 =	vld [tilespmem:s16+$0xC80];
	v12 =	vor.u32 v0, v5;
	v6 =	vmin.u32 v6, $0x3FF  }
0x30d: {  	v8 =	vand.u32 $0x8000, v8;
	v5 =	vor.u32 v3, v5;
	v39 =	vshll.u32 v6, $0x4  }
0x30e: {  	vm6 =	vgt.f32 v31, $0.0e+00;
	v11 =	vcvt.s32.f32 v36;
	v8 =	vor.u32 v8, v39  }
0x30f: {  	v41 =	vor.u32 v0, v8  }
0x310: {  	v35 =	vand.u32 $0xFFFFFFFE, v10;
	v9 =	vsub.f32 v28, v11;
	v8 =	vor.u32 v3, v8  }
0x311: {  	v40 =	vmul.f32 v35, v4;
	v6 =	vcvt.s32.f32 v6;
	v43 =	vand.u32 $0xFFFFFFFE, v7;
	[tilespmem:v12+s9+$0x0] =	vst.idx.add.f32.msk vm5, v2  }
0x312: {  	v44 =	vmul.f32 v43, v4;
	[tilespmem:v5+s9+$0x0] =	vst.idx.add.f32.msk vm5, v9  }
0x313: {  	v42 =	vtrunc.f32 v40;
	v6 =	vsub.f32 v33, v6;
	v5 =	vld [tilespmem:s16+$0xD00]  }
0x314: {  	v11 =	vcvt.f32.s32 v42;
	v45 =	vtrunc.f32 v44;
	[tilespmem:v41+s9+$0x0] =	vst.idx.add.f32.msk vm6, v2  }
0x315: {  	v9 =	vcvt.f32.s32 v45;
	[tilespmem:v8+s9+$0x0] =	vst.idx.add.f32.msk vm6, v6  }
0x316: {  	vm7 =	vgt.s32 v11, $0x0;
	v8 =	vld [tilespmem:s16+$0xD80]  }
0x317: {  	v10 =	vshll.u32 v10, $0xF;
	v11 =	vnsel vm7, $0x0, v11;
	vm8 =	vgt.s32 v9, $0x0  }
0x318: {  	v7 =	vshll.u32 v7, $0xF;
	v9 =	vnsel vm8, $0x0, v9;
	v46 =	vand.u32 $0xFFFFFFFE, v5  }
0x319: {  	vm9 =	vgt.f32 v43, $0.0e+00;
	v9 =	vmin.u32 v9, $0x3FF;
	v47 =	vmul.f32 v46, v4  }
0x31a: {  	v7 =	vand.u32 $0x8000, v7;
	v6 =	vmin.u32 v11, $0x3FF;
	v48 =	vshll.u32 v9, $0x4  }
0x31b: {  	v7 =	vor.u32 v7, v48;
	v49 =	vtrunc.f32 v47;
	v50 =	vand.u32 $0xFFFFFFFE, v8  }
0x31c: {  	v51 =	vor.u32 v0, v7;
	v15 =	vcvt.f32.s32 v49;
	v52 =	vmul.f32 v50, v4  }
0x31d: {  	v10 =	vand.u32 $0x8000, v10;
	v11 =	vshll.u32 v6, $0x4;
	v7 =	vor.u32 v3, v7  }
0x31e: {  	v9 =	vcvt.s32.f32 v9;
	vm11 =	vgt.s32 v15, $0x0;
	v53 =	vtrunc.f32 v52  }
0x31f: {  	v10 =	vor.u32 v10, v11;
	v15 =	vnsel vm11, $0x0, v15;
	v11 =	vcvt.f32.s32 v53  }
0x320: {  	v5 =	vshll.u32 v5, $0xF;
	v9 =	vsub.f32 v44, v9;
	v55 =	vmin.u32 v15, $0x3FF  }
0x321: {  	v5 =	vand.u32 $0x8000, v5;
	[tilespmem:v51+s9+$0x0] =	vst.idx.add.f32.msk vm9, v2;
	v15 =	vshll.u32 v55, $0x4;
	vm12 =	vgt.s32 v11, $0x0  }
0x322: {  	vm13 =	vgt.f32 v46, $0.0e+00;
	[tilespmem:v7+s9+$0x0] =	vst.idx.add.f32.msk vm9, v9;
	v5 =	vor.u32 v5, v15;
	v7 =	vnsel vm12, $0x0, v11  }
0x323: {  	v8 =	vshll.u32 v8, $0xF;
	v9 =	vld [tilespmem:s16+$0xC90];
	v56 =	vor.u32 v0, v5;
	v7 =	vmin.u32 v7, $0x3FF  }
0x324: {  	v8 =	vand.u32 $0x8000, v8;
	v5 =	vor.u32 v3, v5;
	v57 =	vshll.u32 v7, $0x4  }
0x325: {  	vm14 =	vgt.f32 v50, $0.0e+00;
	v12 =	vcvt.s32.f32 v55;
	v8 =	vor.u32 v8, v57  }
0x326: {  	v14 =	vor.u32 v0, v8  }
0x327: {  	v12 =	vsub.f32 v47, v12;
	v8 =	vor.u32 v3, v8  }
0x328: {  	v7 =	vcvt.s32.f32 v7;
	v58 =	vand.u32 $0xFFFFFFFE, v9;
	[tilespmem:v56+s9+$0x0] =	vst.idx.add.f32.msk vm13, v2  }
0x329: {  	v59 =	vmul.f32 v58, v4;
	[tilespmem:v5+s9+$0x0] =	vst.idx.add.f32.msk vm13, v12  }
0x32a: {  	v7 =	vsub.f32 v52, v7;
	v5 =	vcvt.s32.f32 v6;
	v6 =	vld [tilespmem:s16+$0xD10]  }
0x32b: {  	v60 =	vtrunc.f32 v59;
	[tilespmem:v14+s9+$0x0] =	vst.idx.add.f32.msk vm14, v2  }
0x32c: {  	v12 =	vcvt.f32.s32 v60;
	[tilespmem:v8+s9+$0x0] =	vst.idx.add.f32.msk vm14, v7  }
0x32d: {  	vm10 =	vgt.f32 v35, $0.0e+00;
	v7 =	vld [tilespmem:s16+$0xD90]  }
0x32e: {  	v54 =	vor.u32 v0, v10;
	v10 =	vor.u32 v3, v10;
	vm15 =	vgt.s32 v12, $0x0  }
0x32f: {  	v9 =	vshll.u32 v9, $0xF;
	v61 =	vnsel vm15, $0x0, v12;
	v62 =	vand.u32 $0xFFFFFFFE, v6  }
0x330: {  	vm4 =	vgt.f32 v58, $0.0e+00;
	v8 =	vmin.u32 v61, $0x3FF;
	v63 =	vmul.f32 v62, v4  }
0x331: {  	v9 =	vand.u32 $0x8000, v9;
	v5 =	vsub.f32 v40, v5;
	v19 =	vshll.u32 v8, $0x4  }
0x332: {  	v9 =	vor.u32 v9, v19;
	v20 =	vtrunc.f32 v63;
	v21 =	vand.u32 $0xFFFFFFFE, v7  }
0x333: {  	[tilespmem:v54+s9+$0x0] =	vst.idx.add.f32.msk vm10, v2;
	v22 =	vor.u32 v0, v9;
	v13 =	vcvt.f32.s32 v20;
	v23 =	vmul.f32 v21, v4  }
0x334: {  	[tilespmem:v10+s9+$0x0] =	vst.idx.add.f32.msk vm10, v5;
	v9 =	vor.u32 v3, v9  }
0x335: {  	v5 =	vld [tilespmem:s16+$0xC40];
	v8 =	vcvt.s32.f32 v8;
	vm5 =	vgt.s32 v13, $0x0;
	v25 =	vtrunc.f32 v23  }
0x336: {  	v6 =	vshll.u32 v6, $0xF;
	v13 =	vnsel vm5, $0x0, v13;
	v18 =	vcvt.f32.s32 v25  }
0x337: {  	v6 =	vand.u32 $0x8000, v6;
	v8 =	vsub.f32 v59, v8;
	v27 =	vmin.u32 v13, $0x3FF  }
0x338: {  	vm7 =	vgt.f32 v62, $0.0e+00;
	[tilespmem:v22+s9+$0x0] =	vst.idx.add.f32.msk vm4, v2;
	v13 =	vshll.u32 v27, $0x4;
	vm6 =	vgt.s32 v18, $0x0  }
0x339: {  	v7 =	vshll.u32 v7, $0xF;
	[tilespmem:v9+s9+$0x0] =	vst.idx.add.f32.msk vm4, v8;
	v6 =	vor.u32 v6, v13;
	v28 =	vnsel vm6, $0x0, v18  }
0x33a: {  	v24 =	vand.u32 $0xFFFFFFFE, v5;
	v9 =	vld [tilespmem:s16+$0xCA0];
	v29 =	vor.u32 v0, v6;
	v8 =	vmin.u32 v28, $0x3FF  }
0x33b: {  	v7 =	vand.u32 $0x8000, v7;
	v6 =	vor.u32 v3, v6;
	v30 =	vshll.u32 v8, $0x4  }
0x33c: {  	vm8 =	vgt.f32 v21, $0.0e+00;
	v11 =	vcvt.s32.f32 v27;
	v7 =	vor.u32 v7, v30  }
0x33d: {  	v26 =	vmul.f32 v24, v4;
	v32 =	vor.u32 v0, v7  }
0x33e: {  	v11 =	vsub.f32 v63, v11;
	v7 =	vor.u32 v3, v7  }
0x33f: {  	v31 =	vtrunc.f32 v26;
	v8 =	vcvt.s32.f32 v8;
	v33 =	vand.u32 $0xFFFFFFFE, v9;
	[tilespmem:v29+s9+$0x0] =	vst.idx.add.f32.msk vm7, v2  }
0x340: {  	v13 =	vcvt.f32.s32 v31;
	v34 =	vmul.f32 v33, v4;
	[tilespmem:v6+s9+$0x0] =	vst.idx.add.f32.msk vm7, v11  }
0x341: {  	v5 =	vshll.u32 v5, $0xF;
	v8 =	vsub.f32 v23, v8;
	v11 =	vld [tilespmem:s16+$0xD20]  }
0x342: {  	v5 =	vand.u32 $0x8000, v5;
	vm9 =	vgt.s32 v13, $0x0;
	v35 =	vtrunc.f32 v34;
	[tilespmem:v32+s9+$0x0] =	vst.idx.add.f32.msk vm8, v2  }
0x343: {  	vm10 =	vgt.f32 v24, $0.0e+00;
	v6 =	vnsel vm9, $0x0, v13;
	v13 =	vcvt.f32.s32 v35;
	[tilespmem:v7+s9+$0x0] =	vst.idx.add.f32.msk vm8, v8  }
0x344: {  	v9 =	vshll.u32 v9, $0xF;
	vm12 =	vgt.f32 v33, $0.0e+00;
	v6 =	vmin.u32 v6, $0x3FF;
	v7 =	vld [tilespmem:s16+$0xDA0]  }
0x345: {  	v9 =	vand.u32 $0x8000, v9;
	v36 =	vshll.u32 v6, $0x4;
	vm11 =	vgt.s32 v13, $0x0  }
0x346: {  	v6 =	vcvt.s32.f32 v6;
	v13 =	vnsel vm11, $0x0, v13;
	v38 =	vand.u32 $0xFFFFFFFE, v11  }
0x347: {  	v5 =	vor.u32 v5, v36;
	v13 =	vmin.u32 v13, $0x3FF;
	v39 =	vmul.f32 v38, v4  }
0x348: {  	v37 =	vor.u32 v0, v5;
	v5 =	vor.u32 v3, v5;
	v40 =	vshll.u32 v13, $0x4  }
0x349: {  	v9 =	vor.u32 v9, v40;
	v41 =	vtrunc.f32 v39;
	v42 =	vand.u32 $0xFFFFFFFE, v7  }
0x34a: {  	v43 =	vor.u32 v0, v9;
	v12 =	vcvt.f32.s32 v41;
	v44 =	vmul.f32 v42, v4  }
0x34b: {  	v6 =	vsub.f32 v26, v6;
	v9 =	vor.u32 v3, v9  }
0x34c: {  	v13 =	vcvt.s32.f32 v13;
	vm13 =	vgt.s32 v12, $0x0;
	v45 =	vtrunc.f32 v44  }
0x34d: {  	[tilespmem:v37+s9+$0x0] =	vst.idx.add.f32.msk vm10, v2;
	v46 =	vnsel vm13, $0x0, v12;
	v47 =	vcvt.f32.s32 v45  }
0x34e: {  	v48 =	vshll.u32 v11, $0xF;
	[tilespmem:v5+s9+$0x0] =	vst.idx.add.f32.msk vm10, v6;
	v5 =	vsub.f32 v34, v13;
	v6 =	vmin.u32 v46, $0x3FF  }
0x34f: {  	v8 =	vand.u32 $0x8000, v48;
	[tilespmem:v43+s9+$0x0] =	vst.idx.add.f32.msk vm12, v2;
	v49 =	vshll.u32 v6, $0x4;
	vm14 =	vgt.s32 v47, $0x0  }
0x350: {  	vm15 =	vgt.f32 v38, $0.0e+00;
	[tilespmem:v9+s9+$0x0] =	vst.idx.add.f32.msk vm12, v5;
	v5 =	vor.u32 v8, v49;
	v50 =	vnsel vm14, $0x0, v47  }
0x351: {  	v7 =	vshll.u32 v7, $0xF;
	v9 =	vld [tilespmem:s16+$0xCB0];
	v10 =	vor.u32 v0, v5;
	v8 =	vmin.u32 v50, $0x3FF  }
0x352: {  	v7 =	vand.u32 $0x8000, v7;
	v5 =	vor.u32 v3, v5;
	v52 =	vshll.u32 v8, $0x4  }
0x353: {  	vm4 =	vgt.f32 v42, $0.0e+00;
	v6 =	vcvt.s32.f32 v6;
	v7 =	vor.u32 v7, v52  }
0x354: {  	v12 =	vor.u32 v0, v7  }
0x355: {  	v51 =	vld [tilespmem:s16+$0xC50];
	v6 =	vsub.f32 v39, v6;
	v7 =	vor.u32 v3, v7  }
0x356: {  	v8 =	vcvt.s32.f32 v8;
	v53 =	vand.u32 $0xFFFFFFFE, v9;
	[tilespmem:v10+s9+$0x0] =	vst.idx.add.f32.msk vm15, v2  }
0x357: {  	v55 =	vmul.f32 v53, v4;
	[tilespmem:v5+s9+$0x0] =	vst.idx.add.f32.msk vm15, v6  }
0x358: {  	v8 =	vsub.f32 v44, v8;
	v6 =	vld [tilespmem:s16+$0xD30]  }
0x359: {  	v56 =	vtrunc.f32 v55;
	[tilespmem:v12+s9+$0x0] =	vst.idx.add.f32.msk vm4, v2  }
0x35a: {  	v15 =	vcvt.f32.s32 v56;
	[tilespmem:v7+s9+$0x0] =	vst.idx.add.f32.msk vm4, v8  }
0x35b: {  	v8 =	vld [tilespmem:s16+$0xDB0]  }
0x35c: {  	v54 =	vand.u32 $0xFFFFFFFE, v51;
	v9 =	vshll.u32 v9, $0xF;
	vm5 =	vgt.s32 v15, $0x0  }
0x35d: {  	v5 =	vmul.f32 v54, v4;
	v58 =	vnsel vm5, $0x0, v15;
	v59 =	vand.u32 $0xFFFFFFFE, v6  }
0x35e: {  	vm7 =	vgt.f32 v53, $0.0e+00;
	v12 =	vmin.u32 v58, $0x3FF;
	v60 =	vmul.f32 v59, v4  }
0x35f: {  	v9 =	vand.u32 $0x8000, v9;
	v57 =	vtrunc.f32 v5;
	v61 =	vshll.u32 v12, $0x4  }
0x360: {  	v9 =	vor.u32 v9, v61;
	v62 =	vtrunc.f32 v60;
	v63 =	vand.u32 $0xFFFFFFFE, v8  }
0x361: {  	v24 =	vor.u32 v0, v9;
	v13 =	vcvt.f32.s32 v62;
	v25 =	vmul.f32 v63, v4  }
0x362: {  	v11 =	vshll.u32 v51, $0xF;
	v7 =	vcvt.f32.s32 v57;
	v9 =	vor.u32 v3, v9  }
0x363: {  	v12 =	vcvt.s32.f32 v12;
	vm8 =	vgt.s32 v13, $0x0;
	v26 =	vtrunc.f32 v25  }
0x364: {  	vm6 =	vgt.s32 v7, $0x0;
	v13 =	vnsel vm8, $0x0, v13;
	v20 =	vcvt.f32.s32 v26  }
0x365: {  	v6 =	vshll.u32 v6, $0xF;
	v12 =	vsub.f32 v55, v12;
	v13 =	vmin.u32 v13, $0x3FF  }
0x366: {  	v6 =	vand.u32 $0x8000, v6;
	[tilespmem:v24+s9+$0x0] =	vst.idx.add.f32.msk vm7, v2;
	v27 =	vshll.u32 v13, $0x4;
	vm9 =	vgt.s32 v20, $0x0  }
0x367: {  	vm10 =	vgt.f32 v59, $0.0e+00;
	[tilespmem:v9+s9+$0x0] =	vst.idx.add.f32.msk vm7, v12;
	v6 =	vor.u32 v6, v27;
	v28 =	vnsel vm9, $0x0, v20  }
0x368: {  	v8 =	vshll.u32 v8, $0xF;
	v12 =	vld [tilespmem:s16+$0xCC0];
	v14 =	vor.u32 v0, v6;
	v9 =	vmin.u32 v28, $0x3FF  }
0x369: {  	v8 =	vand.u32 $0x8000, v8;
	v6 =	vor.u32 v3, v6;
	v29 =	vshll.u32 v9, $0x4  }
0x36a: {  	vm11 =	vgt.f32 v63, $0.0e+00;
	v13 =	vcvt.s32.f32 v13;
	v8 =	vor.u32 v8, v29  }
0x36b: {  	v11 =	vand.u32 $0x8000, v11;
	v7 =	vnsel vm6, $0x0, v7;
	v31 =	vor.u32 v0, v8  }
0x36c: {  	v7 =	vmin.u32 v7, $0x3FF;
	v13 =	vsub.f32 v60, v13;
	v8 =	vor.u32 v3, v8  }
0x36d: {  	v30 =	vshll.u32 v7, $0x4;
	v9 =	vcvt.s32.f32 v9;
	v32 =	vand.u32 $0xFFFFFFFE, v12;
	[tilespmem:v14+s9+$0x0] =	vst.idx.add.f32.msk vm10, v2  }
0x36e: {  	vm12 =	vgt.f32 v54, $0.0e+00;
	v33 =	vor.u32 v11, v30;
	v34 =	vmul.f32 v32, v4;
	[tilespmem:v6+s9+$0x0] =	vst.idx.add.f32.msk vm10, v13  }
0x36f: {  	v9 =	vsub.f32 v25, v9;
	v6 =	vor.u32 v0, v33;
	v13 =	vld [tilespmem:s16+$0xD40]  }
0x370: {  	v10 =	vor.u32 v3, v33;
	v35 =	vtrunc.f32 v34;
	[tilespmem:v31+s9+$0x0] =	vst.idx.add.f32.msk vm11, v2  }
0x371: {  	v7 =	vcvt.s32.f32 v7;
	v14 =	vcvt.f32.s32 v35;
	[tilespmem:v8+s9+$0x0] =	vst.idx.add.f32.msk vm11, v9  }
0x372: {  	v8 =	vld [tilespmem:s16+$0xDC0]  }
0x373: {  	v5 =	vsub.f32 v5, v7;
	vm13 =	vgt.s32 v14, $0x0  }
0x374: {  	[tilespmem:v6+s9+$0x0] =	vst.idx.add.f32.msk vm12, v2;
	v6 =	vnsel vm13, $0x0, v14;
	v7 =	vand.u32 $0xFFFFFFFE, v13  }
0x375: {  	[tilespmem:v10+s9+$0x0] =	vst.idx.add.f32.msk vm12, v5;
	v5 =	vmin.u32 v6, $0x3FF;
	v6 =	vshll.u32 v12, $0xF;
	v36 =	vmul.f32 v7, v4  }
0x376: {  	vm14 =	vgt.f32 v32, $0.0e+00;
	v37 =	vshll.u32 v5, $0x4;
	v6 =	vand.u32 $0x8000, v6  }
0x377: {  	v6 =	vor.u32 v6, v37;
	v38 =	vtrunc.f32 v36;
	v39 =	vand.u32 $0xFFFFFFFE, v8  }
0x378: {  	v40 =	vor.u32 v0, v6;
	v12 =	vcvt.f32.s32 v38;
	v41 =	vmul.f32 v39, v4  }
0x379: {  	v6 =	vor.u32 v3, v6  }
0x37a: {  	v5 =	vcvt.s32.f32 v5;
	vm15 =	vgt.s32 v12, $0x0;
	v42 =	vtrunc.f32 v41  }
0x37b: {  	v12 =	vnsel vm15, $0x0, v12;
	v17 =	vcvt.f32.s32 v42  }
0x37c: {  	v45 =	vshll.u32 v13, $0xF;
	v10 =	vld [tilespmem:s16+$0xC60];
	v5 =	vsub.f32 v34, v5;
	v44 =	vmin.u32 v12, $0x3FF  }
0x37d: {  	v12 =	vand.u32 $0x8000, v45;
	[tilespmem:v40+s9+$0x0] =	vst.idx.add.f32.msk vm14, v2;
	v46 =	vshll.u32 v44, $0x4;
	vm4 =	vgt.s32 v17, $0x0  }
0x37e: {  	vm5 =	vgt.f32 v7, $0.0e+00;
	[tilespmem:v6+s9+$0x0] =	vst.idx.add.f32.msk vm14, v5;
	v5 =	vor.u32 v12, v46;
	v6 =	vnsel vm4, $0x0, v17  }
0x37f: {  	v8 =	vshll.u32 v8, $0xF;
	v7 =	vld [tilespmem:s16+$0xCD0];
	v12 =	vor.u32 v0, v5;
	v6 =	vmin.u32 v6, $0x3FF  }
0x380: {  	v8 =	vand.u32 $0x8000, v8;
	v5 =	vor.u32 v3, v5;
	v47 =	vshll.u32 v6, $0x4  }
0x381: {  	vm6 =	vgt.f32 v39, $0.0e+00;
	v11 =	vcvt.s32.f32 v44;
	v8 =	vor.u32 v8, v47  }
0x382: {  	v49 =	vor.u32 v0, v8  }
0x383: {  	v43 =	vand.u32 $0xFFFFFFFE, v10;
	v9 =	vsub.f32 v36, v11;
	v8 =	vor.u32 v3, v8  }
0x384: {  	v48 =	vmul.f32 v43, v4;
	v6 =	vcvt.s32.f32 v6;
	v51 =	vand.u32 $0xFFFFFFFE, v7;
	[tilespmem:v12+s9+$0x0] =	vst.idx.add.f32.msk vm5, v2  }
0x385: {  	v52 =	vmul.f32 v51, v4;
	[tilespmem:v5+s9+$0x0] =	vst.idx.add.f32.msk vm5, v9  }
0x386: {  	v50 =	vtrunc.f32 v48;
	v6 =	vsub.f32 v41, v6;
	v5 =	vld [tilespmem:s16+$0xD50]  }
0x387: {  	v11 =	vcvt.f32.s32 v50;
	v53 =	vtrunc.f32 v52;
	[tilespmem:v49+s9+$0x0] =	vst.idx.add.f32.msk vm6, v2  }
0x388: {  	v9 =	vcvt.f32.s32 v53;
	[tilespmem:v8+s9+$0x0] =	vst.idx.add.f32.msk vm6, v6  }
0x389: {  	vm7 =	vgt.s32 v11, $0x0;
	v8 =	vld [tilespmem:s16+$0xDD0]  }
0x38a: {  	v10 =	vshll.u32 v10, $0xF;
	v11 =	vnsel vm7, $0x0, v11;
	vm8 =	vgt.s32 v9, $0x0  }
0x38b: {  	v7 =	vshll.u32 v7, $0xF;
	v9 =	vnsel vm8, $0x0, v9;
	v54 =	vand.u32 $0xFFFFFFFE, v5  }
0x38c: {  	vm9 =	vgt.f32 v51, $0.0e+00;
	v9 =	vmin.u32 v9, $0x3FF;
	v55 =	vmul.f32 v54, v4  }
0x38d: {  	v7 =	vand.u32 $0x8000, v7;
	v6 =	vmin.u32 v11, $0x3FF;
	v56 =	vshll.u32 v9, $0x4  }
0x38e: {  	v7 =	vor.u32 v7, v56;
	v57 =	vtrunc.f32 v55;
	v58 =	vand.u32 $0xFFFFFFFE, v8  }
0x38f: {  	v59 =	vor.u32 v0, v7;
	v15 =	vcvt.f32.s32 v57;
	v60 =	vmul.f32 v58, v4  }
0x390: {  	v10 =	vand.u32 $0x8000, v10;
	v11 =	vshll.u32 v6, $0x4;
	v7 =	vor.u32 v3, v7  }
0x391: {  	v9 =	vcvt.s32.f32 v9;
	vm11 =	vgt.s32 v15, $0x0;
	v61 =	vtrunc.f32 v60  }
0x392: {  	v10 =	vor.u32 v10, v11;
	v15 =	vnsel vm11, $0x0, v15;
	v11 =	vcvt.f32.s32 v61  }
0x393: {  	v5 =	vshll.u32 v5, $0xF;
	v9 =	vsub.f32 v52, v9;
	v63 =	vmin.u32 v15, $0x3FF  }
0x394: {  	v5 =	vand.u32 $0x8000, v5;
	[tilespmem:v59+s9+$0x0] =	vst.idx.add.f32.msk vm9, v2;
	v15 =	vshll.u32 v63, $0x4;
	vm12 =	vgt.s32 v11, $0x0  }
0x395: {  	vm13 =	vgt.f32 v54, $0.0e+00;
	[tilespmem:v7+s9+$0x0] =	vst.idx.add.f32.msk vm9, v9;
	v5 =	vor.u32 v5, v15;
	v7 =	vnsel vm12, $0x0, v11  }
0x396: {  	v8 =	vshll.u32 v8, $0xF;
	v19 =	vor.u32 v0, v5;
	v7 =	vmin.u32 v7, $0x3FF  }
0x397: {  	v8 =	vand.u32 $0x8000, v8;
	v5 =	vor.u32 v3, v5;
	v21 =	vshll.u32 v7, $0x4  }
0x398: {  	vm14 =	vgt.f32 v58, $0.0e+00;
	v12 =	vcvt.s32.f32 v63;
	v9 =	vld [tilespmem:s16+$0xCE0];
	v8 =	vor.u32 v8, v21  }
0x399: {  	v14 =	vor.u32 v0, v8  }
0x39a: {  	v12 =	vsub.f32 v55, v12;
	v8 =	vor.u32 v3, v8  }
0x39b: {  	v7 =	vcvt.s32.f32 v7;
	[tilespmem:v19+s9+$0x0] =	vst.idx.add.f32.msk vm13, v2  }
0x39c: {  	[tilespmem:v5+s9+$0x0] =	vst.idx.add.f32.msk vm13, v12  }
0x39d: {  	v7 =	vsub.f32 v60, v7;
	v22 =	vand.u32 $0xFFFFFFFE, v9;
	v5 =	vcvt.s32.f32 v6;
	v6 =	vld [tilespmem:s16+$0xD60]  }
0x39e: {  	v23 =	vmul.f32 v22, v4;
	[tilespmem:v14+s9+$0x0] =	vst.idx.add.f32.msk vm14, v2  }
0x39f: {  	[tilespmem:v8+s9+$0x0] =	vst.idx.add.f32.msk vm14, v7  }
0x3a0: {  	v24 =	vtrunc.f32 v23;
	v7 =	vld [tilespmem:s16+$0xDE0]  }
0x3a1: {  	vm10 =	vgt.f32 v43, $0.0e+00;
	v12 =	vcvt.f32.s32 v24  }
0x3a2: {  	v62 =	vor.u32 v0, v10;
	v10 =	vor.u32 v3, v10;
	v26 =	vand.u32 $0xFFFFFFFE, v6  }
0x3a3: {  	v9 =	vshll.u32 v9, $0xF;
	vm15 =	vgt.s32 v12, $0x0;
	v27 =	vmul.f32 v26, v4  }
0x3a4: {  	vm4 =	vgt.f32 v22, $0.0e+00;
	v9 =	vand.u32 $0x8000, v9;
	v25 =	vnsel vm15, $0x0, v12  }
0x3a5: {  	v8 =	vmin.u32 v25, $0x3FF;
	v29 =	vtrunc.f32 v27;
	v30 =	vand.u32 $0xFFFFFFFE, v7  }
0x3a6: {  	v28 =	vshll.u32 v8, $0x4;
	v31 =	vcvt.f32.s32 v29;
	v32 =	vmul.f32 v30, v4  }
0x3a7: {  	v5 =	vsub.f32 v48, v5;
	v6 =	vshll.u32 v6, $0xF;
	v9 =	vor.u32 v9, v28  }
0x3a8: {  	v34 =	vor.u32 v0, v9;
	vm5 =	vgt.s32 v31, $0x0;
	v35 =	vtrunc.f32 v32  }
0x3a9: {  	[tilespmem:v62+s9+$0x0] =	vst.idx.add.f32.msk vm10, v2;
	v9 =	vor.u32 v3, v9;
	v13 =	vnsel vm5, $0x0, v31;
	v18 =	vcvt.f32.s32 v35  }
0x3aa: {  	[tilespmem:v10+s9+$0x0] =	vst.idx.add.f32.msk vm10, v5;
	v6 =	vand.u32 $0x8000, v6;
	v8 =	vcvt.s32.f32 v8;
	v37 =	vmin.u32 v13, $0x3FF  }
0x3ab: {  	v5 =	vld [tilespmem:s16+$0xC70];
	vm7 =	vgt.f32 v26, $0.0e+00;
	v13 =	vshll.u32 v37, $0x4;
	vm6 =	vgt.s32 v18, $0x0  }
0x3ac: {  	v8 =	vsub.f32 v23, v8;
	v6 =	vor.u32 v6, v13;
	v38 =	vnsel vm6, $0x0, v18  }
0x3ad: {  	v7 =	vshll.u32 v7, $0xF;
	[tilespmem:v34+s9+$0x0] =	vst.idx.add.f32.msk vm4, v2;
	v39 =	vor.u32 v0, v6;
	v40 =	vmin.u32 v38, $0x3FF  }
0x3ae: {  	v7 =	vand.u32 $0x8000, v7;
	[tilespmem:v9+s9+$0x0] =	vst.idx.add.f32.msk vm4, v8;
	v6 =	vor.u32 v3, v6;
	v42 =	vshll.u32 v40, $0x4  }
0x3af: {  	vm8 =	vgt.f32 v30, $0.0e+00;
	v11 =	vcvt.s32.f32 v37;
	v41 =	vld [tilespmem:s16+$0xCF0];
	v7 =	vor.u32 v7, v42  }
0x3b0: {  	v33 =	vand.u32 $0xFFFFFFFE, v5;
	v44 =	vor.u32 v0, v7  }
0x3b1: {  	v36 =	vmul.f32 v33, v4;
	v11 =	vsub.f32 v27, v11;
	v7 =	vor.u32 v3, v7  }
0x3b2: {  	v45 =	vcvt.s32.f32 v40;
	[tilespmem:v39+s9+$0x0] =	vst.idx.add.f32.msk vm7, v2  }
0x3b3: {  	v43 =	vtrunc.f32 v36;
	[tilespmem:v6+s9+$0x0] =	vst.idx.add.f32.msk vm7, v11  }
0x3b4: {  	v13 =	vcvt.f32.s32 v43;
	v8 =	vsub.f32 v32, v45;
	v46 =	vand.u32 $0xFFFFFFFE, v41;
	v48 =	vld [tilespmem:s16+$0xD70]  }
0x3b5: {  	v5 =	vshll.u32 v5, $0xF;
	v47 =	vmul.f32 v46, v4;
	[tilespmem:v44+s9+$0x0] =	vst.idx.add.f32.msk vm8, v2  }
0x3b6: {  	v5 =	vand.u32 $0x8000, v5;
	vm9 =	vgt.s32 v13, $0x0;
	[tilespmem:v7+s9+$0x0] =	vst.idx.add.f32.msk vm8, v8  }
0x3b7: {  	vm11 =	vgt.f32 v33, $0.0e+00;
	v6 =	vnsel vm9, $0x0, v13;
	v50 =	vtrunc.f32 v47;
	v8 =	vld [tilespmem:s16+$0xDF0]  }
0x3b8: {  	v57 =	vshll.u32 v41, $0xF;
	v6 =	vmin.u32 v6, $0x3FF;
	v7 =	vcvt.f32.s32 v50  }
0x3b9: {  	vm12 =	vgt.f32 v46, $0.0e+00;
	v9 =	vand.u32 $0x8000, v57;
	v49 =	vcvt.s32.f32 v6  }
0x3ba: {  	v6 =	vshll.u32 v6, $0x4;
	vm10 =	vgt.s32 v7, $0x0;
	v51 =	vand.u32 $0xFFFFFFFE, v48  }
0x3bb: {  	v5 =	vor.u32 v5, v6;
	v6 =	vnsel vm10, $0x0, v7;
	v7 =	vmul.f32 v51, v4  }
0x3bc: {  	v13 =	vsub.f32 v36, v49;
	v52 =	vor.u32 v0, v5;
	v55 =	vand.u32 $0xFFFFFFFE, v8  }
0x3bd: {  	v5 =	vor.u32 v3, v5;
	v54 =	vtrunc.f32 v7;
	v56 =	vmul.f32 v55, v4  }
0x3be: {  	v12 =	vshll.u32 v48, $0xF;
	v6 =	vmin.u32 v6, $0x3FF;
	v17 =	vcvt.f32.s32 v54  }
0x3bf: {  	vm14 =	vgt.f32 v51, $0.0e+00;
	v53 =	vcvt.s32.f32 v6;
	v58 =	vtrunc.f32 v56  }
0x3c0: {  	v6 =	vshll.u32 v6, $0x4;
	vm13 =	vgt.s32 v17, $0x0;
	v10 =	vcvt.f32.s32 v58  }
0x3c1: {  	v12 =	vand.u32 $0x8000, v12;
	v6 =	vor.u32 v9, v6;
	v59 =	vnsel vm13, $0x0, v17  }
0x3c2: {  	v8 =	vshll.u32 v8, $0xF;
	v9 =	vmin.u32 v59, $0x3FF;
	vm3 =	vgt.s32 v10, $0x0  }
0x3c3: {  	v60 =	vor.u32 v0, v6;
	v61 =	vshll.u32 v9, $0x4;
	v10 =	vnsel vm3, $0x0, v10  }
0x3c4: {  	v6 =	vor.u32 v3, v6;
	v12 =	vor.u32 v12, v61;
	v10 =	vmin.u32 v10, $0x3FF  }
0x3c5: {  	v8 =	vand.u32 $0x8000, v8;
	v14 =	vor.u32 v0, v12;
	v62 =	vshll.u32 v10, $0x4  }
0x3c6: {  	[tilespmem:v52+s9+$0x0] =	vst.idx.add.f32.msk vm11, v2;
	vm15 =	vgt.f32 v55, $0.0e+00;
	v12 =	vor.u32 v3, v12;
	v8 =	vor.u32 v8, v62  }
0x3c7: {  	s13 =	sadd.s32 $0x4, s13;
	[tilespmem:v5+s9+$0x0] =	vst.idx.add.f32.msk vm11, v13;
	v5 =	vsub.f32 v47, v53;
	v9 =	vcvt.s32.f32 v9;
	v63 =	vor.u32 v0, v8  }
0x3c8: {  	p0 =	slt.u32 s13, $0x1C;
	[tilespmem:v60+s9+$0x0] =	vst.idx.add.f32.msk vm12, v2;
	v8 =	vor.u32 v3, v8  }
.Ltmp1:
0x3c9: {  	[tilespmem:v6+s9+$0x0] =	vst.idx.add.f32.msk vm12, v5;
	v5 =	vsub.f32 v7, v9;
	v6 =	vcvt.s32.f32 v10;
	(pc) =	sbr.rel @p0 .LBB2_6-.Ltmp1, $4  }
0x3ca: {  	[tilespmem:v14+s9+$0x0] =	vst.idx.add.f32.msk vm14, v2  }
0x3cb: {  	[tilespmem:v12+s9+$0x0] =	vst.idx.add.f32.msk vm14, v5;
	v5 =	vsub.f32 v56, v6  }
0x3cc: {  	[tilespmem:v63+s9+$0x0] =	vst.idx.add.f32.msk vm15, v2  }
0x3cd: {  	s15 =	sadd.s32 $0x200, s15;
	s14 =	sadd.s32 $0x800, s14;
	[tilespmem:v8+s9+$0x0] =	vst.idx.add.f32.msk vm15, v5  }
0x3ce: {  	p0 =	seq.s32 s11, $0x10  }
.Ltmp2:
0x3cf: {  	_ = 	snop;
	(pc) =	sbr.rel @!p0 .LBB2_5-.Ltmp2, $1  }
0x3d0: {  	_ =	sdelay $0x3  }
0x3d1: {  	s10 =	sadd.s32 $0x1, s10  }
0x3d2: {  	p0 =	sne.s32 s10, s6  }
.Ltmp3:
0x3d3: {  	_ = 	snop;
	(pc) =	sbr.rel @p0 .LBB2_1-.Ltmp3, $4  }
0x3d4: {  	[hbm4b:s5+s2] =	stream.linear.scatter [tilespmem:s9], [sflag:$0x3], $0x10000, $0x38;
	[tilespmem:$0x18080] =	vst v63  }
0x3d5: {  	_ =	swait.ge [sflag:s8], $0x10000  }
0x3d6: {  	[sflag:s8] =	ssyncset.done $0x0  }
0x3d7: {  	[sflag:s8] =	ssyncadd.s32 $0xFFFF0000  }
0x3d8: {  	_ =	sfence.sel $0x180000  }
0x3d9: {  	[bflag:$0x0] =	sbarrier.arrive $0xFFFF  }
0x3da: {  	p0 =	sne.s32 s0, $0x0;
	_ =	strace $0x90000047  }
0x3db: {  	s0 =	sadd.s32 @!p0 $0x100000, s1;
	[bflag:$0x2] =	sbarrier.arrive $0xFFFF  }
0x3dc: {  	[sflag:s0] =	ssyncadd.tile.s32 @!p0 $0x1;
	_ =	shalt  }
.Lfunc_end2:
_tile_overlayer_lowered:
.L_overlay_start_2:
0x3dd: {  	(tag) =	ssettag $0x2  }
0x3de: {  	s0 =	rddreg [dreg:$0x0];
	s2 =	stileid.u32  }
0x3df: {  	s1 =	rddreg [dreg:$0x1];
	p0 =	sne.s32 s2, $0x0  }
0x3e0: {  	s3 =	rddreg [dreg:$0x2];
	[bflag:$0x3] =	sbarrier.arrive $0xFFFF;
	s2 =	simm.s32 @!p0 $0x1C03  }
0x3e1: {  	[timem:s3], [sflag:s2] =	dma.local @!p0 [hbm:s0], s1  }
0x3e2: {  	s0 =	simm.s32 @!p0 $0x3  }
0x3e3: {  	_ =	swait.ge @!p0 [sflag:s0], s1  }
0x3e4: {  	s1 =	ssub.s32 @!p0 $0x0, s1;
	[sflag:s0] =	ssyncset.done @!p0 $0x0  }
0x3e5: {  	[sflag:s0] =	ssyncadd.s32 @!p0 s1  }
0x3e6: {  	[bflag:$0x3] =	sbarrier.arrive $0xFFFF  }
0x3e7: {  	_ =	shalt  }

</sc_bundles>
